<compile_context>
chip_gen: v7x
topology: tpu7x:2x2x1
jax: 0.10.2.dev20260603
libtpu: 0.0.44.dev20260713+nightly
codegen_flags: <defaults>
</compile_context>

<pallas_src>
import functools

import jax
import jax.numpy as jnp
from jax import lax
from jax.experimental import pallas as pl
from jax.experimental.pallas import tpu as pltpu
from jax.experimental.pallas import tpu_sc as plsc

F32 = jnp.float32

_B, _N, _F, _K, _CF, _E = 8, 10000, 128, 8, 16, 320000
_NPAD = 10048
_NPV = _NPAD // 8
_NW = 32
_GRP = 128
_GP = 80
_EPAD = _NW * _GP * _GRP
_KG = 4
_NCH = _GP // _KG


def _sc_mesh():
    return plsc.VectorSubcoreMesh(core_axis_name="c", subcore_axis_name="s")


_SC_PARAMS = pltpu.CompilerParams(use_tc_tiling_on_sc=False)


def _sc_deg(dstp, ones_g, zeros_np):
    @functools.partial(
        pl.kernel,
        out_type=jax.ShapeDtypeStruct((2, _NPAD, 16), F32),
        mesh=_sc_mesh(),
        compiler_params=_SC_PARAMS,
        scratch_types=[
            pltpu.VMEM((_GP, _GRP), jnp.int32),
            pltpu.VMEM((_GRP, 16), F32),
            pltpu.VMEM_SHARED((_NPAD, 16), F32),
            pltpu.SemaphoreType.DMA,
        ],
    )
    def k(dst_hbm, ones_hbm, zeros_hbm, out_hbm, didx_v, ones_v, shared,
          ssem):
        cid = lax.axis_index("c")
        sid = lax.axis_index("s")
        wid = sid * 2 + cid
        pltpu.sync_copy(dst_hbm.at[wid], didx_v)
        pltpu.sync_copy(ones_hbm, ones_v)

        @pl.when(sid == 0)
        def _():
            pltpu.sync_copy(zeros_hbm, shared)

        plsc.subcore_barrier()

        def issue(j, carry):
            pltpu.async_copy(ones_v, shared.at[didx_v.at[j]], ssem,
                             add=True)
            return carry

        lax.fori_loop(0, _GP, issue, 0)

        def drain(j, carry):
            pltpu.make_async_copy(ones_hbm, ones_v, ssem).wait()
            return carry

        lax.fori_loop(0, _GP, drain, 0)
        plsc.subcore_barrier()

        @pl.when(sid == 0)
        def _():
            pltpu.sync_copy(shared, out_hbm.at[cid])

    return k(dstp, ones_g, zeros_np)


def _sc_agg(g, srcp, dstp, zeros_np):
    @functools.partial(
        pl.kernel,
        out_type=jax.ShapeDtypeStruct((2, _NPAD, 16), F32),
        mesh=_sc_mesh(),
        compiler_params=_SC_PARAMS,
        scratch_types=[
            pltpu.VMEM((_GP, _GRP), jnp.int32),
            pltpu.VMEM((_GP, _GRP), jnp.int32),
            pltpu.VMEM((2, _KG * _GRP, 16), F32),
            pltpu.VMEM_SHARED((_NPAD, 16), F32),
            pltpu.SemaphoreType.DMA,
            pltpu.SemaphoreType.DMA,
        ],
    )
    def k(g_hbm, src_hbm, dst_hbm, zeros_hbm, out_hbm,
          sidx_v, didx_v, buf, shared, gsem, ssem):
        cid = lax.axis_index("c")
        sid = lax.axis_index("s")
        wid = sid * 2 + cid
        pltpu.sync_copy(src_hbm.at[wid], sidx_v)
        pltpu.sync_copy(dst_hbm.at[wid], didx_v)

        @pl.when(sid == 0)
        def _():
            pltpu.sync_copy(zeros_hbm, shared)

        plsc.subcore_barrier()

        for gi in range(_KG):
            pltpu.async_copy(g_hbm.at[sidx_v.at[gi]],
                             buf.at[0, pl.ds(gi * _GRP, _GRP)], gsem)

        def chunk(c, carry):
            s = lax.rem(c, 2)
            for gi in range(_KG):
                pltpu.make_async_copy(
                    g_hbm.at[pl.ds(0, _GRP)],
                    buf.at[s, pl.ds(gi * _GRP, _GRP)], gsem).wait()

            @pl.when(c >= 1)
            def _():
                for gi in range(_KG):
                    pltpu.make_async_copy(
                        g_hbm.at[pl.ds(0, _GRP)],
                        buf.at[1 - s, pl.ds(gi * _GRP, _GRP)], ssem).wait()

            @pl.when(c < _NCH - 1)
            def _():
                for gi in range(_KG):
                    pltpu.async_copy(
                        g_hbm.at[sidx_v.at[(c + 1) * _KG + gi]],
                        buf.at[1 - s, pl.ds(gi * _GRP, _GRP)], gsem)

            for gi in range(_KG):
                pltpu.async_copy(
                    buf.at[s, pl.ds(gi * _GRP, _GRP)],
                    shared.at[didx_v.at[c * _KG + gi]], ssem, add=True)
            return carry

        lax.fori_loop(0, _NCH, chunk, 0)

        for gi in range(_KG):
            pltpu.make_async_copy(
                g_hbm.at[pl.ds(0, _GRP)],
                buf.at[(_NCH - 1) % 2, pl.ds(gi * _GRP, _GRP)],
                ssem).wait()

        plsc.subcore_barrier()

        @pl.when(sid == 0)
        def _():
            pltpu.sync_copy(shared, out_hbm.at[cid])

    return k(g, srcp, dstp, zeros_np)


def _tc_a1prep(xv, wbig1, degpv):
    def body(x_ref, w_ref, d_ref, dinv_ref, g1_ref, p0_ref):
        p0 = jnp.dot(x_ref[...], w_ref[...], preferred_element_type=F32)
        cnt = d_ref[0] + d_ref[1]
        deg = cnt * float(_B) + 1.0
        dinv = lax.rsqrt(deg)
        dinv_ref[...] = dinv
        g1_ref[...] = p0 * dinv
        p0_ref[...] = p0

    return pl.pallas_call(
        body,
        grid=(1,),
        in_specs=[
            pl.BlockSpec((_NPV, 1024), lambda i: (0, 0)),
            pl.BlockSpec((1024, 128), lambda i: (0, 0)),
            pl.BlockSpec((2, _NPV, 128), lambda i: (0, 0, 0)),
        ],
        out_specs=(pl.BlockSpec((_NPV, 128), lambda i: (0, 0)),
                   pl.BlockSpec((_NPV, 128), lambda i: (0, 0)),
                   pl.BlockSpec((_NPV, 128), lambda i: (0, 0))),
        out_shape=(jax.ShapeDtypeStruct((_NPV, 128), F32),
                   jax.ShapeDtypeStruct((_NPV, 128), F32),
                   jax.ShapeDtypeStruct((_NPV, 128), F32)),
    )(xv, wbig1, degpv)


def _tc_comb1(s1pv, p0v, dinvv, b1v, w2big):
    def body(s_ref, p_ref, dinv_ref, b1_ref, w2_ref, q0_ref, g2_ref):
        dinv = dinv_ref[...]
        s = s_ref[0] + s_ref[1]
        h1 = jnp.maximum(
            s * (dinv * float(_B)) + dinv * dinv * p_ref[...] + b1_ref[...],
            0.0)
        q0 = jnp.dot(h1, w2_ref[...], preferred_element_type=F32)
        q0_ref[...] = q0
        g2_ref[...] = q0 * dinv

    return pl.pallas_call(
        body,
        out_shape=(jax.ShapeDtypeStruct((_NPV, 128), F32),
                   jax.ShapeDtypeStruct((_NPV, 128), F32)))(
            s1pv, p0v, dinvv, b1v, w2big)


def _tc_comb2(s2pv, q0v, dinvv, b2v, k2t, bfcr):
    def body(s_ref, q_ref, dinv_ref, b2_ref, kt_ref, bfc_ref, o_ref):
        dinv = dinv_ref[...]
        s = s_ref[0] + s_ref[1]
        h2 = jnp.maximum(
            s * (dinv * float(_B)) + dinv * dinv * q_ref[...] + b2_ref[...],
            0.0)
        o_ref[...] = lax.dot_general(
            kt_ref[...], h2, (((1,), (1,)), ((), ())),
            preferred_element_type=F32) + bfc_ref[...]

    return pl.pallas_call(
        body,
        out_shape=jax.ShapeDtypeStruct((8, _NPV), F32))(
            s2pv, q0v, dinvv, b2v, k2t, bfcr)


_RBLK = 2000


def _tc_mlp_rest(xall, w1, b1r, w2, b2r, wfct, bfcr):
    nblk = (_B - 1) * _N // _RBLK
    off = _N // _RBLK

    def body(x_ref, w1_ref, b1_ref, w2_ref, b2_ref, wt_ref, bfc_ref, o_ref):
        p = jnp.dot(x_ref[...], w1_ref[...], preferred_element_type=F32)
        h1 = jnp.maximum(p + b1_ref[...], 0.0)
        h2 = jnp.maximum(
            jnp.dot(h1, w2_ref[...], preferred_element_type=F32)
            + b2_ref[...], 0.0)
        o_ref[0] = lax.dot_general(
            wt_ref[...], h2, (((1,), (1,)), ((), ())),
            preferred_element_type=F32) + bfc_ref[...]

    return pl.pallas_call(
        body,
        grid=(nblk,),
        in_specs=[
            pl.BlockSpec((_RBLK, _F), lambda i: (i + off, 0)),
            pl.BlockSpec((_F, 16), lambda i: (0, 0)),
            pl.BlockSpec((1, 16), lambda i: (0, 0)),
            pl.BlockSpec((16, 16), lambda i: (0, 0)),
            pl.BlockSpec((1, 16), lambda i: (0, 0)),
            pl.BlockSpec((1, 16), lambda i: (0, 0)),
            pl.BlockSpec((1, 1), lambda i: (0, 0)),
        ],
        out_specs=pl.BlockSpec((1, 1, _RBLK), lambda i: (i, 0, 0)),
        out_shape=jax.ShapeDtypeStruct((nblk, 1, _RBLK), F32),
    )(xall, w1, b1r, w2, b2r, wfct, bfcr)


def _tc_col(colt, bd1t, bc1c, bd2t, bc2r):
    def body(c_ref, bd1_ref, bc1_ref, bd2t_ref, bc2_ref, o_ref):
        h = jnp.maximum(
            jnp.dot(bd1_ref[...], c_ref[0], preferred_element_type=F32)
            + bc1_ref[...], 0.0)
        ch = jnp.dot(bd2t_ref[...], h, preferred_element_type=F32) \
            + bc2_ref[...]
        m = jnp.max(ch, axis=0, keepdims=True)
        e = jnp.exp(ch - m)
        probs = e / jnp.sum(e, axis=0, keepdims=True)
        a = probs.reshape(_K, _N // 16, 16)
        o_ref[0] = jnp.transpose(a, (1, 2, 0)).reshape(_N // 16, 16 * _K)

    kcf = _K * _CF
    return pl.pallas_call(
        body,
        grid=(_B,),
        in_specs=[
            pl.BlockSpec((1, kcf, _N), lambda i: (i, 0, 0)),
            pl.BlockSpec((kcf, kcf), lambda i: (0, 0)),
            pl.BlockSpec((kcf, 1), lambda i: (0, 0)),
            pl.BlockSpec((_K, kcf), lambda i: (0, 0)),
            pl.BlockSpec((1, 1), lambda i: (0, 0)),
        ],
        out_specs=pl.BlockSpec((1, _N // 16, 16 * _K), lambda i: (i, 0, 0)),
        out_shape=jax.ShapeDtypeStruct((_B, _N // 16, 16 * _K), F32),
    )(colt, bd1t, bc1c, bd2t, bc2r)


def _softprod_body(no_ref, c_ref, o_ref):
    x = no_ref[0]
    m = jnp.max(x)
    e = jnp.exp(x - m)
    p = e / jnp.sum(e)
    pr = jnp.broadcast_to(p[:, :, None], (_N // 16, 16, _K))
    o_ref[0] = c_ref[0] * pr.reshape(_N // 16, 16 * _K)


def _tc_softprod_rest(node_out_rest, colp):
    body = _softprod_body
    return pl.pallas_call(
        body,
        grid=(_B - 1,),
        in_specs=[
            pl.BlockSpec((1, _N // 16, 16), lambda i: (i, 0, 0)),
            pl.BlockSpec((1, _N // 16, 16 * _K), lambda i: (i + 1, 0, 0)),
        ],
        out_specs=pl.BlockSpec((1, _N // 16, 16 * _K),
                               lambda i: (i + 1, 0, 0)),
        out_shape=jax.ShapeDtypeStruct((_B, _N // 16, 16 * _K), F32),
    )(node_out_rest, colp)


def _tc_softprod0(node0v, colp, prev):
    def body(no_ref, c_ref, p_ref, o_ref):
        x = no_ref[0]
        m = jnp.max(x)
        e = jnp.exp(x - m)
        p = e / jnp.sum(e)
        pr = jnp.broadcast_to(p[:, :, None], (_N // 16, 16, _K))
        o_ref[0] = c_ref[0] * pr.reshape(_N // 16, 16 * _K)

    return pl.pallas_call(
        body,
        grid=(1,),
        in_specs=[
            pl.BlockSpec((1, _N // 16, 16), lambda i: (0, 0, 0)),
            pl.BlockSpec((1, _N // 16, 16 * _K), lambda i: (0, 0, 0)),
            pl.BlockSpec((1, _N // 16, 16 * _K), lambda i: (0, 0, 0)),
        ],
        out_specs=pl.BlockSpec((1, _N // 16, 16 * _K), lambda i: (0, 0, 0)),
        out_shape=jax.ShapeDtypeStruct((_B, _N // 16, 16 * _K), F32),
        input_output_aliases={2: 0},
    )(node0v, colp, prev)


def kernel(node_features, col_features, edge_index, W1, b1, W2, b2,
           Wfc, bfc, Wc1, bc1, Wc2, bc2):
    b, n, f = node_features.shape
    assert (b, n, f) == (_B, _N, _F)
    e = edge_index.shape[1]
    assert e == _E

    xall = node_features.reshape(b * n, f)
    xv0 = jnp.pad(node_features[0].reshape(n // 8, 8 * f),
                  ((0, _NPV - n // 8), (0, 0)))
    colt = col_features.transpose(0, 2, 3, 1).reshape(b, _K * _CF, n)

    pad_e = _EPAD - _E
    srcp = jnp.concatenate(
        [edge_index[0], jnp.zeros((pad_e,), edge_index.dtype)]
    ).reshape(_NW, _GP, _GRP)
    dstp = jnp.concatenate(
        [edge_index[1], jnp.full((pad_e,), _N, edge_index.dtype)]
    ).reshape(_NW, _GP, _GRP)

    ones_g = jnp.ones((_GRP, 16), F32)
    zeros_np = jnp.zeros((_NPAD, 16), F32)

    eye_k = jnp.eye(8, dtype=F32)
    wbig1 = jnp.kron(eye_k, W1)
    w2big = jnp.kron(eye_k, W2)
    k2t = jnp.kron(eye_k, Wfc.reshape(16, 1).T)
    b1v = jnp.tile(b1, 8).reshape(1, 128)
    b2v = jnp.tile(b2, 8).reshape(1, 128)
    b1r = b1.reshape(1, 16)
    b2r = b2.reshape(1, 16)
    wfct = Wfc.reshape(16, 1).T
    bfcr = bfc.reshape(1, 1)
    bd1t = jnp.kron(eye_k, Wc1.T)
    bd2t = jnp.kron(eye_k, Wc2).T
    bc1c = jnp.tile(bc1, _K).reshape(_K * _CF, 1)
    bc2r = bc2.reshape(1, 1)

    nor = _tc_mlp_rest(xall, W1, b1r, W2, b2r, wfct, bfcr)
    colp = _tc_col(colt, bd1t, bc1c, bd2t, bc2r)
    nor_v = nor.reshape(b - 1, n // 16, 16)
    out7 = _tc_softprod_rest(nor_v, colp)

    degp = _sc_deg(dstp, ones_g, zeros_np)
    degpv = degp.reshape(2, _NPV, 128)
    dinvv, g1v, p0v = _tc_a1prep(xv0, wbig1, degpv)
    s1p = _sc_agg(g1v.reshape(_NPAD, 16), srcp, dstp, zeros_np)
    b1v_d = b1v + nor[0:1, 0:1, 0] * 0.0
    q0v, g2v = _tc_comb1(s1p.reshape(2, _NPV, 128), p0v, dinvv, b1v_d,
                         w2big)
    s2p = _sc_agg(g2v.reshape(_NPAD, 16), srcp, dstp, zeros_np)
    b2v_d = b2v + out7[1:2, 0:1, 0] * 0.0
    no8 = _tc_comb2(s2p.reshape(2, _NPV, 128), q0v, dinvv, b2v_d, k2t,
                    bfcr)
    node0v = no8.T.reshape(1, _NPAD)[:, :_N].reshape(1, n // 16, 16)

    out3 = _tc_softprod0(node0v, colp, out7)
    return out3.reshape(b, n * _K)

# --- scband reference (transcript-rebuilt; emitter-appended) ---
"""Pipeline reference for scband-actor-network-38611755991584 (READ-ONLY COPY).

The authoritative reference and input builder live on the scoring server;
editing this copy changes nothing except your own understanding.
"""

import jax, jax.numpy as jnp
import numpy as np

B, N, F, K, CF, E = 8, 10000, 128, 8, 16, 320000


def setup_inputs(seed: int = 0):
    key = jax.random.key(seed)
    ks = jax.random.split(key, 12)
    inp = {}
    inp['node_features'] = jax.random.normal(ks[0], (B, N, F), dtype=jnp.float32)
    inp['col_features'] = jax.random.normal(ks[1], (B, N, K, CF), dtype=jnp.float32)
    inp['edge_index'] = jax.random.randint(ks[2], (2, E), 0, N, dtype=jnp.int32)
    inp['W1'] = jax.random.normal(ks[3], (F, 16), dtype=jnp.float32) * 0.05
    inp['b1'] = jnp.zeros((16,), dtype=jnp.float32)
    inp['W2'] = jax.random.normal(ks[4], (16, 16), dtype=jnp.float32) * 0.05
    inp['b2'] = jnp.zeros((16,), dtype=jnp.float32)
    inp['Wfc'] = jax.random.normal(ks[5], (16, 1), dtype=jnp.float32) * 0.05
    inp['bfc'] = jnp.zeros((1,), dtype=jnp.float32)
    inp['Wc1'] = jax.random.normal(ks[6], (CF, 16), dtype=jnp.float32) * 0.05
    inp['bc1'] = jnp.zeros((16,), dtype=jnp.float32)
    inp['Wc2'] = jax.random.normal(ks[7], (16, 1), dtype=jnp.float32) * 0.05
    inp['bc2'] = jnp.zeros((1,), dtype=jnp.float32)
    return inp


def reference(node_features, col_features, edge_index, W1, b1, W2, b2, Wfc, bfc, Wc1, bc1, Wc2, bc2):
    b, n, f = node_features.shape
    e = edge_index.shape[1]
    x = node_features.reshape(-1, f)
    # faithful to torch: edge_index.expand(B, 2, E).reshape(2, -1)
    ei = jnp.broadcast_to(edge_index[None, :, :], (b, 2, e)).reshape(2, -1)
    num_nodes = b * n
    loops = jnp.arange(num_nodes, dtype=ei.dtype)
    src = jnp.concatenate([ei[0], loops])
    dst = jnp.concatenate([ei[1], loops])
    ones = jnp.ones(src.shape[0], dtype=x.dtype)
    deg = jax.ops.segment_sum(ones, dst, num_segments=num_nodes)
    dinv = jnp.where(deg > 0, jax.lax.rsqrt(jnp.maximum(deg, 1e-12)), 0.0)
    norm = dinv[src] * dinv[dst]

    def gcn(h_in, W, bias):
        h = h_in @ W
        msg = h[src] * norm[:, None]
        return jax.ops.segment_sum(msg, dst, num_segments=num_nodes) + bias

    h = jax.nn.relu(gcn(x, W1, b1))
    h = jax.nn.relu(gcn(h, W2, b2))
    h = h.reshape(b, n, -1)
    node_out = h @ Wfc + bfc  # [B, N, 1]
    node_probs = jax.nn.softmax(node_out, axis=1)[..., 0]  # [B, N]
    ch = jax.nn.relu(col_features @ Wc1 + bc1) @ Wc2 + bc2  # [B, N, K, 1]
    col_probs = jax.nn.softmax(ch, axis=2)[..., 0]  # [B, N, K]
    prod = jnp.swapaxes(col_probs, -1, -2) * node_probs[:, None, :]  # [B, K, N]
    logits = jnp.swapaxes(prod, -1, -2).reshape(b, -1)  # [B, N*K]
    return logits

if __name__ == "__main__":
    import jax
    _d = setup_inputs()
    print(jax.jit(kernel)(*tuple(_d.values())))

</pallas_src>

<mosaic_0001>
#map = affine_map<(d0, d1) -> (0, 0)>
#map1 = affine_map<(d0, d1) -> (0, 0, 0)>
module attributes {stable_mosaic.version = 14 : i64} {
  func.func @k(%arg0: i32, %arg1: i32, %arg2: memref<10048x16xf32, #tpu.memory_space<hbm>>, %arg3: memref<32x80x128xi32, #tpu.memory_space<hbm>>, %arg4: memref<32x80x128xi32, #tpu.memory_space<hbm>>, %arg5: memref<10048x16xf32, #tpu.memory_space<hbm>>, %arg6: memref<2x10048x16xf32, #tpu.memory_space<hbm>>, %arg7: memref<80x128xi32, #tpu.memory_space<vmem>>, %arg8: memref<80x128xi32, #tpu.memory_space<vmem>>, %arg9: memref<2x512x16xf32, #tpu.memory_space<vmem>>, %arg10: memref<10048x16xf32, #tpu.memory_space<vmem_shared>>, %arg11: memref<!tpu.dma_semaphore, #tpu.memory_space<semaphore_mem>>, %arg12: memref<!tpu.dma_semaphore, #tpu.memory_space<semaphore_mem>>) attributes {dimension_semantics = [#tpu.dimension_semantics<core_parallel>, #tpu.dimension_semantics<subcore_parallel>], iteration_bounds = array<i64: 2, 16>, scalar_prefetch = 0 : i64, scratch_operands = 6 : i64, tpu.core_type = #tpu.core_type<sc_vector_subcore>, window_params = [{transform_indices = #map}, {transform_indices = #map1}, {transform_indices = #map1}, {transform_indices = #map}, {transform_indices = #map1}]} {
    %mul3A = arith.constant 2 : i32
    %mul3A_0 = arith.muli %arg1, %mul3A : i32
    %add3A = arith.addi %mul3A_0, %arg0 : i32
    "tpu.region"() ({
      %run_scoped3A = tpu.sem_alloc : memref<!tpu.dma_semaphore, #tpu.memory_space<semaphore_mem>>
      %dma_start3A_120 = arith.constant 0 : i32
      %dma_start3A_121 = arith.constant 0 : i32
      %dma_start3A_122 = tpu.memref_slice %arg3[%add3A, %dma_start3A_120, %dma_start3A_121] : memref<32x80x128xi32, #tpu.memory_space<hbm>> -> memref<1x80x128xi32, #tpu.memory_space<hbm>>
      %dma_start3A_123 = tpu.memref_squeeze %dma_start3A_122 : memref<1x80x128xi32, #tpu.memory_space<hbm>> -> memref<80x128xi32, #tpu.memory_space<hbm>>
      %dma_start3A_124 = arith.constant 0 : i32
      %dma_start3A_125 = arith.constant 0 : i32
      %dma_start3A_126 = tpu.memref_slice %arg3[%add3A, %dma_start3A_124, %dma_start3A_125] : memref<32x80x128xi32, #tpu.memory_space<hbm>> -> memref<1x80x128xi32, #tpu.memory_space<hbm>>
      %dma_start3A_127 = tpu.memref_squeeze %dma_start3A_126 : memref<1x80x128xi32, #tpu.memory_space<hbm>> -> memref<80x128xi32, #tpu.memory_space<hbm>>
      tpu.enqueue_dma source(%dma_start3A_127 : memref<80x128xi32, #tpu.memory_space<hbm>>) target(%arg7 : memref<80x128xi32, #tpu.memory_space<vmem>>) target_semaphore(%run_scoped3A : memref<!tpu.dma_semaphore, #tpu.memory_space<semaphore_mem>>)
      %dma_wait3A_128 = arith.constant 0 : i32
      %dma_wait3A_129 = arith.constant 0 : i32
      %dma_wait3A_130 = tpu.memref_slice %arg3[%add3A, %dma_wait3A_128, %dma_wait3A_129] : memref<32x80x128xi32, #tpu.memory_space<hbm>> -> memref<1x80x128xi32, #tpu.memory_space<hbm>>
      %dma_wait3A_131 = tpu.memref_squeeze %dma_wait3A_130 : memref<1x80x128xi32, #tpu.memory_space<hbm>> -> memref<80x128xi32, #tpu.memory_space<hbm>>
      %dma_wait3A_132 = arith.constant 0 : i32
      %dma_wait3A_133 = arith.constant 0 : i32
      %dma_wait3A_134 = tpu.memref_slice %arg3[%add3A, %dma_wait3A_132, %dma_wait3A_133] : memref<32x80x128xi32, #tpu.memory_space<hbm>> -> memref<1x80x128xi32, #tpu.memory_space<hbm>>
      %dma_wait3A_135 = tpu.memref_squeeze %dma_wait3A_134 : memref<1x80x128xi32, #tpu.memory_space<hbm>> -> memref<80x128xi32, #tpu.memory_space<hbm>>
      tpu.wait_dma2 semaphore(%run_scoped3A : memref<!tpu.dma_semaphore, #tpu.memory_space<semaphore_mem>>) src(%dma_wait3A_135 : memref<80x128xi32, #tpu.memory_space<hbm>>) dst(%arg7 : memref<80x128xi32, #tpu.memory_space<vmem>>)
      tpu.yield
    }) : () -> ()
    "tpu.region"() ({
      %run_scoped3A = tpu.sem_alloc : memref<!tpu.dma_semaphore, #tpu.memory_space<semaphore_mem>>
      %dma_start3A_120 = arith.constant 0 : i32
      %dma_start3A_121 = arith.constant 0 : i32
      %dma_start3A_122 = tpu.memref_slice %arg4[%add3A, %dma_start3A_120, %dma_start3A_121] : memref<32x80x128xi32, #tpu.memory_space<hbm>> -> memref<1x80x128xi32, #tpu.memory_space<hbm>>
      %dma_start3A_123 = tpu.memref_squeeze %dma_start3A_122 : memref<1x80x128xi32, #tpu.memory_space<hbm>> -> memref<80x128xi32, #tpu.memory_space<hbm>>
      %dma_start3A_124 = arith.constant 0 : i32
      %dma_start3A_125 = arith.constant 0 : i32
      %dma_start3A_126 = tpu.memref_slice %arg4[%add3A, %dma_start3A_124, %dma_start3A_125] : memref<32x80x128xi32, #tpu.memory_space<hbm>> -> memref<1x80x128xi32, #tpu.memory_space<hbm>>
      %dma_start3A_127 = tpu.memref_squeeze %dma_start3A_126 : memref<1x80x128xi32, #tpu.memory_space<hbm>> -> memref<80x128xi32, #tpu.memory_space<hbm>>
      tpu.enqueue_dma source(%dma_start3A_127 : memref<80x128xi32, #tpu.memory_space<hbm>>) target(%arg8 : memref<80x128xi32, #tpu.memory_space<vmem>>) target_semaphore(%run_scoped3A : memref<!tpu.dma_semaphore, #tpu.memory_space<semaphore_mem>>)
      %dma_wait3A_128 = arith.constant 0 : i32
      %dma_wait3A_129 = arith.constant 0 : i32
      %dma_wait3A_130 = tpu.memref_slice %arg4[%add3A, %dma_wait3A_128, %dma_wait3A_129] : memref<32x80x128xi32, #tpu.memory_space<hbm>> -> memref<1x80x128xi32, #tpu.memory_space<hbm>>
      %dma_wait3A_131 = tpu.memref_squeeze %dma_wait3A_130 : memref<1x80x128xi32, #tpu.memory_space<hbm>> -> memref<80x128xi32, #tpu.memory_space<hbm>>
      %dma_wait3A_132 = arith.constant 0 : i32
      %dma_wait3A_133 = arith.constant 0 : i32
      %dma_wait3A_134 = tpu.memref_slice %arg4[%add3A, %dma_wait3A_132, %dma_wait3A_133] : memref<32x80x128xi32, #tpu.memory_space<hbm>> -> memref<1x80x128xi32, #tpu.memory_space<hbm>>
      %dma_wait3A_135 = tpu.memref_squeeze %dma_wait3A_134 : memref<1x80x128xi32, #tpu.memory_space<hbm>> -> memref<80x128xi32, #tpu.memory_space<hbm>>
      tpu.wait_dma2 semaphore(%run_scoped3A : memref<!tpu.dma_semaphore, #tpu.memory_space<semaphore_mem>>) src(%dma_wait3A_135 : memref<80x128xi32, #tpu.memory_space<hbm>>) dst(%arg8 : memref<80x128xi32, #tpu.memory_space<vmem>>)
      tpu.yield
    }) : () -> ()
    %eq3A = arith.constant 0 : i32
    %eq3A_1 = arith.cmpi eq, %arg1, %eq3A : i32
    %convert_element_type3A = arith.extui %eq3A_1 : i1 to i32
    %cond3A = arith.constant 0 : i32
    %cond3A_2 = arith.cmpi ne, %convert_element_type3A, %cond3A : i32
    scf.if %cond3A_2 {
      "tpu.region"() ({
        %run_scoped3A = tpu.sem_alloc : memref<!tpu.dma_semaphore, #tpu.memory_space<semaphore_mem>>
        tpu.enqueue_dma source(%arg5 : memref<10048x16xf32, #tpu.memory_space<hbm>>) target(%arg10 : memref<10048x16xf32, #tpu.memory_space<vmem_shared>>) target_semaphore(%run_scoped3A : memref<!tpu.dma_semaphore, #tpu.memory_space<semaphore_mem>>)
        tpu.wait_dma2 semaphore(%run_scoped3A : memref<!tpu.dma_semaphore, #tpu.memory_space<semaphore_mem>>) src(%arg5 : memref<10048x16xf32, #tpu.memory_space<hbm>>) dst(%arg10 : memref<10048x16xf32, #tpu.memory_space<vmem_shared>>)
        tpu.yield
      }) : () -> ()
    } else {
    }
    %barrier3A = arith.constant 0 : index
    tpu.barrier barrier_id(%barrier3A)
    %dma_start3A = arith.constant 0 : i32
    %dma_start3A_3 = arith.constant 0 : i32
    %dma_start3A_4 = arith.constant 0 : i32
    %dma_start3A_5 = arith.constant 0 : i32
    %dma_start3A_6 = tpu.memref_slice %arg9[%dma_start3A_3, %dma_start3A_4, %dma_start3A_5] : memref<2x512x16xf32, #tpu.memory_space<vmem>> -> memref<1x128x16xf32, #tpu.memory_space<vmem>>
    %dma_start3A_7 = tpu.memref_squeeze %dma_start3A_6 : memref<1x128x16xf32, #tpu.memory_space<vmem>> -> memref<128x16xf32, #tpu.memory_space<vmem>>
    %dma_start3A_8 = arith.constant 0 : i32
    %dma_start3A_9 = tpu.memref_slice %arg7[%dma_start3A, %dma_start3A_8] : memref<80x128xi32, #tpu.memory_space<vmem>> -> memref<1x128xi32, #tpu.memory_space<vmem>>
    %dma_start3A_10 = tpu.memref_squeeze %dma_start3A_9 : memref<1x128xi32, #tpu.memory_space<vmem>> -> memref<128xi32, #tpu.memory_space<vmem>>
    %dma_start3A_11 = arith.constant 0 : i32
    %dma_start3A_12 = arith.constant 0 : i32
    %dma_start3A_13 = tpu.memref_slice %arg2[%dma_start3A_11, %dma_start3A_12] : memref<10048x16xf32, #tpu.memory_space<hbm>> -> memref<10048x16xf32, #tpu.memory_space<hbm>>
    tpu.enqueue_indirect_dma source(%dma_start3A_13 : memref<10048x16xf32, #tpu.memory_space<hbm>>) target(%dma_start3A_7 : memref<128x16xf32, #tpu.memory_space<vmem>>) offsets(%dma_start3A_10 : memref<128xi32, #tpu.memory_space<vmem>>) semaphore(%arg11 : memref<!tpu.dma_semaphore, #tpu.memory_space<semaphore_mem>>)
    %dma_start3A_14 = arith.constant 1 : i32
    %dma_start3A_15 = arith.constant 0 : i32
    %dma_start3A_16 = arith.constant 128 : i32
    %dma_start3A_17 = arith.constant 0 : i32
    %dma_start3A_18 = tpu.memref_slice %arg9[%dma_start3A_15, %dma_start3A_16, %dma_start3A_17] : memref<2x512x16xf32, #tpu.memory_space<vmem>> -> memref<1x128x16xf32, #tpu.memory_space<vmem>>
    %dma_start3A_19 = tpu.memref_squeeze %dma_start3A_18 : memref<1x128x16xf32, #tpu.memory_space<vmem>> -> memref<128x16xf32, #tpu.memory_space<vmem>>
    %dma_start3A_20 = arith.constant 0 : i32
    %dma_start3A_21 = tpu.memref_slice %arg7[%dma_start3A_14, %dma_start3A_20] : memref<80x128xi32, #tpu.memory_space<vmem>> -> memref<1x128xi32, #tpu.memory_space<vmem>>
    %dma_start3A_22 = tpu.memref_squeeze %dma_start3A_21 : memref<1x128xi32, #tpu.memory_space<vmem>> -> memref<128xi32, #tpu.memory_space<vmem>>
    %dma_start3A_23 = arith.constant 0 : i32
    %dma_start3A_24 = arith.constant 0 : i32
    %dma_start3A_25 = tpu.memref_slice %arg2[%dma_start3A_23, %dma_start3A_24] : memref<10048x16xf32, #tpu.memory_space<hbm>> -> memref<10048x16xf32, #tpu.memory_space<hbm>>
    tpu.enqueue_indirect_dma source(%dma_start3A_25 : memref<10048x16xf32, #tpu.memory_space<hbm>>) target(%dma_start3A_19 : memref<128x16xf32, #tpu.memory_space<vmem>>) offsets(%dma_start3A_22 : memref<128xi32, #tpu.memory_space<vmem>>) semaphore(%arg11 : memref<!tpu.dma_semaphore, #tpu.memory_space<semaphore_mem>>)
    %dma_start3A_26 = arith.constant 2 : i32
    %dma_start3A_27 = arith.constant 0 : i32
    %dma_start3A_28 = arith.constant 256 : i32
    %dma_start3A_29 = arith.constant 0 : i32
    %dma_start3A_30 = tpu.memref_slice %arg9[%dma_start3A_27, %dma_start3A_28, %dma_start3A_29] : memref<2x512x16xf32, #tpu.memory_space<vmem>> -> memref<1x128x16xf32, #tpu.memory_space<vmem>>
    %dma_start3A_31 = tpu.memref_squeeze %dma_start3A_30 : memref<1x128x16xf32, #tpu.memory_space<vmem>> -> memref<128x16xf32, #tpu.memory_space<vmem>>
    %dma_start3A_32 = arith.constant 0 : i32
    %dma_start3A_33 = tpu.memref_slice %arg7[%dma_start3A_26, %dma_start3A_32] : memref<80x128xi32, #tpu.memory_space<vmem>> -> memref<1x128xi32, #tpu.memory_space<vmem>>
    %dma_start3A_34 = tpu.memref_squeeze %dma_start3A_33 : memref<1x128xi32, #tpu.memory_space<vmem>> -> memref<128xi32, #tpu.memory_space<vmem>>
    %dma_start3A_35 = arith.constant 0 : i32
    %dma_start3A_36 = arith.constant 0 : i32
    %dma_start3A_37 = tpu.memref_slice %arg2[%dma_start3A_35, %dma_start3A_36] : memref<10048x16xf32, #tpu.memory_space<hbm>> -> memref<10048x16xf32, #tpu.memory_space<hbm>>
    tpu.enqueue_indirect_dma source(%dma_start3A_37 : memref<10048x16xf32, #tpu.memory_space<hbm>>) target(%dma_start3A_31 : memref<128x16xf32, #tpu.memory_space<vmem>>) offsets(%dma_start3A_34 : memref<128xi32, #tpu.memory_space<vmem>>) semaphore(%arg11 : memref<!tpu.dma_semaphore, #tpu.memory_space<semaphore_mem>>)
    %dma_start3A_38 = arith.constant 3 : i32
    %dma_start3A_39 = arith.constant 0 : i32
    %dma_start3A_40 = arith.constant 384 : i32
    %dma_start3A_41 = arith.constant 0 : i32
    %dma_start3A_42 = tpu.memref_slice %arg9[%dma_start3A_39, %dma_start3A_40, %dma_start3A_41] : memref<2x512x16xf32, #tpu.memory_space<vmem>> -> memref<1x128x16xf32, #tpu.memory_space<vmem>>
    %dma_start3A_43 = tpu.memref_squeeze %dma_start3A_42 : memref<1x128x16xf32, #tpu.memory_space<vmem>> -> memref<128x16xf32, #tpu.memory_space<vmem>>
    %dma_start3A_44 = arith.constant 0 : i32
    %dma_start3A_45 = tpu.memref_slice %arg7[%dma_start3A_38, %dma_start3A_44] : memref<80x128xi32, #tpu.memory_space<vmem>> -> memref<1x128xi32, #tpu.memory_space<vmem>>
    %dma_start3A_46 = tpu.memref_squeeze %dma_start3A_45 : memref<1x128xi32, #tpu.memory_space<vmem>> -> memref<128xi32, #tpu.memory_space<vmem>>
    %dma_start3A_47 = arith.constant 0 : i32
    %dma_start3A_48 = arith.constant 0 : i32
    %dma_start3A_49 = tpu.memref_slice %arg2[%dma_start3A_47, %dma_start3A_48] : memref<10048x16xf32, #tpu.memory_space<hbm>> -> memref<10048x16xf32, #tpu.memory_space<hbm>>
    tpu.enqueue_indirect_dma source(%dma_start3A_49 : memref<10048x16xf32, #tpu.memory_space<hbm>>) target(%dma_start3A_43 : memref<128x16xf32, #tpu.memory_space<vmem>>) offsets(%dma_start3A_46 : memref<128xi32, #tpu.memory_space<vmem>>) semaphore(%arg11 : memref<!tpu.dma_semaphore, #tpu.memory_space<semaphore_mem>>)
    %scan3A = arith.constant 0 : i32
    %scan3A_50 = arith.constant 0 : i32
    %scan3A_51 = arith.constant 20 : i32
    %scan3A_52 = arith.addi %scan3A_50, %scan3A_51 : i32
    %scan3A_53 = arith.constant 1 : i32
    scf.for %scan3A_120 = %scan3A_50 to %scan3A_52 step %scan3A_53  : i32 {
      %rem3A = arith.constant 2 : i32
      %rem3A_121 = arith.remsi %scan3A_120, %rem3A : i32
      %dma_wait3A_122 = arith.constant 0 : i32
      %dma_wait3A_123 = arith.constant 0 : i32
      %dma_wait3A_124 = tpu.memref_slice %arg9[%rem3A_121, %dma_wait3A_122, %dma_wait3A_123] : memref<2x512x16xf32, #tpu.memory_space<vmem>> -> memref<1x128x16xf32, #tpu.memory_space<vmem>>
      %dma_wait3A_125 = tpu.memref_squeeze %dma_wait3A_124 : memref<1x128x16xf32, #tpu.memory_space<vmem>> -> memref<128x16xf32, #tpu.memory_space<vmem>>
      %dma_wait3A_126 = arith.constant 0 : i32
      %dma_wait3A_127 = arith.constant 0 : i32
      %dma_wait3A_128 = tpu.memref_slice %arg2[%dma_wait3A_126, %dma_wait3A_127] : memref<10048x16xf32, #tpu.memory_space<hbm>> -> memref<128x16xf32, #tpu.memory_space<hbm>>
      %dma_wait3A_129 = arith.constant 0 : i32
      %dma_wait3A_130 = arith.constant 0 : i32
      %dma_wait3A_131 = tpu.memref_slice %arg9[%rem3A_121, %dma_wait3A_129, %dma_wait3A_130] : memref<2x512x16xf32, #tpu.memory_space<vmem>> -> memref<1x128x16xf32, #tpu.memory_space<vmem>>
      %dma_wait3A_132 = tpu.memref_squeeze %dma_wait3A_131 : memref<1x128x16xf32, #tpu.memory_space<vmem>> -> memref<128x16xf32, #tpu.memory_space<vmem>>
      %dma_wait3A_133 = arith.constant 0 : i32
      %dma_wait3A_134 = arith.constant 0 : i32
      %dma_wait3A_135 = tpu.memref_slice %arg2[%dma_wait3A_133, %dma_wait3A_134] : memref<10048x16xf32, #tpu.memory_space<hbm>> -> memref<128x16xf32, #tpu.memory_space<hbm>>
      tpu.wait_dma2 semaphore(%arg11 : memref<!tpu.dma_semaphore, #tpu.memory_space<semaphore_mem>>) src(%dma_wait3A_135 : memref<128x16xf32, #tpu.memory_space<hbm>>) dst(%dma_wait3A_132 : memref<128x16xf32, #tpu.memory_space<vmem>>)
      %dma_wait3A_136 = arith.constant 128 : i32
      %dma_wait3A_137 = arith.constant 0 : i32
      %dma_wait3A_138 = tpu.memref_slice %arg9[%rem3A_121, %dma_wait3A_136, %dma_wait3A_137] : memref<2x512x16xf32, #tpu.memory_space<vmem>> -> memref<1x128x16xf32, #tpu.memory_space<vmem>>
      %dma_wait3A_139 = tpu.memref_squeeze %dma_wait3A_138 : memref<1x128x16xf32, #tpu.memory_space<vmem>> -> memref<128x16xf32, #tpu.memory_space<vmem>>
      %dma_wait3A_140 = arith.constant 0 : i32
      %dma_wait3A_141 = arith.constant 0 : i32
      %dma_wait3A_142 = tpu.memref_slice %arg2[%dma_wait3A_140, %dma_wait3A_141] : memref<10048x16xf32, #tpu.memory_space<hbm>> -> memref<128x16xf32, #tpu.memory_space<hbm>>
      %dma_wait3A_143 = arith.constant 128 : i32
      %dma_wait3A_144 = arith.constant 0 : i32
      %dma_wait3A_145 = tpu.memref_slice %arg9[%rem3A_121, %dma_wait3A_143, %dma_wait3A_144] : memref<2x512x16xf32, #tpu.memory_space<vmem>> -> memref<1x128x16xf32, #tpu.memory_space<vmem>>
      %dma_wait3A_146 = tpu.memref_squeeze %dma_wait3A_145 : memref<1x128x16xf32, #tpu.memory_space<vmem>> -> memref<128x16xf32, #tpu.memory_space<vmem>>
      %dma_wait3A_147 = arith.constant 0 : i32
      %dma_wait3A_148 = arith.constant 0 : i32
      %dma_wait3A_149 = tpu.memref_slice %arg2[%dma_wait3A_147, %dma_wait3A_148] : memref<10048x16xf32, #tpu.memory_space<hbm>> -> memref<128x16xf32, #tpu.memory_space<hbm>>
      tpu.wait_dma2 semaphore(%arg11 : memref<!tpu.dma_semaphore, #tpu.memory_space<semaphore_mem>>) src(%dma_wait3A_149 : memref<128x16xf32, #tpu.memory_space<hbm>>) dst(%dma_wait3A_146 : memref<128x16xf32, #tpu.memory_space<vmem>>)
      %dma_wait3A_150 = arith.constant 256 : i32
      %dma_wait3A_151 = arith.constant 0 : i32
      %dma_wait3A_152 = tpu.memref_slice %arg9[%rem3A_121, %dma_wait3A_150, %dma_wait3A_151] : memref<2x512x16xf32, #tpu.memory_space<vmem>> -> memref<1x128x16xf32, #tpu.memory_space<vmem>>
      %dma_wait3A_153 = tpu.memref_squeeze %dma_wait3A_152 : memref<1x128x16xf32, #tpu.memory_space<vmem>> -> memref<128x16xf32, #tpu.memory_space<vmem>>
      %dma_wait3A_154 = arith.constant 0 : i32
      %dma_wait3A_155 = arith.constant 0 : i32
      %dma_wait3A_156 = tpu.memref_slice %arg2[%dma_wait3A_154, %dma_wait3A_155] : memref<10048x16xf32, #tpu.memory_space<hbm>> -> memref<128x16xf32, #tpu.memory_space<hbm>>
      %dma_wait3A_157 = arith.constant 256 : i32
      %dma_wait3A_158 = arith.constant 0 : i32
      %dma_wait3A_159 = tpu.memref_slice %arg9[%rem3A_121, %dma_wait3A_157, %dma_wait3A_158] : memref<2x512x16xf32, #tpu.memory_space<vmem>> -> memref<1x128x16xf32, #tpu.memory_space<vmem>>
      %dma_wait3A_160 = tpu.memref_squeeze %dma_wait3A_159 : memref<1x128x16xf32, #tpu.memory_space<vmem>> -> memref<128x16xf32, #tpu.memory_space<vmem>>
      %dma_wait3A_161 = arith.constant 0 : i32
      %dma_wait3A_162 = arith.constant 0 : i32
      %dma_wait3A_163 = tpu.memref_slice %arg2[%dma_wait3A_161, %dma_wait3A_162] : memref<10048x16xf32, #tpu.memory_space<hbm>> -> memref<128x16xf32, #tpu.memory_space<hbm>>
      tpu.wait_dma2 semaphore(%arg11 : memref<!tpu.dma_semaphore, #tpu.memory_space<semaphore_mem>>) src(%dma_wait3A_163 : memref<128x16xf32, #tpu.memory_space<hbm>>) dst(%dma_wait3A_160 : memref<128x16xf32, #tpu.memory_space<vmem>>)
      %dma_wait3A_164 = arith.constant 384 : i32
      %dma_wait3A_165 = arith.constant 0 : i32
      %dma_wait3A_166 = tpu.memref_slice %arg9[%rem3A_121, %dma_wait3A_164, %dma_wait3A_165] : memref<2x512x16xf32, #tpu.memory_space<vmem>> -> memref<1x128x16xf32, #tpu.memory_space<vmem>>
      %dma_wait3A_167 = tpu.memref_squeeze %dma_wait3A_166 : memref<1x128x16xf32, #tpu.memory_space<vmem>> -> memref<128x16xf32, #tpu.memory_space<vmem>>
      %dma_wait3A_168 = arith.constant 0 : i32
      %dma_wait3A_169 = arith.constant 0 : i32
      %dma_wait3A_170 = tpu.memref_slice %arg2[%dma_wait3A_168, %dma_wait3A_169] : memref<10048x16xf32, #tpu.memory_space<hbm>> -> memref<128x16xf32, #tpu.memory_space<hbm>>
      %dma_wait3A_171 = arith.constant 384 : i32
      %dma_wait3A_172 = arith.constant 0 : i32
      %dma_wait3A_173 = tpu.memref_slice %arg9[%rem3A_121, %dma_wait3A_171, %dma_wait3A_172] : memref<2x512x16xf32, #tpu.memory_space<vmem>> -> memref<1x128x16xf32, #tpu.memory_space<vmem>>
      %dma_wait3A_174 = tpu.memref_squeeze %dma_wait3A_173 : memref<1x128x16xf32, #tpu.memory_space<vmem>> -> memref<128x16xf32, #tpu.memory_space<vmem>>
      %dma_wait3A_175 = arith.constant 0 : i32
      %dma_wait3A_176 = arith.constant 0 : i32
      %dma_wait3A_177 = tpu.memref_slice %arg2[%dma_wait3A_175, %dma_wait3A_176] : memref<10048x16xf32, #tpu.memory_space<hbm>> -> memref<128x16xf32, #tpu.memory_space<hbm>>
      tpu.wait_dma2 semaphore(%arg11 : memref<!tpu.dma_semaphore, #tpu.memory_space<semaphore_mem>>) src(%dma_wait3A_177 : memref<128x16xf32, #tpu.memory_space<hbm>>) dst(%dma_wait3A_174 : memref<128x16xf32, #tpu.memory_space<vmem>>)
      %ge3A = arith.constant 1 : i32
      %ge3A_178 = arith.cmpi sge, %scan3A_120, %ge3A : i32
      %convert_element_type3A_179 = arith.extui %ge3A_178 : i1 to i32
      %cond3A_180 = arith.constant 0 : i32
      %cond3A_181 = arith.cmpi ne, %convert_element_type3A_179, %cond3A_180 : i32
      scf.if %cond3A_181 {
        %sub3A = arith.constant 1 : i32
        %sub3A_242 = arith.subi %sub3A, %rem3A_121 : i32
        %dma_wait3A_243 = arith.constant 0 : i32
        %dma_wait3A_244 = arith.constant 0 : i32
        %dma_wait3A_245 = tpu.memref_slice %arg9[%sub3A_242, %dma_wait3A_243, %dma_wait3A_244] : memref<2x512x16xf32, #tpu.memory_space<vmem>> -> memref<1x128x16xf32, #tpu.memory_space<vmem>>
        %dma_wait3A_246 = tpu.memref_squeeze %dma_wait3A_245 : memref<1x128x16xf32, #tpu.memory_space<vmem>> -> memref<128x16xf32, #tpu.memory_space<vmem>>
        %dma_wait3A_247 = arith.constant 0 : i32
        %dma_wait3A_248 = arith.constant 0 : i32
        %dma_wait3A_249 = tpu.memref_slice %arg2[%dma_wait3A_247, %dma_wait3A_248] : memref<10048x16xf32, #tpu.memory_space<hbm>> -> memref<128x16xf32, #tpu.memory_space<hbm>>
        %dma_wait3A_250 = arith.constant 0 : i32
        %dma_wait3A_251 = arith.constant 0 : i32
        %dma_wait3A_252 = tpu.memref_slice %arg9[%sub3A_242, %dma_wait3A_250, %dma_wait3A_251] : memref<2x512x16xf32, #tpu.memory_space<vmem>> -> memref<1x128x16xf32, #tpu.memory_space<vmem>>
        %dma_wait3A_253 = tpu.memref_squeeze %dma_wait3A_252 : memref<1x128x16xf32, #tpu.memory_space<vmem>> -> memref<128x16xf32, #tpu.memory_space<vmem>>
        %dma_wait3A_254 = arith.constant 0 : i32
        %dma_wait3A_255 = arith.constant 0 : i32
        %dma_wait3A_256 = tpu.memref_slice %arg2[%dma_wait3A_254, %dma_wait3A_255] : memref<10048x16xf32, #tpu.memory_space<hbm>> -> memref<128x16xf32, #tpu.memory_space<hbm>>
        tpu.wait_dma2 semaphore(%arg12 : memref<!tpu.dma_semaphore, #tpu.memory_space<semaphore_mem>>) src(%dma_wait3A_256 : memref<128x16xf32, #tpu.memory_space<hbm>>) dst(%dma_wait3A_253 : memref<128x16xf32, #tpu.memory_space<vmem>>)
        %sub3A_257 = arith.constant 1 : i32
        %sub3A_258 = arith.subi %sub3A_257, %rem3A_121 : i32
        %dma_wait3A_259 = arith.constant 128 : i32
        %dma_wait3A_260 = arith.constant 0 : i32
        %dma_wait3A_261 = tpu.memref_slice %arg9[%sub3A_258, %dma_wait3A_259, %dma_wait3A_260] : memref<2x512x16xf32, #tpu.memory_space<vmem>> -> memref<1x128x16xf32, #tpu.memory_space<vmem>>
        %dma_wait3A_262 = tpu.memref_squeeze %dma_wait3A_261 : memref<1x128x16xf32, #tpu.memory_space<vmem>> -> memref<128x16xf32, #tpu.memory_space<vmem>>
        %dma_wait3A_263 = arith.constant 0 : i32
        %dma_wait3A_264 = arith.constant 0 : i32
        %dma_wait3A_265 = tpu.memref_slice %arg2[%dma_wait3A_263, %dma_wait3A_264] : memref<10048x16xf32, #tpu.memory_space<hbm>> -> memref<128x16xf32, #tpu.memory_space<hbm>>
        %dma_wait3A_266 = arith.constant 128 : i32
        %dma_wait3A_267 = arith.constant 0 : i32
        %dma_wait3A_268 = tpu.memref_slice %arg9[%sub3A_258, %dma_wait3A_266, %dma_wait3A_267] : memref<2x512x16xf32, #tpu.memory_space<vmem>> -> memref<1x128x16xf32, #tpu.memory_space<vmem>>
        %dma_wait3A_269 = tpu.memref_squeeze %dma_wait3A_268 : memref<1x128x16xf32, #tpu.memory_space<vmem>> -> memref<128x16xf32, #tpu.memory_space<vmem>>
        %dma_wait3A_270 = arith.constant 0 : i32
        %dma_wait3A_271 = arith.constant 0 : i32
        %dma_wait3A_272 = tpu.memref_slice %arg2[%dma_wait3A_270, %dma_wait3A_271] : memref<10048x16xf32, #tpu.memory_space<hbm>> -> memref<128x16xf32, #tpu.memory_space<hbm>>
        tpu.wait_dma2 semaphore(%arg12 : memref<!tpu.dma_semaphore, #tpu.memory_space<semaphore_mem>>) src(%dma_wait3A_272 : memref<128x16xf32, #tpu.memory_space<hbm>>) dst(%dma_wait3A_269 : memref<128x16xf32, #tpu.memory_space<vmem>>)
        %sub3A_273 = arith.constant 1 : i32
        %sub3A_274 = arith.subi %sub3A_273, %rem3A_121 : i32
        %dma_wait3A_275 = arith.constant 256 : i32
        %dma_wait3A_276 = arith.constant 0 : i32
        %dma_wait3A_277 = tpu.memref_slice %arg9[%sub3A_274, %dma_wait3A_275, %dma_wait3A_276] : memref<2x512x16xf32, #tpu.memory_space<vmem>> -> memref<1x128x16xf32, #tpu.memory_space<vmem>>
        %dma_wait3A_278 = tpu.memref_squeeze %dma_wait3A_277 : memref<1x128x16xf32, #tpu.memory_space<vmem>> -> memref<128x16xf32, #tpu.memory_space<vmem>>
        %dma_wait3A_279 = arith.constant 0 : i32
        %dma_wait3A_280 = arith.constant 0 : i32
        %dma_wait3A_281 = tpu.memref_slice %arg2[%dma_wait3A_279, %dma_wait3A_280] : memref<10048x16xf32, #tpu.memory_space<hbm>> -> memref<128x16xf32, #tpu.memory_space<hbm>>
        %dma_wait3A_282 = arith.constant 256 : i32
        %dma_wait3A_283 = arith.constant 0 : i32
        %dma_wait3A_284 = tpu.memref_slice %arg9[%sub3A_274, %dma_wait3A_282, %dma_wait3A_283] : memref<2x512x16xf32, #tpu.memory_space<vmem>> -> memref<1x128x16xf32, #tpu.memory_space<vmem>>
        %dma_wait3A_285 = tpu.memref_squeeze %dma_wait3A_284 : memref<1x128x16xf32, #tpu.memory_space<vmem>> -> memref<128x16xf32, #tpu.memory_space<vmem>>
        %dma_wait3A_286 = arith.constant 0 : i32
        %dma_wait3A_287 = arith.constant 0 : i32
        %dma_wait3A_288 = tpu.memref_slice %arg2[%dma_wait3A_286, %dma_wait3A_287] : memref<10048x16xf32, #tpu.memory_space<hbm>> -> memref<128x16xf32, #tpu.memory_space<hbm>>
        tpu.wait_dma2 semaphore(%arg12 : memref<!tpu.dma_semaphore, #tpu.memory_space<semaphore_mem>>) src(%dma_wait3A_288 : memref<128x16xf32, #tpu.memory_space<hbm>>) dst(%dma_wait3A_285 : memref<128x16xf32, #tpu.memory_space<vmem>>)
        %sub3A_289 = arith.constant 1 : i32
        %sub3A_290 = arith.subi %sub3A_289, %rem3A_121 : i32
        %dma_wait3A_291 = arith.constant 384 : i32
        %dma_wait3A_292 = arith.constant 0 : i32
        %dma_wait3A_293 = tpu.memref_slice %arg9[%sub3A_290, %dma_wait3A_291, %dma_wait3A_292] : memref<2x512x16xf32, #tpu.memory_space<vmem>> -> memref<1x128x16xf32, #tpu.memory_space<vmem>>
        %dma_wait3A_294 = tpu.memref_squeeze %dma_wait3A_293 : memref<1x128x16xf32, #tpu.memory_space<vmem>> -> memref<128x16xf32, #tpu.memory_space<vmem>>
        %dma_wait3A_295 = arith.constant 0 : i32
        %dma_wait3A_296 = arith.constant 0 : i32
        %dma_wait3A_297 = tpu.memref_slice %arg2[%dma_wait3A_295, %dma_wait3A_296] : memref<10048x16xf32, #tpu.memory_space<hbm>> -> memref<128x16xf32, #tpu.memory_space<hbm>>
        %dma_wait3A_298 = arith.constant 384 : i32
        %dma_wait3A_299 = arith.constant 0 : i32
        %dma_wait3A_300 = tpu.memref_slice %arg9[%sub3A_290, %dma_wait3A_298, %dma_wait3A_299] : memref<2x512x16xf32, #tpu.memory_space<vmem>> -> memref<1x128x16xf32, #tpu.memory_space<vmem>>
        %dma_wait3A_301 = tpu.memref_squeeze %dma_wait3A_300 : memref<1x128x16xf32, #tpu.memory_space<vmem>> -> memref<128x16xf32, #tpu.memory_space<vmem>>
        %dma_wait3A_302 = arith.constant 0 : i32
        %dma_wait3A_303 = arith.constant 0 : i32
        %dma_wait3A_304 = tpu.memref_slice %arg2[%dma_wait3A_302, %dma_wait3A_303] : memref<10048x16xf32, #tpu.memory_space<hbm>> -> memref<128x16xf32, #tpu.memory_space<hbm>>
        tpu.wait_dma2 semaphore(%arg12 : memref<!tpu.dma_semaphore, #tpu.memory_space<semaphore_mem>>) src(%dma_wait3A_304 : memref<128x16xf32, #tpu.memory_space<hbm>>) dst(%dma_wait3A_301 : memref<128x16xf32, #tpu.memory_space<vmem>>)
      } else {
      }
      %lt3A = arith.constant 19 : i32
      %lt3A_182 = arith.cmpi slt, %scan3A_120, %lt3A : i32
      %convert_element_type3A_183 = arith.extui %lt3A_182 : i1 to i32
      %cond3A_184 = arith.constant 0 : i32
      %cond3A_185 = arith.cmpi ne, %convert_element_type3A_183, %cond3A_184 : i32
      scf.if %cond3A_185 {
        %add3A_242 = arith.constant 1 : i32
        %add3A_243 = arith.addi %scan3A_120, %add3A_242 : i32
        %mul3A_244 = arith.constant 4 : i32
        %mul3A_245 = arith.muli %add3A_243, %mul3A_244 : i32
        %add3A_246 = arith.constant 0 : i32
        %add3A_247 = arith.addi %mul3A_245, %add3A_246 : i32
        %sub3A = arith.constant 1 : i32
        %sub3A_248 = arith.subi %sub3A, %rem3A_121 : i32
        %dma_start3A_249 = arith.constant 0 : i32
        %dma_start3A_250 = arith.constant 0 : i32
        %dma_start3A_251 = tpu.memref_slice %arg9[%sub3A_248, %dma_start3A_249, %dma_start3A_250] : memref<2x512x16xf32, #tpu.memory_space<vmem>> -> memref<1x128x16xf32, #tpu.memory_space<vmem>>
        %dma_start3A_252 = tpu.memref_squeeze %dma_start3A_251 : memref<1x128x16xf32, #tpu.memory_space<vmem>> -> memref<128x16xf32, #tpu.memory_space<vmem>>
        %dma_start3A_253 = arith.constant 0 : i32
        %dma_start3A_254 = tpu.memref_slice %arg7[%add3A_247, %dma_start3A_253] : memref<80x128xi32, #tpu.memory_space<vmem>> -> memref<1x128xi32, #tpu.memory_space<vmem>>
        %dma_start3A_255 = tpu.memref_squeeze %dma_start3A_254 : memref<1x128xi32, #tpu.memory_space<vmem>> -> memref<128xi32, #tpu.memory_space<vmem>>
        %dma_start3A_256 = arith.constant 0 : i32
        %dma_start3A_257 = arith.constant 0 : i32
        %dma_start3A_258 = tpu.memref_slice %arg2[%dma_start3A_256, %dma_start3A_257] : memref<10048x16xf32, #tpu.memory_space<hbm>> -> memref<10048x16xf32, #tpu.memory_space<hbm>>
        tpu.enqueue_indirect_dma source(%dma_start3A_258 : memref<10048x16xf32, #tpu.memory_space<hbm>>) target(%dma_start3A_252 : memref<128x16xf32, #tpu.memory_space<vmem>>) offsets(%dma_start3A_255 : memref<128xi32, #tpu.memory_space<vmem>>) semaphore(%arg11 : memref<!tpu.dma_semaphore, #tpu.memory_space<semaphore_mem>>)
        %add3A_259 = arith.constant 1 : i32
        %add3A_260 = arith.addi %scan3A_120, %add3A_259 : i32
        %mul3A_261 = arith.constant 4 : i32
        %mul3A_262 = arith.muli %add3A_260, %mul3A_261 : i32
        %add3A_263 = arith.constant 1 : i32
        %add3A_264 = arith.addi %mul3A_262, %add3A_263 : i32
        %sub3A_265 = arith.constant 1 : i32
        %sub3A_266 = arith.subi %sub3A_265, %rem3A_121 : i32
        %dma_start3A_267 = arith.constant 128 : i32
        %dma_start3A_268 = arith.constant 0 : i32
        %dma_start3A_269 = tpu.memref_slice %arg9[%sub3A_266, %dma_start3A_267, %dma_start3A_268] : memref<2x512x16xf32, #tpu.memory_space<vmem>> -> memref<1x128x16xf32, #tpu.memory_space<vmem>>
        %dma_start3A_270 = tpu.memref_squeeze %dma_start3A_269 : memref<1x128x16xf32, #tpu.memory_space<vmem>> -> memref<128x16xf32, #tpu.memory_space<vmem>>
        %dma_start3A_271 = arith.constant 0 : i32
        %dma_start3A_272 = tpu.memref_slice %arg7[%add3A_264, %dma_start3A_271] : memref<80x128xi32, #tpu.memory_space<vmem>> -> memref<1x128xi32, #tpu.memory_space<vmem>>
        %dma_start3A_273 = tpu.memref_squeeze %dma_start3A_272 : memref<1x128xi32, #tpu.memory_space<vmem>> -> memref<128xi32, #tpu.memory_space<vmem>>
        %dma_start3A_274 = arith.constant 0 : i32
        %dma_start3A_275 = arith.constant 0 : i32
        %dma_start3A_276 = tpu.memref_slice %arg2[%dma_start3A_274, %dma_start3A_275] : memref<10048x16xf32, #tpu.memory_space<hbm>> -> memref<10048x16xf32, #tpu.memory_space<hbm>>
        tpu.enqueue_indirect_dma source(%dma_start3A_276 : memref<10048x16xf32, #tpu.memory_space<hbm>>) target(%dma_start3A_270 : memref<128x16xf32, #tpu.memory_space<vmem>>) offsets(%dma_start3A_273 : memref<128xi32, #tpu.memory_space<vmem>>) semaphore(%arg11 : memref<!tpu.dma_semaphore, #tpu.memory_space<semaphore_mem>>)
        %add3A_277 = arith.constant 1 : i32
        %add3A_278 = arith.addi %scan3A_120, %add3A_277 : i32
        %mul3A_279 = arith.constant 4 : i32
        %mul3A_280 = arith.muli %add3A_278, %mul3A_279 : i32
        %add3A_281 = arith.constant 2 : i32
        %add3A_282 = arith.addi %mul3A_280, %add3A_281 : i32
        %sub3A_283 = arith.constant 1 : i32
        %sub3A_284 = arith.subi %sub3A_283, %rem3A_121 : i32
        %dma_start3A_285 = arith.constant 256 : i32
        %dma_start3A_286 = arith.constant 0 : i32
        %dma_start3A_287 = tpu.memref_slice %arg9[%sub3A_284, %dma_start3A_285, %dma_start3A_286] : memref<2x512x16xf32, #tpu.memory_space<vmem>> -> memref<1x128x16xf32, #tpu.memory_space<vmem>>
        %dma_start3A_288 = tpu.memref_squeeze %dma_start3A_287 : memref<1x128x16xf32, #tpu.memory_space<vmem>> -> memref<128x16xf32, #tpu.memory_space<vmem>>
        %dma_start3A_289 = arith.constant 0 : i32
        %dma_start3A_290 = tpu.memref_slice %arg7[%add3A_282, %dma_start3A_289] : memref<80x128xi32, #tpu.memory_space<vmem>> -> memref<1x128xi32, #tpu.memory_space<vmem>>
        %dma_start3A_291 = tpu.memref_squeeze %dma_start3A_290 : memref<1x128xi32, #tpu.memory_space<vmem>> -> memref<128xi32, #tpu.memory_space<vmem>>
        %dma_start3A_292 = arith.constant 0 : i32
        %dma_start3A_293 = arith.constant 0 : i32
        %dma_start3A_294 = tpu.memref_slice %arg2[%dma_start3A_292, %dma_start3A_293] : memref<10048x16xf32, #tpu.memory_space<hbm>> -> memref<10048x16xf32, #tpu.memory_space<hbm>>
        tpu.enqueue_indirect_dma source(%dma_start3A_294 : memref<10048x16xf32, #tpu.memory_space<hbm>>) target(%dma_start3A_288 : memref<128x16xf32, #tpu.memory_space<vmem>>) offsets(%dma_start3A_291 : memref<128xi32, #tpu.memory_space<vmem>>) semaphore(%arg11 : memref<!tpu.dma_semaphore, #tpu.memory_space<semaphore_mem>>)
        %add3A_295 = arith.constant 1 : i32
        %add3A_296 = arith.addi %scan3A_120, %add3A_295 : i32
        %mul3A_297 = arith.constant 4 : i32
        %mul3A_298 = arith.muli %add3A_296, %mul3A_297 : i32
        %add3A_299 = arith.constant 3 : i32
        %add3A_300 = arith.addi %mul3A_298, %add3A_299 : i32
        %sub3A_301 = arith.constant 1 : i32
        %sub3A_302 = arith.subi %sub3A_301, %rem3A_121 : i32
        %dma_start3A_303 = arith.constant 384 : i32
        %dma_start3A_304 = arith.constant 0 : i32
        %dma_start3A_305 = tpu.memref_slice %arg9[%sub3A_302, %dma_start3A_303, %dma_start3A_304] : memref<2x512x16xf32, #tpu.memory_space<vmem>> -> memref<1x128x16xf32, #tpu.memory_space<vmem>>
        %dma_start3A_306 = tpu.memref_squeeze %dma_start3A_305 : memref<1x128x16xf32, #tpu.memory_space<vmem>> -> memref<128x16xf32, #tpu.memory_space<vmem>>
        %dma_start3A_307 = arith.constant 0 : i32
        %dma_start3A_308 = tpu.memref_slice %arg7[%add3A_300, %dma_start3A_307] : memref<80x128xi32, #tpu.memory_space<vmem>> -> memref<1x128xi32, #tpu.memory_space<vmem>>
        %dma_start3A_309 = tpu.memref_squeeze %dma_start3A_308 : memref<1x128xi32, #tpu.memory_space<vmem>> -> memref<128xi32, #tpu.memory_space<vmem>>
        %dma_start3A_310 = arith.constant 0 : i32
        %dma_start3A_311 = arith.constant 0 : i32
        %dma_start3A_312 = tpu.memref_slice %arg2[%dma_start3A_310, %dma_start3A_311] : memref<10048x16xf32, #tpu.memory_space<hbm>> -> memref<10048x16xf32, #tpu.memory_space<hbm>>
        tpu.enqueue_indirect_dma source(%dma_start3A_312 : memref<10048x16xf32, #tpu.memory_space<hbm>>) target(%dma_start3A_306 : memref<128x16xf32, #tpu.memory_space<vmem>>) offsets(%dma_start3A_309 : memref<128xi32, #tpu.memory_space<vmem>>) semaphore(%arg11 : memref<!tpu.dma_semaphore, #tpu.memory_space<semaphore_mem>>)
      } else {
      }
      %mul3A_186 = arith.constant 4 : i32
      %mul3A_187 = arith.muli %scan3A_120, %mul3A_186 : i32
      %add3A_188 = arith.constant 0 : i32
      %add3A_189 = arith.addi %mul3A_187, %add3A_188 : i32
      %dma_start3A_190 = arith.constant 0 : i32
      %dma_start3A_191 = arith.constant 0 : i32
      %dma_start3A_192 = tpu.memref_slice %arg9[%rem3A_121, %dma_start3A_190, %dma_start3A_191] : memref<2x512x16xf32, #tpu.memory_space<vmem>> -> memref<1x128x16xf32, #tpu.memory_space<vmem>>
      %dma_start3A_193 = tpu.memref_squeeze %dma_start3A_192 : memref<1x128x16xf32, #tpu.memory_space<vmem>> -> memref<128x16xf32, #tpu.memory_space<vmem>>
      %dma_start3A_194 = arith.constant 0 : i32
      %dma_start3A_195 = tpu.memref_slice %arg8[%add3A_189, %dma_start3A_194] : memref<80x128xi32, #tpu.memory_space<vmem>> -> memref<1x128xi32, #tpu.memory_space<vmem>>
      %dma_start3A_196 = tpu.memref_squeeze %dma_start3A_195 : memref<1x128xi32, #tpu.memory_space<vmem>> -> memref<128xi32, #tpu.memory_space<vmem>>
      %dma_start3A_197 = arith.constant 0 : i32
      %dma_start3A_198 = arith.constant 0 : i32
      %dma_start3A_199 = tpu.memref_slice %arg10[%dma_start3A_197, %dma_start3A_198] : memref<10048x16xf32, #tpu.memory_space<vmem_shared>> -> memref<10048x16xf32, #tpu.memory_space<vmem_shared>>
      tpu.enqueue_indirect_dma source(%dma_start3A_193 : memref<128x16xf32, #tpu.memory_space<vmem>>) target(%dma_start3A_199 : memref<10048x16xf32, #tpu.memory_space<vmem_shared>>) offsets(%dma_start3A_196 : memref<128xi32, #tpu.memory_space<vmem>>) semaphore(%arg12 : memref<!tpu.dma_semaphore, #tpu.memory_space<semaphore_mem>>) {add = true}
      %mul3A_200 = arith.constant 4 : i32
      %mul3A_201 = arith.muli %scan3A_120, %mul3A_200 : i32
      %add3A_202 = arith.constant 1 : i32
      %add3A_203 = arith.addi %mul3A_201, %add3A_202 : i32
      %dma_start3A_204 = arith.constant 128 : i32
      %dma_start3A_205 = arith.constant 0 : i32
      %dma_start3A_206 = tpu.memref_slice %arg9[%rem3A_121, %dma_start3A_204, %dma_start3A_205] : memref<2x512x16xf32, #tpu.memory_space<vmem>> -> memref<1x128x16xf32, #tpu.memory_space<vmem>>
      %dma_start3A_207 = tpu.memref_squeeze %dma_start3A_206 : memref<1x128x16xf32, #tpu.memory_space<vmem>> -> memref<128x16xf32, #tpu.memory_space<vmem>>
      %dma_start3A_208 = arith.constant 0 : i32
      %dma_start3A_209 = tpu.memref_slice %arg8[%add3A_203, %dma_start3A_208] : memref<80x128xi32, #tpu.memory_space<vmem>> -> memref<1x128xi32, #tpu.memory_space<vmem>>
      %dma_start3A_210 = tpu.memref_squeeze %dma_start3A_209 : memref<1x128xi32, #tpu.memory_space<vmem>> -> memref<128xi32, #tpu.memory_space<vmem>>
      %dma_start3A_211 = arith.constant 0 : i32
      %dma_start3A_212 = arith.constant 0 : i32
      %dma_start3A_213 = tpu.memref_slice %arg10[%dma_start3A_211, %dma_start3A_212] : memref<10048x16xf32, #tpu.memory_space<vmem_shared>> -> memref<10048x16xf32, #tpu.memory_space<vmem_shared>>
      tpu.enqueue_indirect_dma source(%dma_start3A_207 : memref<128x16xf32, #tpu.memory_space<vmem>>) target(%dma_start3A_213 : memref<10048x16xf32, #tpu.memory_space<vmem_shared>>) offsets(%dma_start3A_210 : memref<128xi32, #tpu.memory_space<vmem>>) semaphore(%arg12 : memref<!tpu.dma_semaphore, #tpu.memory_space<semaphore_mem>>) {add = true}
      %mul3A_214 = arith.constant 4 : i32
      %mul3A_215 = arith.muli %scan3A_120, %mul3A_214 : i32
      %add3A_216 = arith.constant 2 : i32
      %add3A_217 = arith.addi %mul3A_215, %add3A_216 : i32
      %dma_start3A_218 = arith.constant 256 : i32
      %dma_start3A_219 = arith.constant 0 : i32
      %dma_start3A_220 = tpu.memref_slice %arg9[%rem3A_121, %dma_start3A_218, %dma_start3A_219] : memref<2x512x16xf32, #tpu.memory_space<vmem>> -> memref<1x128x16xf32, #tpu.memory_space<vmem>>
      %dma_start3A_221 = tpu.memref_squeeze %dma_start3A_220 : memref<1x128x16xf32, #tpu.memory_space<vmem>> -> memref<128x16xf32, #tpu.memory_space<vmem>>
      %dma_start3A_222 = arith.constant 0 : i32
      %dma_start3A_223 = tpu.memref_slice %arg8[%add3A_217, %dma_start3A_222] : memref<80x128xi32, #tpu.memory_space<vmem>> -> memref<1x128xi32, #tpu.memory_space<vmem>>
      %dma_start3A_224 = tpu.memref_squeeze %dma_start3A_223 : memref<1x128xi32, #tpu.memory_space<vmem>> -> memref<128xi32, #tpu.memory_space<vmem>>
      %dma_start3A_225 = arith.constant 0 : i32
      %dma_start3A_226 = arith.constant 0 : i32
      %dma_start3A_227 = tpu.memref_slice %arg10[%dma_start3A_225, %dma_start3A_226] : memref<10048x16xf32, #tpu.memory_space<vmem_shared>> -> memref<10048x16xf32, #tpu.memory_space<vmem_shared>>
      tpu.enqueue_indirect_dma source(%dma_start3A_221 : memref<128x16xf32, #tpu.memory_space<vmem>>) target(%dma_start3A_227 : memref<10048x16xf32, #tpu.memory_space<vmem_shared>>) offsets(%dma_start3A_224 : memref<128xi32, #tpu.memory_space<vmem>>) semaphore(%arg12 : memref<!tpu.dma_semaphore, #tpu.memory_space<semaphore_mem>>) {add = true}
      %mul3A_228 = arith.constant 4 : i32
      %mul3A_229 = arith.muli %scan3A_120, %mul3A_228 : i32
      %add3A_230 = arith.constant 3 : i32
      %add3A_231 = arith.addi %mul3A_229, %add3A_230 : i32
      %dma_start3A_232 = arith.constant 384 : i32
      %dma_start3A_233 = arith.constant 0 : i32
      %dma_start3A_234 = tpu.memref_slice %arg9[%rem3A_121, %dma_start3A_232, %dma_start3A_233] : memref<2x512x16xf32, #tpu.memory_space<vmem>> -> memref<1x128x16xf32, #tpu.memory_space<vmem>>
      %dma_start3A_235 = tpu.memref_squeeze %dma_start3A_234 : memref<1x128x16xf32, #tpu.memory_space<vmem>> -> memref<128x16xf32, #tpu.memory_space<vmem>>
      %dma_start3A_236 = arith.constant 0 : i32
      %dma_start3A_237 = tpu.memref_slice %arg8[%add3A_231, %dma_start3A_236] : memref<80x128xi32, #tpu.memory_space<vmem>> -> memref<1x128xi32, #tpu.memory_space<vmem>>
      %dma_start3A_238 = tpu.memref_squeeze %dma_start3A_237 : memref<1x128xi32, #tpu.memory_space<vmem>> -> memref<128xi32, #tpu.memory_space<vmem>>
      %dma_start3A_239 = arith.constant 0 : i32
      %dma_start3A_240 = arith.constant 0 : i32
      %dma_start3A_241 = tpu.memref_slice %arg10[%dma_start3A_239, %dma_start3A_240] : memref<10048x16xf32, #tpu.memory_space<vmem_shared>> -> memref<10048x16xf32, #tpu.memory_space<vmem_shared>>
      tpu.enqueue_indirect_dma source(%dma_start3A_235 : memref<128x16xf32, #tpu.memory_space<vmem>>) target(%dma_start3A_241 : memref<10048x16xf32, #tpu.memory_space<vmem_shared>>) offsets(%dma_start3A_238 : memref<128xi32, #tpu.memory_space<vmem>>) semaphore(%arg12 : memref<!tpu.dma_semaphore, #tpu.memory_space<semaphore_mem>>) {add = true}
    }
    %scan3A_54 = arith.constant 20 : i32
    %dma_wait3A = arith.constant 1 : i32
    %dma_wait3A_55 = arith.constant 0 : i32
    %dma_wait3A_56 = arith.constant 0 : i32
    %dma_wait3A_57 = tpu.memref_slice %arg9[%dma_wait3A, %dma_wait3A_55, %dma_wait3A_56] : memref<2x512x16xf32, #tpu.memory_space<vmem>> -> memref<1x128x16xf32, #tpu.memory_space<vmem>>
    %dma_wait3A_58 = tpu.memref_squeeze %dma_wait3A_57 : memref<1x128x16xf32, #tpu.memory_space<vmem>> -> memref<128x16xf32, #tpu.memory_space<vmem>>
    %dma_wait3A_59 = arith.constant 0 : i32
    %dma_wait3A_60 = arith.constant 0 : i32
    %dma_wait3A_61 = tpu.memref_slice %arg2[%dma_wait3A_59, %dma_wait3A_60] : memref<10048x16xf32, #tpu.memory_space<hbm>> -> memref<128x16xf32, #tpu.memory_space<hbm>>
    %dma_wait3A_62 = arith.constant 0 : i32
    %dma_wait3A_63 = arith.constant 0 : i32
    %dma_wait3A_64 = tpu.memref_slice %arg9[%dma_wait3A, %dma_wait3A_62, %dma_wait3A_63] : memref<2x512x16xf32, #tpu.memory_space<vmem>> -> memref<1x128x16xf32, #tpu.memory_space<vmem>>
    %dma_wait3A_65 = tpu.memref_squeeze %dma_wait3A_64 : memref<1x128x16xf32, #tpu.memory_space<vmem>> -> memref<128x16xf32, #tpu.memory_space<vmem>>
    %dma_wait3A_66 = arith.constant 0 : i32
    %dma_wait3A_67 = arith.constant 0 : i32
    %dma_wait3A_68 = tpu.memref_slice %arg2[%dma_wait3A_66, %dma_wait3A_67] : memref<10048x16xf32, #tpu.memory_space<hbm>> -> memref<128x16xf32, #tpu.memory_space<hbm>>
    tpu.wait_dma2 semaphore(%arg12 : memref<!tpu.dma_semaphore, #tpu.memory_space<semaphore_mem>>) src(%dma_wait3A_68 : memref<128x16xf32, #tpu.memory_space<hbm>>) dst(%dma_wait3A_65 : memref<128x16xf32, #tpu.memory_space<vmem>>)
    %dma_wait3A_69 = arith.constant 1 : i32
    %dma_wait3A_70 = arith.constant 128 : i32
    %dma_wait3A_71 = arith.constant 0 : i32
    %dma_wait3A_72 = tpu.memref_slice %arg9[%dma_wait3A_69, %dma_wait3A_70, %dma_wait3A_71] : memref<2x512x16xf32, #tpu.memory_space<vmem>> -> memref<1x128x16xf32, #tpu.memory_space<vmem>>
    %dma_wait3A_73 = tpu.memref_squeeze %dma_wait3A_72 : memref<1x128x16xf32, #tpu.memory_space<vmem>> -> memref<128x16xf32, #tpu.memory_space<vmem>>
    %dma_wait3A_74 = arith.constant 0 : i32
    %dma_wait3A_75 = arith.constant 0 : i32
    %dma_wait3A_76 = tpu.memref_slice %arg2[%dma_wait3A_74, %dma_wait3A_75] : memref<10048x16xf32, #tpu.memory_space<hbm>> -> memref<128x16xf32, #tpu.memory_space<hbm>>
    %dma_wait3A_77 = arith.constant 128 : i32
    %dma_wait3A_78 = arith.constant 0 : i32
    %dma_wait3A_79 = tpu.memref_slice %arg9[%dma_wait3A_69, %dma_wait3A_77, %dma_wait3A_78] : memref<2x512x16xf32, #tpu.memory_space<vmem>> -> memref<1x128x16xf32, #tpu.memory_space<vmem>>
    %dma_wait3A_80 = tpu.memref_squeeze %dma_wait3A_79 : memref<1x128x16xf32, #tpu.memory_space<vmem>> -> memref<128x16xf32, #tpu.memory_space<vmem>>
    %dma_wait3A_81 = arith.constant 0 : i32
    %dma_wait3A_82 = arith.constant 0 : i32
    %dma_wait3A_83 = tpu.memref_slice %arg2[%dma_wait3A_81, %dma_wait3A_82] : memref<10048x16xf32, #tpu.memory_space<hbm>> -> memref<128x16xf32, #tpu.memory_space<hbm>>
    tpu.wait_dma2 semaphore(%arg12 : memref<!tpu.dma_semaphore, #tpu.memory_space<semaphore_mem>>) src(%dma_wait3A_83 : memref<128x16xf32, #tpu.memory_space<hbm>>) dst(%dma_wait3A_80 : memref<128x16xf32, #tpu.memory_space<vmem>>)
    %dma_wait3A_84 = arith.constant 1 : i32
    %dma_wait3A_85 = arith.constant 256 : i32
    %dma_wait3A_86 = arith.constant 0 : i32
    %dma_wait3A_87 = tpu.memref_slice %arg9[%dma_wait3A_84, %dma_wait3A_85, %dma_wait3A_86] : memref<2x512x16xf32, #tpu.memory_space<vmem>> -> memref<1x128x16xf32, #tpu.memory_space<vmem>>
    %dma_wait3A_88 = tpu.memref_squeeze %dma_wait3A_87 : memref<1x128x16xf32, #tpu.memory_space<vmem>> -> memref<128x16xf32, #tpu.memory_space<vmem>>
    %dma_wait3A_89 = arith.constant 0 : i32
    %dma_wait3A_90 = arith.constant 0 : i32
    %dma_wait3A_91 = tpu.memref_slice %arg2[%dma_wait3A_89, %dma_wait3A_90] : memref<10048x16xf32, #tpu.memory_space<hbm>> -> memref<128x16xf32, #tpu.memory_space<hbm>>
    %dma_wait3A_92 = arith.constant 256 : i32
    %dma_wait3A_93 = arith.constant 0 : i32
    %dma_wait3A_94 = tpu.memref_slice %arg9[%dma_wait3A_84, %dma_wait3A_92, %dma_wait3A_93] : memref<2x512x16xf32, #tpu.memory_space<vmem>> -> memref<1x128x16xf32, #tpu.memory_space<vmem>>
    %dma_wait3A_95 = tpu.memref_squeeze %dma_wait3A_94 : memref<1x128x16xf32, #tpu.memory_space<vmem>> -> memref<128x16xf32, #tpu.memory_space<vmem>>
    %dma_wait3A_96 = arith.constant 0 : i32
    %dma_wait3A_97 = arith.constant 0 : i32
    %dma_wait3A_98 = tpu.memref_slice %arg2[%dma_wait3A_96, %dma_wait3A_97] : memref<10048x16xf32, #tpu.memory_space<hbm>> -> memref<128x16xf32, #tpu.memory_space<hbm>>
    tpu.wait_dma2 semaphore(%arg12 : memref<!tpu.dma_semaphore, #tpu.memory_space<semaphore_mem>>) src(%dma_wait3A_98 : memref<128x16xf32, #tpu.memory_space<hbm>>) dst(%dma_wait3A_95 : memref<128x16xf32, #tpu.memory_space<vmem>>)
    %dma_wait3A_99 = arith.constant 1 : i32
    %dma_wait3A_100 = arith.constant 384 : i32
    %dma_wait3A_101 = arith.constant 0 : i32
    %dma_wait3A_102 = tpu.memref_slice %arg9[%dma_wait3A_99, %dma_wait3A_100, %dma_wait3A_101] : memref<2x512x16xf32, #tpu.memory_space<vmem>> -> memref<1x128x16xf32, #tpu.memory_space<vmem>>
    %dma_wait3A_103 = tpu.memref_squeeze %dma_wait3A_102 : memref<1x128x16xf32, #tpu.memory_space<vmem>> -> memref<128x16xf32, #tpu.memory_space<vmem>>
    %dma_wait3A_104 = arith.constant 0 : i32
    %dma_wait3A_105 = arith.constant 0 : i32
    %dma_wait3A_106 = tpu.memref_slice %arg2[%dma_wait3A_104, %dma_wait3A_105] : memref<10048x16xf32, #tpu.memory_space<hbm>> -> memref<128x16xf32, #tpu.memory_space<hbm>>
    %dma_wait3A_107 = arith.constant 384 : i32
    %dma_wait3A_108 = arith.constant 0 : i32
    %dma_wait3A_109 = tpu.memref_slice %arg9[%dma_wait3A_99, %dma_wait3A_107, %dma_wait3A_108] : memref<2x512x16xf32, #tpu.memory_space<vmem>> -> memref<1x128x16xf32, #tpu.memory_space<vmem>>
    %dma_wait3A_110 = tpu.memref_squeeze %dma_wait3A_109 : memref<1x128x16xf32, #tpu.memory_space<vmem>> -> memref<128x16xf32, #tpu.memory_space<vmem>>
    %dma_wait3A_111 = arith.constant 0 : i32
    %dma_wait3A_112 = arith.constant 0 : i32
    %dma_wait3A_113 = tpu.memref_slice %arg2[%dma_wait3A_111, %dma_wait3A_112] : memref<10048x16xf32, #tpu.memory_space<hbm>> -> memref<128x16xf32, #tpu.memory_space<hbm>>
    tpu.wait_dma2 semaphore(%arg12 : memref<!tpu.dma_semaphore, #tpu.memory_space<semaphore_mem>>) src(%dma_wait3A_113 : memref<128x16xf32, #tpu.memory_space<hbm>>) dst(%dma_wait3A_110 : memref<128x16xf32, #tpu.memory_space<vmem>>)
    %barrier3A_114 = arith.constant 0 : index
    tpu.barrier barrier_id(%barrier3A_114)
    %eq3A_115 = arith.constant 0 : i32
    %eq3A_116 = arith.cmpi eq, %arg1, %eq3A_115 : i32
    %convert_element_type3A_117 = arith.extui %eq3A_116 : i1 to i32
    %cond3A_118 = arith.constant 0 : i32
    %cond3A_119 = arith.cmpi ne, %convert_element_type3A_117, %cond3A_118 : i32
    scf.if %cond3A_119 {
      "tpu.region"() ({
        %run_scoped3A = tpu.sem_alloc : memref<!tpu.dma_semaphore, #tpu.memory_space<semaphore_mem>>
        %dma_start3A_120 = arith.constant 0 : i32
        %dma_start3A_121 = arith.constant 0 : i32
        %dma_start3A_122 = tpu.memref_slice %arg6[%arg0, %dma_start3A_120, %dma_start3A_121] : memref<2x10048x16xf32, #tpu.memory_space<hbm>> -> memref<1x10048x16xf32, #tpu.memory_space<hbm>>
        %dma_start3A_123 = tpu.memref_squeeze %dma_start3A_122 : memref<1x10048x16xf32, #tpu.memory_space<hbm>> -> memref<10048x16xf32, #tpu.memory_space<hbm>>
        tpu.enqueue_dma source(%arg10 : memref<10048x16xf32, #tpu.memory_space<vmem_shared>>) target(%dma_start3A_123 : memref<10048x16xf32, #tpu.memory_space<hbm>>) target_semaphore(%run_scoped3A : memref<!tpu.dma_semaphore, #tpu.memory_space<semaphore_mem>>)
        %dma_wait3A_124 = arith.constant 0 : i32
        %dma_wait3A_125 = arith.constant 0 : i32
        %dma_wait3A_126 = tpu.memref_slice %arg6[%arg0, %dma_wait3A_124, %dma_wait3A_125] : memref<2x10048x16xf32, #tpu.memory_space<hbm>> -> memref<1x10048x16xf32, #tpu.memory_space<hbm>>
        %dma_wait3A_127 = tpu.memref_squeeze %dma_wait3A_126 : memref<1x10048x16xf32, #tpu.memory_space<hbm>> -> memref<10048x16xf32, #tpu.memory_space<hbm>>
        tpu.wait_dma2 semaphore(%run_scoped3A : memref<!tpu.dma_semaphore, #tpu.memory_space<semaphore_mem>>) src(%arg10 : memref<10048x16xf32, #tpu.memory_space<vmem_shared>>) dst(%dma_wait3A_127 : memref<10048x16xf32, #tpu.memory_space<hbm>>)
        tpu.yield
      }) : () -> ()
    } else {
    }
    return
  }
}

#map = affine_map<(d0, d1) -> (0, 0, 0)>
#map1 = affine_map<(d0, d1) -> (0, 0)>
module attributes {stable_mosaic.version = 14 : i64} {
  func.func @k(%arg0: i32, %arg1: i32, %arg2: memref<32x80x128xi32, #tpu.memory_space<hbm>>, %arg3: memref<128x16xf32, #tpu.memory_space<hbm>>, %arg4: memref<10048x16xf32, #tpu.memory_space<hbm>>, %arg5: memref<2x10048x16xf32, #tpu.memory_space<hbm>>, %arg6: memref<80x128xi32, #tpu.memory_space<vmem>>, %arg7: memref<128x16xf32, #tpu.memory_space<vmem>>, %arg8: memref<10048x16xf32, #tpu.memory_space<vmem_shared>>, %arg9: memref<!tpu.dma_semaphore, #tpu.memory_space<semaphore_mem>>) attributes {dimension_semantics = [#tpu.dimension_semantics<core_parallel>, #tpu.dimension_semantics<subcore_parallel>], iteration_bounds = array<i64: 2, 16>, scalar_prefetch = 0 : i64, scratch_operands = 4 : i64, tpu.core_type = #tpu.core_type<sc_vector_subcore>, window_params = [{transform_indices = #map}, {transform_indices = #map1}, {transform_indices = #map1}, {transform_indices = #map}]} {
    %mul3A = arith.constant 2 : i32
    %mul3A_0 = arith.muli %arg1, %mul3A : i32
    %add3A = arith.addi %mul3A_0, %arg0 : i32
    "tpu.region"() ({
      %run_scoped3A = tpu.sem_alloc : memref<!tpu.dma_semaphore, #tpu.memory_space<semaphore_mem>>
      %dma_start3A = arith.constant 0 : i32
      %dma_start3A_20 = arith.constant 0 : i32
      %dma_start3A_21 = tpu.memref_slice %arg2[%add3A, %dma_start3A, %dma_start3A_20] : memref<32x80x128xi32, #tpu.memory_space<hbm>> -> memref<1x80x128xi32, #tpu.memory_space<hbm>>
      %dma_start3A_22 = tpu.memref_squeeze %dma_start3A_21 : memref<1x80x128xi32, #tpu.memory_space<hbm>> -> memref<80x128xi32, #tpu.memory_space<hbm>>
      %dma_start3A_23 = arith.constant 0 : i32
      %dma_start3A_24 = arith.constant 0 : i32
      %dma_start3A_25 = tpu.memref_slice %arg2[%add3A, %dma_start3A_23, %dma_start3A_24] : memref<32x80x128xi32, #tpu.memory_space<hbm>> -> memref<1x80x128xi32, #tpu.memory_space<hbm>>
      %dma_start3A_26 = tpu.memref_squeeze %dma_start3A_25 : memref<1x80x128xi32, #tpu.memory_space<hbm>> -> memref<80x128xi32, #tpu.memory_space<hbm>>
      tpu.enqueue_dma source(%dma_start3A_26 : memref<80x128xi32, #tpu.memory_space<hbm>>) target(%arg6 : memref<80x128xi32, #tpu.memory_space<vmem>>) target_semaphore(%run_scoped3A : memref<!tpu.dma_semaphore, #tpu.memory_space<semaphore_mem>>)
      %dma_wait3A = arith.constant 0 : i32
      %dma_wait3A_27 = arith.constant 0 : i32
      %dma_wait3A_28 = tpu.memref_slice %arg2[%add3A, %dma_wait3A, %dma_wait3A_27] : memref<32x80x128xi32, #tpu.memory_space<hbm>> -> memref<1x80x128xi32, #tpu.memory_space<hbm>>
      %dma_wait3A_29 = tpu.memref_squeeze %dma_wait3A_28 : memref<1x80x128xi32, #tpu.memory_space<hbm>> -> memref<80x128xi32, #tpu.memory_space<hbm>>
      %dma_wait3A_30 = arith.constant 0 : i32
      %dma_wait3A_31 = arith.constant 0 : i32
      %dma_wait3A_32 = tpu.memref_slice %arg2[%add3A, %dma_wait3A_30, %dma_wait3A_31] : memref<32x80x128xi32, #tpu.memory_space<hbm>> -> memref<1x80x128xi32, #tpu.memory_space<hbm>>
      %dma_wait3A_33 = tpu.memref_squeeze %dma_wait3A_32 : memref<1x80x128xi32, #tpu.memory_space<hbm>> -> memref<80x128xi32, #tpu.memory_space<hbm>>
      tpu.wait_dma2 semaphore(%run_scoped3A : memref<!tpu.dma_semaphore, #tpu.memory_space<semaphore_mem>>) src(%dma_wait3A_33 : memref<80x128xi32, #tpu.memory_space<hbm>>) dst(%arg6 : memref<80x128xi32, #tpu.memory_space<vmem>>)
      tpu.yield
    }) : () -> ()
    "tpu.region"() ({
      %run_scoped3A = tpu.sem_alloc : memref<!tpu.dma_semaphore, #tpu.memory_space<semaphore_mem>>
      tpu.enqueue_dma source(%arg3 : memref<128x16xf32, #tpu.memory_space<hbm>>) target(%arg7 : memref<128x16xf32, #tpu.memory_space<vmem>>) target_semaphore(%run_scoped3A : memref<!tpu.dma_semaphore, #tpu.memory_space<semaphore_mem>>)
      tpu.wait_dma2 semaphore(%run_scoped3A : memref<!tpu.dma_semaphore, #tpu.memory_space<semaphore_mem>>) src(%arg3 : memref<128x16xf32, #tpu.memory_space<hbm>>) dst(%arg7 : memref<128x16xf32, #tpu.memory_space<vmem>>)
      tpu.yield
    }) : () -> ()
    %eq3A = arith.constant 0 : i32
    %eq3A_1 = arith.cmpi eq, %arg1, %eq3A : i32
    %convert_element_type3A = arith.extui %eq3A_1 : i1 to i32
    %cond3A = arith.constant 0 : i32
    %cond3A_2 = arith.cmpi ne, %convert_element_type3A, %cond3A : i32
    scf.if %cond3A_2 {
      "tpu.region"() ({
        %run_scoped3A = tpu.sem_alloc : memref<!tpu.dma_semaphore, #tpu.memory_space<semaphore_mem>>
        tpu.enqueue_dma source(%arg4 : memref<10048x16xf32, #tpu.memory_space<hbm>>) target(%arg8 : memref<10048x16xf32, #tpu.memory_space<vmem_shared>>) target_semaphore(%run_scoped3A : memref<!tpu.dma_semaphore, #tpu.memory_space<semaphore_mem>>)
        tpu.wait_dma2 semaphore(%run_scoped3A : memref<!tpu.dma_semaphore, #tpu.memory_space<semaphore_mem>>) src(%arg4 : memref<10048x16xf32, #tpu.memory_space<hbm>>) dst(%arg8 : memref<10048x16xf32, #tpu.memory_space<vmem_shared>>)
        tpu.yield
      }) : () -> ()
    } else {
    }
    %barrier3A = arith.constant 0 : index
    tpu.barrier barrier_id(%barrier3A)
    %scan3A = arith.constant 0 : i32
    %scan3A_3 = arith.constant 0 : i32
    %scan3A_4 = arith.constant 80 : i32
    %scan3A_5 = arith.addi %scan3A_3, %scan3A_4 : i32
    %scan3A_6 = arith.constant 1 : i32
    scf.for %scan3A_20 = %scan3A_3 to %scan3A_5 step %scan3A_6  : i32 {
      %dma_start3A = arith.constant 0 : i32
      %dma_start3A_21 = tpu.memref_slice %arg6[%scan3A_20, %dma_start3A] : memref<80x128xi32, #tpu.memory_space<vmem>> -> memref<1x128xi32, #tpu.memory_space<vmem>>
      %dma_start3A_22 = tpu.memref_squeeze %dma_start3A_21 : memref<1x128xi32, #tpu.memory_space<vmem>> -> memref<128xi32, #tpu.memory_space<vmem>>
      %dma_start3A_23 = arith.constant 0 : i32
      %dma_start3A_24 = arith.constant 0 : i32
      %dma_start3A_25 = tpu.memref_slice %arg8[%dma_start3A_23, %dma_start3A_24] : memref<10048x16xf32, #tpu.memory_space<vmem_shared>> -> memref<10048x16xf32, #tpu.memory_space<vmem_shared>>
      tpu.enqueue_indirect_dma source(%arg7 : memref<128x16xf32, #tpu.memory_space<vmem>>) target(%dma_start3A_25 : memref<10048x16xf32, #tpu.memory_space<vmem_shared>>) offsets(%dma_start3A_22 : memref<128xi32, #tpu.memory_space<vmem>>) semaphore(%arg9 : memref<!tpu.dma_semaphore, #tpu.memory_space<semaphore_mem>>) {add = true}
    }
    %scan3A_7 = arith.constant 80 : i32
    %scan3A_8 = arith.constant 0 : i32
    %scan3A_9 = arith.constant 0 : i32
    %scan3A_10 = arith.constant 80 : i32
    %scan3A_11 = arith.addi %scan3A_9, %scan3A_10 : i32
    %scan3A_12 = arith.constant 1 : i32
    scf.for %scan3A_20 = %scan3A_9 to %scan3A_11 step %scan3A_12  : i32 {
      tpu.wait_dma2 semaphore(%arg9 : memref<!tpu.dma_semaphore, #tpu.memory_space<semaphore_mem>>) src(%arg3 : memref<128x16xf32, #tpu.memory_space<hbm>>) dst(%arg7 : memref<128x16xf32, #tpu.memory_space<vmem>>)
    }
    %scan3A_13 = arith.constant 80 : i32
    %barrier3A_14 = arith.constant 0 : index
    tpu.barrier barrier_id(%barrier3A_14)
    %eq3A_15 = arith.constant 0 : i32
    %eq3A_16 = arith.cmpi eq, %arg1, %eq3A_15 : i32
    %convert_element_type3A_17 = arith.extui %eq3A_16 : i1 to i32
    %cond3A_18 = arith.constant 0 : i32
    %cond3A_19 = arith.cmpi ne, %convert_element_type3A_17, %cond3A_18 : i32
    scf.if %cond3A_19 {
      "tpu.region"() ({
        %run_scoped3A = tpu.sem_alloc : memref<!tpu.dma_semaphore, #tpu.memory_space<semaphore_mem>>
        %dma_start3A = arith.constant 0 : i32
        %dma_start3A_20 = arith.constant 0 : i32
        %dma_start3A_21 = tpu.memref_slice %arg5[%arg0, %dma_start3A, %dma_start3A_20] : memref<2x10048x16xf32, #tpu.memory_space<hbm>> -> memref<1x10048x16xf32, #tpu.memory_space<hbm>>
        %dma_start3A_22 = tpu.memref_squeeze %dma_start3A_21 : memref<1x10048x16xf32, #tpu.memory_space<hbm>> -> memref<10048x16xf32, #tpu.memory_space<hbm>>
        tpu.enqueue_dma source(%arg8 : memref<10048x16xf32, #tpu.memory_space<vmem_shared>>) target(%dma_start3A_22 : memref<10048x16xf32, #tpu.memory_space<hbm>>) target_semaphore(%run_scoped3A : memref<!tpu.dma_semaphore, #tpu.memory_space<semaphore_mem>>)
        %dma_wait3A = arith.constant 0 : i32
        %dma_wait3A_23 = arith.constant 0 : i32
        %dma_wait3A_24 = tpu.memref_slice %arg5[%arg0, %dma_wait3A, %dma_wait3A_23] : memref<2x10048x16xf32, #tpu.memory_space<hbm>> -> memref<1x10048x16xf32, #tpu.memory_space<hbm>>
        %dma_wait3A_25 = tpu.memref_squeeze %dma_wait3A_24 : memref<1x10048x16xf32, #tpu.memory_space<hbm>> -> memref<10048x16xf32, #tpu.memory_space<hbm>>
        tpu.wait_dma2 semaphore(%run_scoped3A : memref<!tpu.dma_semaphore, #tpu.memory_space<semaphore_mem>>) src(%arg8 : memref<10048x16xf32, #tpu.memory_space<vmem_shared>>) dst(%dma_wait3A_25 : memref<10048x16xf32, #tpu.memory_space<hbm>>)
        tpu.yield
      }) : () -> ()
    } else {
    }
    return
  }
}

#map = affine_map<(d0, d1) -> (0, 0)>
#map1 = affine_map<(d0, d1) -> (0, 0, 0)>
module attributes {stable_mosaic.version = 14 : i64} {
  func.func @k(%arg0: i32, %arg1: i32, %arg2: memref<10048x16xf32, #tpu.memory_space<hbm>>, %arg3: memref<32x80x128xi32, #tpu.memory_space<hbm>>, %arg4: memref<32x80x128xi32, #tpu.memory_space<hbm>>, %arg5: memref<10048x16xf32, #tpu.memory_space<hbm>>, %arg6: memref<2x10048x16xf32, #tpu.memory_space<hbm>>, %arg7: memref<80x128xi32, #tpu.memory_space<vmem>>, %arg8: memref<80x128xi32, #tpu.memory_space<vmem>>, %arg9: memref<2x512x16xf32, #tpu.memory_space<vmem>>, %arg10: memref<10048x16xf32, #tpu.memory_space<vmem_shared>>, %arg11: memref<!tpu.dma_semaphore, #tpu.memory_space<semaphore_mem>>, %arg12: memref<!tpu.dma_semaphore, #tpu.memory_space<semaphore_mem>>) attributes {dimension_semantics = [#tpu.dimension_semantics<core_parallel>, #tpu.dimension_semantics<subcore_parallel>], iteration_bounds = array<i64: 2, 16>, scalar_prefetch = 0 : i64, scratch_operands = 6 : i64, tpu.core_type = #tpu.core_type<sc_vector_subcore>, window_params = [{transform_indices = #map}, {transform_indices = #map1}, {transform_indices = #map1}, {transform_indices = #map}, {transform_indices = #map1}]} {
    %mul3A = arith.constant 2 : i32
    %mul3A_0 = arith.muli %arg1, %mul3A : i32
    %add3A = arith.addi %mul3A_0, %arg0 : i32
    "tpu.region"() ({
      %run_scoped3A = tpu.sem_alloc : memref<!tpu.dma_semaphore, #tpu.memory_space<semaphore_mem>>
      %dma_start3A_120 = arith.constant 0 : i32
      %dma_start3A_121 = arith.constant 0 : i32
      %dma_start3A_122 = tpu.memref_slice %arg3[%add3A, %dma_start3A_120, %dma_start3A_121] : memref<32x80x128xi32, #tpu.memory_space<hbm>> -> memref<1x80x128xi32, #tpu.memory_space<hbm>>
      %dma_start3A_123 = tpu.memref_squeeze %dma_start3A_122 : memref<1x80x128xi32, #tpu.memory_space<hbm>> -> memref<80x128xi32, #tpu.memory_space<hbm>>
      %dma_start3A_124 = arith.constant 0 : i32
      %dma_start3A_125 = arith.constant 0 : i32
      %dma_start3A_126 = tpu.memref_slice %arg3[%add3A, %dma_start3A_124, %dma_start3A_125] : memref<32x80x128xi32, #tpu.memory_space<hbm>> -> memref<1x80x128xi32, #tpu.memory_space<hbm>>
      %dma_start3A_127 = tpu.memref_squeeze %dma_start3A_126 : memref<1x80x128xi32, #tpu.memory_space<hbm>> -> memref<80x128xi32, #tpu.memory_space<hbm>>
      tpu.enqueue_dma source(%dma_start3A_127 : memref<80x128xi32, #tpu.memory_space<hbm>>) target(%arg7 : memref<80x128xi32, #tpu.memory_space<vmem>>) target_semaphore(%run_scoped3A : memref<!tpu.dma_semaphore, #tpu.memory_space<semaphore_mem>>)
      %dma_wait3A_128 = arith.constant 0 : i32
      %dma_wait3A_129 = arith.constant 0 : i32
      %dma_wait3A_130 = tpu.memref_slice %arg3[%add3A, %dma_wait3A_128, %dma_wait3A_129] : memref<32x80x128xi32, #tpu.memory_space<hbm>> -> memref<1x80x128xi32, #tpu.memory_space<hbm>>
      %dma_wait3A_131 = tpu.memref_squeeze %dma_wait3A_130 : memref<1x80x128xi32, #tpu.memory_space<hbm>> -> memref<80x128xi32, #tpu.memory_space<hbm>>
      %dma_wait3A_132 = arith.constant 0 : i32
      %dma_wait3A_133 = arith.constant 0 : i32
      %dma_wait3A_134 = tpu.memref_slice %arg3[%add3A, %dma_wait3A_132, %dma_wait3A_133] : memref<32x80x128xi32, #tpu.memory_space<hbm>> -> memref<1x80x128xi32, #tpu.memory_space<hbm>>
      %dma_wait3A_135 = tpu.memref_squeeze %dma_wait3A_134 : memref<1x80x128xi32, #tpu.memory_space<hbm>> -> memref<80x128xi32, #tpu.memory_space<hbm>>
      tpu.wait_dma2 semaphore(%run_scoped3A : memref<!tpu.dma_semaphore, #tpu.memory_space<semaphore_mem>>) src(%dma_wait3A_135 : memref<80x128xi32, #tpu.memory_space<hbm>>) dst(%arg7 : memref<80x128xi32, #tpu.memory_space<vmem>>)
      tpu.yield
    }) : () -> ()
    "tpu.region"() ({
      %run_scoped3A = tpu.sem_alloc : memref<!tpu.dma_semaphore, #tpu.memory_space<semaphore_mem>>
      %dma_start3A_120 = arith.constant 0 : i32
      %dma_start3A_121 = arith.constant 0 : i32
      %dma_start3A_122 = tpu.memref_slice %arg4[%add3A, %dma_start3A_120, %dma_start3A_121] : memref<32x80x128xi32, #tpu.memory_space<hbm>> -> memref<1x80x128xi32, #tpu.memory_space<hbm>>
      %dma_start3A_123 = tpu.memref_squeeze %dma_start3A_122 : memref<1x80x128xi32, #tpu.memory_space<hbm>> -> memref<80x128xi32, #tpu.memory_space<hbm>>
      %dma_start3A_124 = arith.constant 0 : i32
      %dma_start3A_125 = arith.constant 0 : i32
      %dma_start3A_126 = tpu.memref_slice %arg4[%add3A, %dma_start3A_124, %dma_start3A_125] : memref<32x80x128xi32, #tpu.memory_space<hbm>> -> memref<1x80x128xi32, #tpu.memory_space<hbm>>
      %dma_start3A_127 = tpu.memref_squeeze %dma_start3A_126 : memref<1x80x128xi32, #tpu.memory_space<hbm>> -> memref<80x128xi32, #tpu.memory_space<hbm>>
      tpu.enqueue_dma source(%dma_start3A_127 : memref<80x128xi32, #tpu.memory_space<hbm>>) target(%arg8 : memref<80x128xi32, #tpu.memory_space<vmem>>) target_semaphore(%run_scoped3A : memref<!tpu.dma_semaphore, #tpu.memory_space<semaphore_mem>>)
      %dma_wait3A_128 = arith.constant 0 : i32
      %dma_wait3A_129 = arith.constant 0 : i32
      %dma_wait3A_130 = tpu.memref_slice %arg4[%add3A, %dma_wait3A_128, %dma_wait3A_129] : memref<32x80x128xi32, #tpu.memory_space<hbm>> -> memref<1x80x128xi32, #tpu.memory_space<hbm>>
      %dma_wait3A_131 = tpu.memref_squeeze %dma_wait3A_130 : memref<1x80x128xi32, #tpu.memory_space<hbm>> -> memref<80x128xi32, #tpu.memory_space<hbm>>
      %dma_wait3A_132 = arith.constant 0 : i32
      %dma_wait3A_133 = arith.constant 0 : i32
      %dma_wait3A_134 = tpu.memref_slice %arg4[%add3A, %dma_wait3A_132, %dma_wait3A_133] : memref<32x80x128xi32, #tpu.memory_space<hbm>> -> memref<1x80x128xi32, #tpu.memory_space<hbm>>
      %dma_wait3A_135 = tpu.memref_squeeze %dma_wait3A_134 : memref<1x80x128xi32, #tpu.memory_space<hbm>> -> memref<80x128xi32, #tpu.memory_space<hbm>>
      tpu.wait_dma2 semaphore(%run_scoped3A : memref<!tpu.dma_semaphore, #tpu.memory_space<semaphore_mem>>) src(%dma_wait3A_135 : memref<80x128xi32, #tpu.memory_space<hbm>>) dst(%arg8 : memref<80x128xi32, #tpu.memory_space<vmem>>)
      tpu.yield
    }) : () -> ()
    %eq3A = arith.constant 0 : i32
    %eq3A_1 = arith.cmpi eq, %arg1, %eq3A : i32
    %convert_element_type3A = arith.extui %eq3A_1 : i1 to i32
    %cond3A = arith.constant 0 : i32
    %cond3A_2 = arith.cmpi ne, %convert_element_type3A, %cond3A : i32
    scf.if %cond3A_2 {
      "tpu.region"() ({
        %run_scoped3A = tpu.sem_alloc : memref<!tpu.dma_semaphore, #tpu.memory_space<semaphore_mem>>
        tpu.enqueue_dma source(%arg5 : memref<10048x16xf32, #tpu.memory_space<hbm>>) target(%arg10 : memref<10048x16xf32, #tpu.memory_space<vmem_shared>>) target_semaphore(%run_scoped3A : memref<!tpu.dma_semaphore, #tpu.memory_space<semaphore_mem>>)
        tpu.wait_dma2 semaphore(%run_scoped3A : memref<!tpu.dma_semaphore, #tpu.memory_space<semaphore_mem>>) src(%arg5 : memref<10048x16xf32, #tpu.memory_space<hbm>>) dst(%arg10 : memref<10048x16xf32, #tpu.memory_space<vmem_shared>>)
        tpu.yield
      }) : () -> ()
    } else {
    }
    %barrier3A = arith.constant 0 : index
    tpu.barrier barrier_id(%barrier3A)
    %dma_start3A = arith.constant 0 : i32
    %dma_start3A_3 = arith.constant 0 : i32
    %dma_start3A_4 = arith.constant 0 : i32
    %dma_start3A_5 = arith.constant 0 : i32
    %dma_start3A_6 = tpu.memref_slice %arg9[%dma_start3A_3, %dma_start3A_4, %dma_start3A_5] : memref<2x512x16xf32, #tpu.memory_space<vmem>> -> memref<1x128x16xf32, #tpu.memory_space<vmem>>
    %dma_start3A_7 = tpu.memref_squeeze %dma_start3A_6 : memref<1x128x16xf32, #tpu.memory_space<vmem>> -> memref<128x16xf32, #tpu.memory_space<vmem>>
    %dma_start3A_8 = arith.constant 0 : i32
    %dma_start3A_9 = tpu.memref_slice %arg7[%dma_start3A, %dma_start3A_8] : memref<80x128xi32, #tpu.memory_space<vmem>> -> memref<1x128xi32, #tpu.memory_space<vmem>>
    %dma_start3A_10 = tpu.memref_squeeze %dma_start3A_9 : memref<1x128xi32, #tpu.memory_space<vmem>> -> memref<128xi32, #tpu.memory_space<vmem>>
    %dma_start3A_11 = arith.constant 0 : i32
    %dma_start3A_12 = arith.constant 0 : i32
    %dma_start3A_13 = tpu.memref_slice %arg2[%dma_start3A_11, %dma_start3A_12] : memref<10048x16xf32, #tpu.memory_space<hbm>> -> memref<10048x16xf32, #tpu.memory_space<hbm>>
    tpu.enqueue_indirect_dma source(%dma_start3A_13 : memref<10048x16xf32, #tpu.memory_space<hbm>>) target(%dma_start3A_7 : memref<128x16xf32, #tpu.memory_space<vmem>>) offsets(%dma_start3A_10 : memref<128xi32, #tpu.memory_space<vmem>>) semaphore(%arg11 : memref<!tpu.dma_semaphore, #tpu.memory_space<semaphore_mem>>)
    %dma_start3A_14 = arith.constant 1 : i32
    %dma_start3A_15 = arith.constant 0 : i32
    %dma_start3A_16 = arith.constant 128 : i32
    %dma_start3A_17 = arith.constant 0 : i32
    %dma_start3A_18 = tpu.memref_slice %arg9[%dma_start3A_15, %dma_start3A_16, %dma_start3A_17] : memref<2x512x16xf32, #tpu.memory_space<vmem>> -> memref<1x128x16xf32, #tpu.memory_space<vmem>>
    %dma_start3A_19 = tpu.memref_squeeze %dma_start3A_18 : memref<1x128x16xf32, #tpu.memory_space<vmem>> -> memref<128x16xf32, #tpu.memory_space<vmem>>
    %dma_start3A_20 = arith.constant 0 : i32
    %dma_start3A_21 = tpu.memref_slice %arg7[%dma_start3A_14, %dma_start3A_20] : memref<80x128xi32, #tpu.memory_space<vmem>> -> memref<1x128xi32, #tpu.memory_space<vmem>>
    %dma_start3A_22 = tpu.memref_squeeze %dma_start3A_21 : memref<1x128xi32, #tpu.memory_space<vmem>> -> memref<128xi32, #tpu.memory_space<vmem>>
    %dma_start3A_23 = arith.constant 0 : i32
    %dma_start3A_24 = arith.constant 0 : i32
    %dma_start3A_25 = tpu.memref_slice %arg2[%dma_start3A_23, %dma_start3A_24] : memref<10048x16xf32, #tpu.memory_space<hbm>> -> memref<10048x16xf32, #tpu.memory_space<hbm>>
    tpu.enqueue_indirect_dma source(%dma_start3A_25 : memref<10048x16xf32, #tpu.memory_space<hbm>>) target(%dma_start3A_19 : memref<128x16xf32, #tpu.memory_space<vmem>>) offsets(%dma_start3A_22 : memref<128xi32, #tpu.memory_space<vmem>>) semaphore(%arg11 : memref<!tpu.dma_semaphore, #tpu.memory_space<semaphore_mem>>)
    %dma_start3A_26 = arith.constant 2 : i32
    %dma_start3A_27 = arith.constant 0 : i32
    %dma_start3A_28 = arith.constant 256 : i32
    %dma_start3A_29 = arith.constant 0 : i32
    %dma_start3A_30 = tpu.memref_slice %arg9[%dma_start3A_27, %dma_start3A_28, %dma_start3A_29] : memref<2x512x16xf32, #tpu.memory_space<vmem>> -> memref<1x128x16xf32, #tpu.memory_space<vmem>>
    %dma_start3A_31 = tpu.memref_squeeze %dma_start3A_30 : memref<1x128x16xf32, #tpu.memory_space<vmem>> -> memref<128x16xf32, #tpu.memory_space<vmem>>
    %dma_start3A_32 = arith.constant 0 : i32
    %dma_start3A_33 = tpu.memref_slice %arg7[%dma_start3A_26, %dma_start3A_32] : memref<80x128xi32, #tpu.memory_space<vmem>> -> memref<1x128xi32, #tpu.memory_space<vmem>>
    %dma_start3A_34 = tpu.memref_squeeze %dma_start3A_33 : memref<1x128xi32, #tpu.memory_space<vmem>> -> memref<128xi32, #tpu.memory_space<vmem>>
    %dma_start3A_35 = arith.constant 0 : i32
    %dma_start3A_36 = arith.constant 0 : i32
    %dma_start3A_37 = tpu.memref_slice %arg2[%dma_start3A_35, %dma_start3A_36] : memref<10048x16xf32, #tpu.memory_space<hbm>> -> memref<10048x16xf32, #tpu.memory_space<hbm>>
    tpu.enqueue_indirect_dma source(%dma_start3A_37 : memref<10048x16xf32, #tpu.memory_space<hbm>>) target(%dma_start3A_31 : memref<128x16xf32, #tpu.memory_space<vmem>>) offsets(%dma_start3A_34 : memref<128xi32, #tpu.memory_space<vmem>>) semaphore(%arg11 : memref<!tpu.dma_semaphore, #tpu.memory_space<semaphore_mem>>)
    %dma_start3A_38 = arith.constant 3 : i32
    %dma_start3A_39 = arith.constant 0 : i32
    %dma_start3A_40 = arith.constant 384 : i32
    %dma_start3A_41 = arith.constant 0 : i32
    %dma_start3A_42 = tpu.memref_slice %arg9[%dma_start3A_39, %dma_start3A_40, %dma_start3A_41] : memref<2x512x16xf32, #tpu.memory_space<vmem>> -> memref<1x128x16xf32, #tpu.memory_space<vmem>>
    %dma_start3A_43 = tpu.memref_squeeze %dma_start3A_42 : memref<1x128x16xf32, #tpu.memory_space<vmem>> -> memref<128x16xf32, #tpu.memory_space<vmem>>
    %dma_start3A_44 = arith.constant 0 : i32
    %dma_start3A_45 = tpu.memref_slice %arg7[%dma_start3A_38, %dma_start3A_44] : memref<80x128xi32, #tpu.memory_space<vmem>> -> memref<1x128xi32, #tpu.memory_space<vmem>>
    %dma_start3A_46 = tpu.memref_squeeze %dma_start3A_45 : memref<1x128xi32, #tpu.memory_space<vmem>> -> memref<128xi32, #tpu.memory_space<vmem>>
    %dma_start3A_47 = arith.constant 0 : i32
    %dma_start3A_48 = arith.constant 0 : i32
    %dma_start3A_49 = tpu.memref_slice %arg2[%dma_start3A_47, %dma_start3A_48] : memref<10048x16xf32, #tpu.memory_space<hbm>> -> memref<10048x16xf32, #tpu.memory_space<hbm>>
    tpu.enqueue_indirect_dma source(%dma_start3A_49 : memref<10048x16xf32, #tpu.memory_space<hbm>>) target(%dma_start3A_43 : memref<128x16xf32, #tpu.memory_space<vmem>>) offsets(%dma_start3A_46 : memref<128xi32, #tpu.memory_space<vmem>>) semaphore(%arg11 : memref<!tpu.dma_semaphore, #tpu.memory_space<semaphore_mem>>)
    %scan3A = arith.constant 0 : i32
    %scan3A_50 = arith.constant 0 : i32
    %scan3A_51 = arith.constant 20 : i32
    %scan3A_52 = arith.addi %scan3A_50, %scan3A_51 : i32
    %scan3A_53 = arith.constant 1 : i32
    scf.for %scan3A_120 = %scan3A_50 to %scan3A_52 step %scan3A_53  : i32 {
      %rem3A = arith.constant 2 : i32
      %rem3A_121 = arith.remsi %scan3A_120, %rem3A : i32
      %dma_wait3A_122 = arith.constant 0 : i32
      %dma_wait3A_123 = arith.constant 0 : i32
      %dma_wait3A_124 = tpu.memref_slice %arg9[%rem3A_121, %dma_wait3A_122, %dma_wait3A_123] : memref<2x512x16xf32, #tpu.memory_space<vmem>> -> memref<1x128x16xf32, #tpu.memory_space<vmem>>
      %dma_wait3A_125 = tpu.memref_squeeze %dma_wait3A_124 : memref<1x128x16xf32, #tpu.memory_space<vmem>> -> memref<128x16xf32, #tpu.memory_space<vmem>>
      %dma_wait3A_126 = arith.constant 0 : i32
      %dma_wait3A_127 = arith.constant 0 : i32
      %dma_wait3A_128 = tpu.memref_slice %arg2[%dma_wait3A_126, %dma_wait3A_127] : memref<10048x16xf32, #tpu.memory_space<hbm>> -> memref<128x16xf32, #tpu.memory_space<hbm>>
      %dma_wait3A_129 = arith.constant 0 : i32
      %dma_wait3A_130 = arith.constant 0 : i32
      %dma_wait3A_131 = tpu.memref_slice %arg9[%rem3A_121, %dma_wait3A_129, %dma_wait3A_130] : memref<2x512x16xf32, #tpu.memory_space<vmem>> -> memref<1x128x16xf32, #tpu.memory_space<vmem>>
      %dma_wait3A_132 = tpu.memref_squeeze %dma_wait3A_131 : memref<1x128x16xf32, #tpu.memory_space<vmem>> -> memref<128x16xf32, #tpu.memory_space<vmem>>
      %dma_wait3A_133 = arith.constant 0 : i32
      %dma_wait3A_134 = arith.constant 0 : i32
      %dma_wait3A_135 = tpu.memref_slice %arg2[%dma_wait3A_133, %dma_wait3A_134] : memref<10048x16xf32, #tpu.memory_space<hbm>> -> memref<128x16xf32, #tpu.memory_space<hbm>>
      tpu.wait_dma2 semaphore(%arg11 : memref<!tpu.dma_semaphore, #tpu.memory_space<semaphore_mem>>) src(%dma_wait3A_135 : memref<128x16xf32, #tpu.memory_space<hbm>>) dst(%dma_wait3A_132 : memref<128x16xf32, #tpu.memory_space<vmem>>)
      %dma_wait3A_136 = arith.constant 128 : i32
      %dma_wait3A_137 = arith.constant 0 : i32
      %dma_wait3A_138 = tpu.memref_slice %arg9[%rem3A_121, %dma_wait3A_136, %dma_wait3A_137] : memref<2x512x16xf32, #tpu.memory_space<vmem>> -> memref<1x128x16xf32, #tpu.memory_space<vmem>>
      %dma_wait3A_139 = tpu.memref_squeeze %dma_wait3A_138 : memref<1x128x16xf32, #tpu.memory_space<vmem>> -> memref<128x16xf32, #tpu.memory_space<vmem>>
      %dma_wait3A_140 = arith.constant 0 : i32
      %dma_wait3A_141 = arith.constant 0 : i32
      %dma_wait3A_142 = tpu.memref_slice %arg2[%dma_wait3A_140, %dma_wait3A_141] : memref<10048x16xf32, #tpu.memory_space<hbm>> -> memref<128x16xf32, #tpu.memory_space<hbm>>
      %dma_wait3A_143 = arith.constant 128 : i32
      %dma_wait3A_144 = arith.constant 0 : i32
      %dma_wait3A_145 = tpu.memref_slice %arg9[%rem3A_121, %dma_wait3A_143, %dma_wait3A_144] : memref<2x512x16xf32, #tpu.memory_space<vmem>> -> memref<1x128x16xf32, #tpu.memory_space<vmem>>
      %dma_wait3A_146 = tpu.memref_squeeze %dma_wait3A_145 : memref<1x128x16xf32, #tpu.memory_space<vmem>> -> memref<128x16xf32, #tpu.memory_space<vmem>>
      %dma_wait3A_147 = arith.constant 0 : i32
      %dma_wait3A_148 = arith.constant 0 : i32
      %dma_wait3A_149 = tpu.memref_slice %arg2[%dma_wait3A_147, %dma_wait3A_148] : memref<10048x16xf32, #tpu.memory_space<hbm>> -> memref<128x16xf32, #tpu.memory_space<hbm>>
      tpu.wait_dma2 semaphore(%arg11 : memref<!tpu.dma_semaphore, #tpu.memory_space<semaphore_mem>>) src(%dma_wait3A_149 : memref<128x16xf32, #tpu.memory_space<hbm>>) dst(%dma_wait3A_146 : memref<128x16xf32, #tpu.memory_space<vmem>>)
      %dma_wait3A_150 = arith.constant 256 : i32
      %dma_wait3A_151 = arith.constant 0 : i32
      %dma_wait3A_152 = tpu.memref_slice %arg9[%rem3A_121, %dma_wait3A_150, %dma_wait3A_151] : memref<2x512x16xf32, #tpu.memory_space<vmem>> -> memref<1x128x16xf32, #tpu.memory_space<vmem>>
      %dma_wait3A_153 = tpu.memref_squeeze %dma_wait3A_152 : memref<1x128x16xf32, #tpu.memory_space<vmem>> -> memref<128x16xf32, #tpu.memory_space<vmem>>
      %dma_wait3A_154 = arith.constant 0 : i32
      %dma_wait3A_155 = arith.constant 0 : i32
      %dma_wait3A_156 = tpu.memref_slice %arg2[%dma_wait3A_154, %dma_wait3A_155] : memref<10048x16xf32, #tpu.memory_space<hbm>> -> memref<128x16xf32, #tpu.memory_space<hbm>>
      %dma_wait3A_157 = arith.constant 256 : i32
      %dma_wait3A_158 = arith.constant 0 : i32
      %dma_wait3A_159 = tpu.memref_slice %arg9[%rem3A_121, %dma_wait3A_157, %dma_wait3A_158] : memref<2x512x16xf32, #tpu.memory_space<vmem>> -> memref<1x128x16xf32, #tpu.memory_space<vmem>>
      %dma_wait3A_160 = tpu.memref_squeeze %dma_wait3A_159 : memref<1x128x16xf32, #tpu.memory_space<vmem>> -> memref<128x16xf32, #tpu.memory_space<vmem>>
      %dma_wait3A_161 = arith.constant 0 : i32
      %dma_wait3A_162 = arith.constant 0 : i32
      %dma_wait3A_163 = tpu.memref_slice %arg2[%dma_wait3A_161, %dma_wait3A_162] : memref<10048x16xf32, #tpu.memory_space<hbm>> -> memref<128x16xf32, #tpu.memory_space<hbm>>
      tpu.wait_dma2 semaphore(%arg11 : memref<!tpu.dma_semaphore, #tpu.memory_space<semaphore_mem>>) src(%dma_wait3A_163 : memref<128x16xf32, #tpu.memory_space<hbm>>) dst(%dma_wait3A_160 : memref<128x16xf32, #tpu.memory_space<vmem>>)
      %dma_wait3A_164 = arith.constant 384 : i32
      %dma_wait3A_165 = arith.constant 0 : i32
      %dma_wait3A_166 = tpu.memref_slice %arg9[%rem3A_121, %dma_wait3A_164, %dma_wait3A_165] : memref<2x512x16xf32, #tpu.memory_space<vmem>> -> memref<1x128x16xf32, #tpu.memory_space<vmem>>
      %dma_wait3A_167 = tpu.memref_squeeze %dma_wait3A_166 : memref<1x128x16xf32, #tpu.memory_space<vmem>> -> memref<128x16xf32, #tpu.memory_space<vmem>>
      %dma_wait3A_168 = arith.constant 0 : i32
      %dma_wait3A_169 = arith.constant 0 : i32
      %dma_wait3A_170 = tpu.memref_slice %arg2[%dma_wait3A_168, %dma_wait3A_169] : memref<10048x16xf32, #tpu.memory_space<hbm>> -> memref<128x16xf32, #tpu.memory_space<hbm>>
      %dma_wait3A_171 = arith.constant 384 : i32
      %dma_wait3A_172 = arith.constant 0 : i32
      %dma_wait3A_173 = tpu.memref_slice %arg9[%rem3A_121, %dma_wait3A_171, %dma_wait3A_172] : memref<2x512x16xf32, #tpu.memory_space<vmem>> -> memref<1x128x16xf32, #tpu.memory_space<vmem>>
      %dma_wait3A_174 = tpu.memref_squeeze %dma_wait3A_173 : memref<1x128x16xf32, #tpu.memory_space<vmem>> -> memref<128x16xf32, #tpu.memory_space<vmem>>
      %dma_wait3A_175 = arith.constant 0 : i32
      %dma_wait3A_176 = arith.constant 0 : i32
      %dma_wait3A_177 = tpu.memref_slice %arg2[%dma_wait3A_175, %dma_wait3A_176] : memref<10048x16xf32, #tpu.memory_space<hbm>> -> memref<128x16xf32, #tpu.memory_space<hbm>>
      tpu.wait_dma2 semaphore(%arg11 : memref<!tpu.dma_semaphore, #tpu.memory_space<semaphore_mem>>) src(%dma_wait3A_177 : memref<128x16xf32, #tpu.memory_space<hbm>>) dst(%dma_wait3A_174 : memref<128x16xf32, #tpu.memory_space<vmem>>)
      %ge3A = arith.constant 1 : i32
      %ge3A_178 = arith.cmpi sge, %scan3A_120, %ge3A : i32
      %convert_element_type3A_179 = arith.extui %ge3A_178 : i1 to i32
      %cond3A_180 = arith.constant 0 : i32
      %cond3A_181 = arith.cmpi ne, %convert_element_type3A_179, %cond3A_180 : i32
      scf.if %cond3A_181 {
        %sub3A = arith.constant 1 : i32
        %sub3A_242 = arith.subi %sub3A, %rem3A_121 : i32
        %dma_wait3A_243 = arith.constant 0 : i32
        %dma_wait3A_244 = arith.constant 0 : i32
        %dma_wait3A_245 = tpu.memref_slice %arg9[%sub3A_242, %dma_wait3A_243, %dma_wait3A_244] : memref<2x512x16xf32, #tpu.memory_space<vmem>> -> memref<1x128x16xf32, #tpu.memory_space<vmem>>
        %dma_wait3A_246 = tpu.memref_squeeze %dma_wait3A_245 : memref<1x128x16xf32, #tpu.memory_space<vmem>> -> memref<128x16xf32, #tpu.memory_space<vmem>>
        %dma_wait3A_247 = arith.constant 0 : i32
        %dma_wait3A_248 = arith.constant 0 : i32
        %dma_wait3A_249 = tpu.memref_slice %arg2[%dma_wait3A_247, %dma_wait3A_248] : memref<10048x16xf32, #tpu.memory_space<hbm>> -> memref<128x16xf32, #tpu.memory_space<hbm>>
        %dma_wait3A_250 = arith.constant 0 : i32
        %dma_wait3A_251 = arith.constant 0 : i32
        %dma_wait3A_252 = tpu.memref_slice %arg9[%sub3A_242, %dma_wait3A_250, %dma_wait3A_251] : memref<2x512x16xf32, #tpu.memory_space<vmem>> -> memref<1x128x16xf32, #tpu.memory_space<vmem>>
        %dma_wait3A_253 = tpu.memref_squeeze %dma_wait3A_252 : memref<1x128x16xf32, #tpu.memory_space<vmem>> -> memref<128x16xf32, #tpu.memory_space<vmem>>
        %dma_wait3A_254 = arith.constant 0 : i32
        %dma_wait3A_255 = arith.constant 0 : i32
        %dma_wait3A_256 = tpu.memref_slice %arg2[%dma_wait3A_254, %dma_wait3A_255] : memref<10048x16xf32, #tpu.memory_space<hbm>> -> memref<128x16xf32, #tpu.memory_space<hbm>>
        tpu.wait_dma2 semaphore(%arg12 : memref<!tpu.dma_semaphore, #tpu.memory_space<semaphore_mem>>) src(%dma_wait3A_256 : memref<128x16xf32, #tpu.memory_space<hbm>>) dst(%dma_wait3A_253 : memref<128x16xf32, #tpu.memory_space<vmem>>)
        %sub3A_257 = arith.constant 1 : i32
        %sub3A_258 = arith.subi %sub3A_257, %rem3A_121 : i32
        %dma_wait3A_259 = arith.constant 128 : i32
        %dma_wait3A_260 = arith.constant 0 : i32
        %dma_wait3A_261 = tpu.memref_slice %arg9[%sub3A_258, %dma_wait3A_259, %dma_wait3A_260] : memref<2x512x16xf32, #tpu.memory_space<vmem>> -> memref<1x128x16xf32, #tpu.memory_space<vmem>>
        %dma_wait3A_262 = tpu.memref_squeeze %dma_wait3A_261 : memref<1x128x16xf32, #tpu.memory_space<vmem>> -> memref<128x16xf32, #tpu.memory_space<vmem>>
        %dma_wait3A_263 = arith.constant 0 : i32
        %dma_wait3A_264 = arith.constant 0 : i32
        %dma_wait3A_265 = tpu.memref_slice %arg2[%dma_wait3A_263, %dma_wait3A_264] : memref<10048x16xf32, #tpu.memory_space<hbm>> -> memref<128x16xf32, #tpu.memory_space<hbm>>
        %dma_wait3A_266 = arith.constant 128 : i32
        %dma_wait3A_267 = arith.constant 0 : i32
        %dma_wait3A_268 = tpu.memref_slice %arg9[%sub3A_258, %dma_wait3A_266, %dma_wait3A_267] : memref<2x512x16xf32, #tpu.memory_space<vmem>> -> memref<1x128x16xf32, #tpu.memory_space<vmem>>
        %dma_wait3A_269 = tpu.memref_squeeze %dma_wait3A_268 : memref<1x128x16xf32, #tpu.memory_space<vmem>> -> memref<128x16xf32, #tpu.memory_space<vmem>>
        %dma_wait3A_270 = arith.constant 0 : i32
        %dma_wait3A_271 = arith.constant 0 : i32
        %dma_wait3A_272 = tpu.memref_slice %arg2[%dma_wait3A_270, %dma_wait3A_271] : memref<10048x16xf32, #tpu.memory_space<hbm>> -> memref<128x16xf32, #tpu.memory_space<hbm>>
        tpu.wait_dma2 semaphore(%arg12 : memref<!tpu.dma_semaphore, #tpu.memory_space<semaphore_mem>>) src(%dma_wait3A_272 : memref<128x16xf32, #tpu.memory_space<hbm>>) dst(%dma_wait3A_269 : memref<128x16xf32, #tpu.memory_space<vmem>>)
        %sub3A_273 = arith.constant 1 : i32
        %sub3A_274 = arith.subi %sub3A_273, %rem3A_121 : i32
        %dma_wait3A_275 = arith.constant 256 : i32
        %dma_wait3A_276 = arith.constant 0 : i32
        %dma_wait3A_277 = tpu.memref_slice %arg9[%sub3A_274, %dma_wait3A_275, %dma_wait3A_276] : memref<2x512x16xf32, #tpu.memory_space<vmem>> -> memref<1x128x16xf32, #tpu.memory_space<vmem>>
        %dma_wait3A_278 = tpu.memref_squeeze %dma_wait3A_277 : memref<1x128x16xf32, #tpu.memory_space<vmem>> -> memref<128x16xf32, #tpu.memory_space<vmem>>
        %dma_wait3A_279 = arith.constant 0 : i32
        %dma_wait3A_280 = arith.constant 0 : i32
        %dma_wait3A_281 = tpu.memref_slice %arg2[%dma_wait3A_279, %dma_wait3A_280] : memref<10048x16xf32, #tpu.memory_space<hbm>> -> memref<128x16xf32, #tpu.memory_space<hbm>>
        %dma_wait3A_282 = arith.constant 256 : i32
        %dma_wait3A_283 = arith.constant 0 : i32
        %dma_wait3A_284 = tpu.memref_slice %arg9[%sub3A_274, %dma_wait3A_282, %dma_wait3A_283] : memref<2x512x16xf32, #tpu.memory_space<vmem>> -> memref<1x128x16xf32, #tpu.memory_space<vmem>>
        %dma_wait3A_285 = tpu.memref_squeeze %dma_wait3A_284 : memref<1x128x16xf32, #tpu.memory_space<vmem>> -> memref<128x16xf32, #tpu.memory_space<vmem>>
        %dma_wait3A_286 = arith.constant 0 : i32
        %dma_wait3A_287 = arith.constant 0 : i32
        %dma_wait3A_288 = tpu.memref_slice %arg2[%dma_wait3A_286, %dma_wait3A_287] : memref<10048x16xf32, #tpu.memory_space<hbm>> -> memref<128x16xf32, #tpu.memory_space<hbm>>
        tpu.wait_dma2 semaphore(%arg12 : memref<!tpu.dma_semaphore, #tpu.memory_space<semaphore_mem>>) src(%dma_wait3A_288 : memref<128x16xf32, #tpu.memory_space<hbm>>) dst(%dma_wait3A_285 : memref<128x16xf32, #tpu.memory_space<vmem>>)
        %sub3A_289 = arith.constant 1 : i32
        %sub3A_290 = arith.subi %sub3A_289, %rem3A_121 : i32
        %dma_wait3A_291 = arith.constant 384 : i32
        %dma_wait3A_292 = arith.constant 0 : i32
        %dma_wait3A_293 = tpu.memref_slice %arg9[%sub3A_290, %dma_wait3A_291, %dma_wait3A_292] : memref<2x512x16xf32, #tpu.memory_space<vmem>> -> memref<1x128x16xf32, #tpu.memory_space<vmem>>
        %dma_wait3A_294 = tpu.memref_squeeze %dma_wait3A_293 : memref<1x128x16xf32, #tpu.memory_space<vmem>> -> memref<128x16xf32, #tpu.memory_space<vmem>>
        %dma_wait3A_295 = arith.constant 0 : i32
        %dma_wait3A_296 = arith.constant 0 : i32
        %dma_wait3A_297 = tpu.memref_slice %arg2[%dma_wait3A_295, %dma_wait3A_296] : memref<10048x16xf32, #tpu.memory_space<hbm>> -> memref<128x16xf32, #tpu.memory_space<hbm>>
        %dma_wait3A_298 = arith.constant 384 : i32
        %dma_wait3A_299 = arith.constant 0 : i32
        %dma_wait3A_300 = tpu.memref_slice %arg9[%sub3A_290, %dma_wait3A_298, %dma_wait3A_299] : memref<2x512x16xf32, #tpu.memory_space<vmem>> -> memref<1x128x16xf32, #tpu.memory_space<vmem>>
        %dma_wait3A_301 = tpu.memref_squeeze %dma_wait3A_300 : memref<1x128x16xf32, #tpu.memory_space<vmem>> -> memref<128x16xf32, #tpu.memory_space<vmem>>
        %dma_wait3A_302 = arith.constant 0 : i32
        %dma_wait3A_303 = arith.constant 0 : i32
        %dma_wait3A_304 = tpu.memref_slice %arg2[%dma_wait3A_302, %dma_wait3A_303] : memref<10048x16xf32, #tpu.memory_space<hbm>> -> memref<128x16xf32, #tpu.memory_space<hbm>>
        tpu.wait_dma2 semaphore(%arg12 : memref<!tpu.dma_semaphore, #tpu.memory_space<semaphore_mem>>) src(%dma_wait3A_304 : memref<128x16xf32, #tpu.memory_space<hbm>>) dst(%dma_wait3A_301 : memref<128x16xf32, #tpu.memory_space<vmem>>)
      } else {
      }
      %lt3A = arith.constant 19 : i32
      %lt3A_182 = arith.cmpi slt, %scan3A_120, %lt3A : i32
      %convert_element_type3A_183 = arith.extui %lt3A_182 : i1 to i32
      %cond3A_184 = arith.constant 0 : i32
      %cond3A_185 = arith.cmpi ne, %convert_element_type3A_183, %cond3A_184 : i32
      scf.if %cond3A_185 {
        %add3A_242 = arith.constant 1 : i32
        %add3A_243 = arith.addi %scan3A_120, %add3A_242 : i32
        %mul3A_244 = arith.constant 4 : i32
        %mul3A_245 = arith.muli %add3A_243, %mul3A_244 : i32
        %add3A_246 = arith.constant 0 : i32
        %add3A_247 = arith.addi %mul3A_245, %add3A_246 : i32
        %sub3A = arith.constant 1 : i32
        %sub3A_248 = arith.subi %sub3A, %rem3A_121 : i32
        %dma_start3A_249 = arith.constant 0 : i32
        %dma_start3A_250 = arith.constant 0 : i32
        %dma_start3A_251 = tpu.memref_slice %arg9[%sub3A_248, %dma_start3A_249, %dma_start3A_250] : memref<2x512x16xf32, #tpu.memory_space<vmem>> -> memref<1x128x16xf32, #tpu.memory_space<vmem>>
        %dma_start3A_252 = tpu.memref_squeeze %dma_start3A_251 : memref<1x128x16xf32, #tpu.memory_space<vmem>> -> memref<128x16xf32, #tpu.memory_space<vmem>>
        %dma_start3A_253 = arith.constant 0 : i32
        %dma_start3A_254 = tpu.memref_slice %arg7[%add3A_247, %dma_start3A_253] : memref<80x128xi32, #tpu.memory_space<vmem>> -> memref<1x128xi32, #tpu.memory_space<vmem>>
        %dma_start3A_255 = tpu.memref_squeeze %dma_start3A_254 : memref<1x128xi32, #tpu.memory_space<vmem>> -> memref<128xi32, #tpu.memory_space<vmem>>
        %dma_start3A_256 = arith.constant 0 : i32
        %dma_start3A_257 = arith.constant 0 : i32
        %dma_start3A_258 = tpu.memref_slice %arg2[%dma_start3A_256, %dma_start3A_257] : memref<10048x16xf32, #tpu.memory_space<hbm>> -> memref<10048x16xf32, #tpu.memory_space<hbm>>
        tpu.enqueue_indirect_dma source(%dma_start3A_258 : memref<10048x16xf32, #tpu.memory_space<hbm>>) target(%dma_start3A_252 : memref<128x16xf32, #tpu.memory_space<vmem>>) offsets(%dma_start3A_255 : memref<128xi32, #tpu.memory_space<vmem>>) semaphore(%arg11 : memref<!tpu.dma_semaphore, #tpu.memory_space<semaphore_mem>>)
        %add3A_259 = arith.constant 1 : i32
        %add3A_260 = arith.addi %scan3A_120, %add3A_259 : i32
        %mul3A_261 = arith.constant 4 : i32
        %mul3A_262 = arith.muli %add3A_260, %mul3A_261 : i32
        %add3A_263 = arith.constant 1 : i32
        %add3A_264 = arith.addi %mul3A_262, %add3A_263 : i32
        %sub3A_265 = arith.constant 1 : i32
        %sub3A_266 = arith.subi %sub3A_265, %rem3A_121 : i32
        %dma_start3A_267 = arith.constant 128 : i32
        %dma_start3A_268 = arith.constant 0 : i32
        %dma_start3A_269 = tpu.memref_slice %arg9[%sub3A_266, %dma_start3A_267, %dma_start3A_268] : memref<2x512x16xf32, #tpu.memory_space<vmem>> -> memref<1x128x16xf32, #tpu.memory_space<vmem>>
        %dma_start3A_270 = tpu.memref_squeeze %dma_start3A_269 : memref<1x128x16xf32, #tpu.memory_space<vmem>> -> memref<128x16xf32, #tpu.memory_space<vmem>>
        %dma_start3A_271 = arith.constant 0 : i32
        %dma_start3A_272 = tpu.memref_slice %arg7[%add3A_264, %dma_start3A_271] : memref<80x128xi32, #tpu.memory_space<vmem>> -> memref<1x128xi32, #tpu.memory_space<vmem>>
        %dma_start3A_273 = tpu.memref_squeeze %dma_start3A_272 : memref<1x128xi32, #tpu.memory_space<vmem>> -> memref<128xi32, #tpu.memory_space<vmem>>
        %dma_start3A_274 = arith.constant 0 : i32
        %dma_start3A_275 = arith.constant 0 : i32
        %dma_start3A_276 = tpu.memref_slice %arg2[%dma_start3A_274, %dma_start3A_275] : memref<10048x16xf32, #tpu.memory_space<hbm>> -> memref<10048x16xf32, #tpu.memory_space<hbm>>
        tpu.enqueue_indirect_dma source(%dma_start3A_276 : memref<10048x16xf32, #tpu.memory_space<hbm>>) target(%dma_start3A_270 : memref<128x16xf32, #tpu.memory_space<vmem>>) offsets(%dma_start3A_273 : memref<128xi32, #tpu.memory_space<vmem>>) semaphore(%arg11 : memref<!tpu.dma_semaphore, #tpu.memory_space<semaphore_mem>>)
        %add3A_277 = arith.constant 1 : i32
        %add3A_278 = arith.addi %scan3A_120, %add3A_277 : i32
        %mul3A_279 = arith.constant 4 : i32
        %mul3A_280 = arith.muli %add3A_278, %mul3A_279 : i32
        %add3A_281 = arith.constant 2 : i32
        %add3A_282 = arith.addi %mul3A_280, %add3A_281 : i32
        %sub3A_283 = arith.constant 1 : i32
        %sub3A_284 = arith.subi %sub3A_283, %rem3A_121 : i32
        %dma_start3A_285 = arith.constant 256 : i32
        %dma_start3A_286 = arith.constant 0 : i32
        %dma_start3A_287 = tpu.memref_slice %arg9[%sub3A_284, %dma_start3A_285, %dma_start3A_286] : memref<2x512x16xf32, #tpu.memory_space<vmem>> -> memref<1x128x16xf32, #tpu.memory_space<vmem>>
        %dma_start3A_288 = tpu.memref_squeeze %dma_start3A_287 : memref<1x128x16xf32, #tpu.memory_space<vmem>> -> memref<128x16xf32, #tpu.memory_space<vmem>>
        %dma_start3A_289 = arith.constant 0 : i32
        %dma_start3A_290 = tpu.memref_slice %arg7[%add3A_282, %dma_start3A_289] : memref<80x128xi32, #tpu.memory_space<vmem>> -> memref<1x128xi32, #tpu.memory_space<vmem>>
        %dma_start3A_291 = tpu.memref_squeeze %dma_start3A_290 : memref<1x128xi32, #tpu.memory_space<vmem>> -> memref<128xi32, #tpu.memory_space<vmem>>
        %dma_start3A_292 = arith.constant 0 : i32
        %dma_start3A_293 = arith.constant 0 : i32
        %dma_start3A_294 = tpu.memref_slice %arg2[%dma_start3A_292, %dma_start3A_293] : memref<10048x16xf32, #tpu.memory_space<hbm>> -> memref<10048x16xf32, #tpu.memory_space<hbm>>
        tpu.enqueue_indirect_dma source(%dma_start3A_294 : memref<10048x16xf32, #tpu.memory_space<hbm>>) target(%dma_start3A_288 : memref<128x16xf32, #tpu.memory_space<vmem>>) offsets(%dma_start3A_291 : memref<128xi32, #tpu.memory_space<vmem>>) semaphore(%arg11 : memref<!tpu.dma_semaphore, #tpu.memory_space<semaphore_mem>>)
        %add3A_295 = arith.constant 1 : i32
        %add3A_296 = arith.addi %scan3A_120, %add3A_295 : i32
        %mul3A_297 = arith.constant 4 : i32
        %mul3A_298 = arith.muli %add3A_296, %mul3A_297 : i32
        %add3A_299 = arith.constant 3 : i32
        %add3A_300 = arith.addi %mul3A_298, %add3A_299 : i32
        %sub3A_301 = arith.constant 1 : i32
        %sub3A_302 = arith.subi %sub3A_301, %rem3A_121 : i32
        %dma_start3A_303 = arith.constant 384 : i32
        %dma_start3A_304 = arith.constant 0 : i32
        %dma_start3A_305 = tpu.memref_slice %arg9[%sub3A_302, %dma_start3A_303, %dma_start3A_304] : memref<2x512x16xf32, #tpu.memory_space<vmem>> -> memref<1x128x16xf32, #tpu.memory_space<vmem>>
        %dma_start3A_306 = tpu.memref_squeeze %dma_start3A_305 : memref<1x128x16xf32, #tpu.memory_space<vmem>> -> memref<128x16xf32, #tpu.memory_space<vmem>>
        %dma_start3A_307 = arith.constant 0 : i32
        %dma_start3A_308 = tpu.memref_slice %arg7[%add3A_300, %dma_start3A_307] : memref<80x128xi32, #tpu.memory_space<vmem>> -> memref<1x128xi32, #tpu.memory_space<vmem>>
        %dma_start3A_309 = tpu.memref_squeeze %dma_start3A_308 : memref<1x128xi32, #tpu.memory_space<vmem>> -> memref<128xi32, #tpu.memory_space<vmem>>
        %dma_start3A_310 = arith.constant 0 : i32
        %dma_start3A_311 = arith.constant 0 : i32
        %dma_start3A_312 = tpu.memref_slice %arg2[%dma_start3A_310, %dma_start3A_311] : memref<10048x16xf32, #tpu.memory_space<hbm>> -> memref<10048x16xf32, #tpu.memory_space<hbm>>
        tpu.enqueue_indirect_dma source(%dma_start3A_312 : memref<10048x16xf32, #tpu.memory_space<hbm>>) target(%dma_start3A_306 : memref<128x16xf32, #tpu.memory_space<vmem>>) offsets(%dma_start3A_309 : memref<128xi32, #tpu.memory_space<vmem>>) semaphore(%arg11 : memref<!tpu.dma_semaphore, #tpu.memory_space<semaphore_mem>>)
      } else {
      }
      %mul3A_186 = arith.constant 4 : i32
      %mul3A_187 = arith.muli %scan3A_120, %mul3A_186 : i32
      %add3A_188 = arith.constant 0 : i32
      %add3A_189 = arith.addi %mul3A_187, %add3A_188 : i32
      %dma_start3A_190 = arith.constant 0 : i32
      %dma_start3A_191 = arith.constant 0 : i32
      %dma_start3A_192 = tpu.memref_slice %arg9[%rem3A_121, %dma_start3A_190, %dma_start3A_191] : memref<2x512x16xf32, #tpu.memory_space<vmem>> -> memref<1x128x16xf32, #tpu.memory_space<vmem>>
      %dma_start3A_193 = tpu.memref_squeeze %dma_start3A_192 : memref<1x128x16xf32, #tpu.memory_space<vmem>> -> memref<128x16xf32, #tpu.memory_space<vmem>>
      %dma_start3A_194 = arith.constant 0 : i32
      %dma_start3A_195 = tpu.memref_slice %arg8[%add3A_189, %dma_start3A_194] : memref<80x128xi32, #tpu.memory_space<vmem>> -> memref<1x128xi32, #tpu.memory_space<vmem>>
      %dma_start3A_196 = tpu.memref_squeeze %dma_start3A_195 : memref<1x128xi32, #tpu.memory_space<vmem>> -> memref<128xi32, #tpu.memory_space<vmem>>
      %dma_start3A_197 = arith.constant 0 : i32
      %dma_start3A_198 = arith.constant 0 : i32
      %dma_start3A_199 = tpu.memref_slice %arg10[%dma_start3A_197, %dma_start3A_198] : memref<10048x16xf32, #tpu.memory_space<vmem_shared>> -> memref<10048x16xf32, #tpu.memory_space<vmem_shared>>
      tpu.enqueue_indirect_dma source(%dma_start3A_193 : memref<128x16xf32, #tpu.memory_space<vmem>>) target(%dma_start3A_199 : memref<10048x16xf32, #tpu.memory_space<vmem_shared>>) offsets(%dma_start3A_196 : memref<128xi32, #tpu.memory_space<vmem>>) semaphore(%arg12 : memref<!tpu.dma_semaphore, #tpu.memory_space<semaphore_mem>>) {add = true}
      %mul3A_200 = arith.constant 4 : i32
      %mul3A_201 = arith.muli %scan3A_120, %mul3A_200 : i32
      %add3A_202 = arith.constant 1 : i32
      %add3A_203 = arith.addi %mul3A_201, %add3A_202 : i32
      %dma_start3A_204 = arith.constant 128 : i32
      %dma_start3A_205 = arith.constant 0 : i32
      %dma_start3A_206 = tpu.memref_slice %arg9[%rem3A_121, %dma_start3A_204, %dma_start3A_205] : memref<2x512x16xf32, #tpu.memory_space<vmem>> -> memref<1x128x16xf32, #tpu.memory_space<vmem>>
      %dma_start3A_207 = tpu.memref_squeeze %dma_start3A_206 : memref<1x128x16xf32, #tpu.memory_space<vmem>> -> memref<128x16xf32, #tpu.memory_space<vmem>>
      %dma_start3A_208 = arith.constant 0 : i32
      %dma_start3A_209 = tpu.memref_slice %arg8[%add3A_203, %dma_start3A_208] : memref<80x128xi32, #tpu.memory_space<vmem>> -> memref<1x128xi32, #tpu.memory_space<vmem>>
      %dma_start3A_210 = tpu.memref_squeeze %dma_start3A_209 : memref<1x128xi32, #tpu.memory_space<vmem>> -> memref<128xi32, #tpu.memory_space<vmem>>
      %dma_start3A_211 = arith.constant 0 : i32
      %dma_start3A_212 = arith.constant 0 : i32
      %dma_start3A_213 = tpu.memref_slice %arg10[%dma_start3A_211, %dma_start3A_212] : memref<10048x16xf32, #tpu.memory_space<vmem_shared>> -> memref<10048x16xf32, #tpu.memory_space<vmem_shared>>
      tpu.enqueue_indirect_dma source(%dma_start3A_207 : memref<128x16xf32, #tpu.memory_space<vmem>>) target(%dma_start3A_213 : memref<10048x16xf32, #tpu.memory_space<vmem_shared>>) offsets(%dma_start3A_210 : memref<128xi32, #tpu.memory_space<vmem>>) semaphore(%arg12 : memref<!tpu.dma_semaphore, #tpu.memory_space<semaphore_mem>>) {add = true}
      %mul3A_214 = arith.constant 4 : i32
      %mul3A_215 = arith.muli %scan3A_120, %mul3A_214 : i32
      %add3A_216 = arith.constant 2 : i32
      %add3A_217 = arith.addi %mul3A_215, %add3A_216 : i32
      %dma_start3A_218 = arith.constant 256 : i32
      %dma_start3A_219 = arith.constant 0 : i32
      %dma_start3A_220 = tpu.memref_slice %arg9[%rem3A_121, %dma_start3A_218, %dma_start3A_219] : memref<2x512x16xf32, #tpu.memory_space<vmem>> -> memref<1x128x16xf32, #tpu.memory_space<vmem>>
      %dma_start3A_221 = tpu.memref_squeeze %dma_start3A_220 : memref<1x128x16xf32, #tpu.memory_space<vmem>> -> memref<128x16xf32, #tpu.memory_space<vmem>>
      %dma_start3A_222 = arith.constant 0 : i32
      %dma_start3A_223 = tpu.memref_slice %arg8[%add3A_217, %dma_start3A_222] : memref<80x128xi32, #tpu.memory_space<vmem>> -> memref<1x128xi32, #tpu.memory_space<vmem>>
      %dma_start3A_224 = tpu.memref_squeeze %dma_start3A_223 : memref<1x128xi32, #tpu.memory_space<vmem>> -> memref<128xi32, #tpu.memory_space<vmem>>
      %dma_start3A_225 = arith.constant 0 : i32
      %dma_start3A_226 = arith.constant 0 : i32
      %dma_start3A_227 = tpu.memref_slice %arg10[%dma_start3A_225, %dma_start3A_226] : memref<10048x16xf32, #tpu.memory_space<vmem_shared>> -> memref<10048x16xf32, #tpu.memory_space<vmem_shared>>
      tpu.enqueue_indirect_dma source(%dma_start3A_221 : memref<128x16xf32, #tpu.memory_space<vmem>>) target(%dma_start3A_227 : memref<10048x16xf32, #tpu.memory_space<vmem_shared>>) offsets(%dma_start3A_224 : memref<128xi32, #tpu.memory_space<vmem>>) semaphore(%arg12 : memref<!tpu.dma_semaphore, #tpu.memory_space<semaphore_mem>>) {add = true}
      %mul3A_228 = arith.constant 4 : i32
      %mul3A_229 = arith.muli %scan3A_120, %mul3A_228 : i32
      %add3A_230 = arith.constant 3 : i32
      %add3A_231 = arith.addi %mul3A_229, %add3A_230 : i32
      %dma_start3A_232 = arith.constant 384 : i32
      %dma_start3A_233 = arith.constant 0 : i32
      %dma_start3A_234 = tpu.memref_slice %arg9[%rem3A_121, %dma_start3A_232, %dma_start3A_233] : memref<2x512x16xf32, #tpu.memory_space<vmem>> -> memref<1x128x16xf32, #tpu.memory_space<vmem>>
      %dma_start3A_235 = tpu.memref_squeeze %dma_start3A_234 : memref<1x128x16xf32, #tpu.memory_space<vmem>> -> memref<128x16xf32, #tpu.memory_space<vmem>>
      %dma_start3A_236 = arith.constant 0 : i32
      %dma_start3A_237 = tpu.memref_slice %arg8[%add3A_231, %dma_start3A_236] : memref<80x128xi32, #tpu.memory_space<vmem>> -> memref<1x128xi32, #tpu.memory_space<vmem>>
      %dma_start3A_238 = tpu.memref_squeeze %dma_start3A_237 : memref<1x128xi32, #tpu.memory_space<vmem>> -> memref<128xi32, #tpu.memory_space<vmem>>
      %dma_start3A_239 = arith.constant 0 : i32
      %dma_start3A_240 = arith.constant 0 : i32
      %dma_start3A_241 = tpu.memref_slice %arg10[%dma_start3A_239, %dma_start3A_240] : memref<10048x16xf32, #tpu.memory_space<vmem_shared>> -> memref<10048x16xf32, #tpu.memory_space<vmem_shared>>
      tpu.enqueue_indirect_dma source(%dma_start3A_235 : memref<128x16xf32, #tpu.memory_space<vmem>>) target(%dma_start3A_241 : memref<10048x16xf32, #tpu.memory_space<vmem_shared>>) offsets(%dma_start3A_238 : memref<128xi32, #tpu.memory_space<vmem>>) semaphore(%arg12 : memref<!tpu.dma_semaphore, #tpu.memory_space<semaphore_mem>>) {add = true}
    }
    %scan3A_54 = arith.constant 20 : i32
    %dma_wait3A = arith.constant 1 : i32
    %dma_wait3A_55 = arith.constant 0 : i32
    %dma_wait3A_56 = arith.constant 0 : i32
    %dma_wait3A_57 = tpu.memref_slice %arg9[%dma_wait3A, %dma_wait3A_55, %dma_wait3A_56] : memref<2x512x16xf32, #tpu.memory_space<vmem>> -> memref<1x128x16xf32, #tpu.memory_space<vmem>>
    %dma_wait3A_58 = tpu.memref_squeeze %dma_wait3A_57 : memref<1x128x16xf32, #tpu.memory_space<vmem>> -> memref<128x16xf32, #tpu.memory_space<vmem>>
    %dma_wait3A_59 = arith.constant 0 : i32
    %dma_wait3A_60 = arith.constant 0 : i32
    %dma_wait3A_61 = tpu.memref_slice %arg2[%dma_wait3A_59, %dma_wait3A_60] : memref<10048x16xf32, #tpu.memory_space<hbm>> -> memref<128x16xf32, #tpu.memory_space<hbm>>
    %dma_wait3A_62 = arith.constant 0 : i32
    %dma_wait3A_63 = arith.constant 0 : i32
    %dma_wait3A_64 = tpu.memref_slice %arg9[%dma_wait3A, %dma_wait3A_62, %dma_wait3A_63] : memref<2x512x16xf32, #tpu.memory_space<vmem>> -> memref<1x128x16xf32, #tpu.memory_space<vmem>>
    %dma_wait3A_65 = tpu.memref_squeeze %dma_wait3A_64 : memref<1x128x16xf32, #tpu.memory_space<vmem>> -> memref<128x16xf32, #tpu.memory_space<vmem>>
    %dma_wait3A_66 = arith.constant 0 : i32
    %dma_wait3A_67 = arith.constant 0 : i32
    %dma_wait3A_68 = tpu.memref_slice %arg2[%dma_wait3A_66, %dma_wait3A_67] : memref<10048x16xf32, #tpu.memory_space<hbm>> -> memref<128x16xf32, #tpu.memory_space<hbm>>
    tpu.wait_dma2 semaphore(%arg12 : memref<!tpu.dma_semaphore, #tpu.memory_space<semaphore_mem>>) src(%dma_wait3A_68 : memref<128x16xf32, #tpu.memory_space<hbm>>) dst(%dma_wait3A_65 : memref<128x16xf32, #tpu.memory_space<vmem>>)
    %dma_wait3A_69 = arith.constant 1 : i32
    %dma_wait3A_70 = arith.constant 128 : i32
    %dma_wait3A_71 = arith.constant 0 : i32
    %dma_wait3A_72 = tpu.memref_slice %arg9[%dma_wait3A_69, %dma_wait3A_70, %dma_wait3A_71] : memref<2x512x16xf32, #tpu.memory_space<vmem>> -> memref<1x128x16xf32, #tpu.memory_space<vmem>>
    %dma_wait3A_73 = tpu.memref_squeeze %dma_wait3A_72 : memref<1x128x16xf32, #tpu.memory_space<vmem>> -> memref<128x16xf32, #tpu.memory_space<vmem>>
    %dma_wait3A_74 = arith.constant 0 : i32
    %dma_wait3A_75 = arith.constant 0 : i32
    %dma_wait3A_76 = tpu.memref_slice %arg2[%dma_wait3A_74, %dma_wait3A_75] : memref<10048x16xf32, #tpu.memory_space<hbm>> -> memref<128x16xf32, #tpu.memory_space<hbm>>
    %dma_wait3A_77 = arith.constant 128 : i32
    %dma_wait3A_78 = arith.constant 0 : i32
    %dma_wait3A_79 = tpu.memref_slice %arg9[%dma_wait3A_69, %dma_wait3A_77, %dma_wait3A_78] : memref<2x512x16xf32, #tpu.memory_space<vmem>> -> memref<1x128x16xf32, #tpu.memory_space<vmem>>
    %dma_wait3A_80 = tpu.memref_squeeze %dma_wait3A_79 : memref<1x128x16xf32, #tpu.memory_space<vmem>> -> memref<128x16xf32, #tpu.memory_space<vmem>>
    %dma_wait3A_81 = arith.constant 0 : i32
    %dma_wait3A_82 = arith.constant 0 : i32
    %dma_wait3A_83 = tpu.memref_slice %arg2[%dma_wait3A_81, %dma_wait3A_82] : memref<10048x16xf32, #tpu.memory_space<hbm>> -> memref<128x16xf32, #tpu.memory_space<hbm>>
    tpu.wait_dma2 semaphore(%arg12 : memref<!tpu.dma_semaphore, #tpu.memory_space<semaphore_mem>>) src(%dma_wait3A_83 : memref<128x16xf32, #tpu.memory_space<hbm>>) dst(%dma_wait3A_80 : memref<128x16xf32, #tpu.memory_space<vmem>>)
    %dma_wait3A_84 = arith.constant 1 : i32
    %dma_wait3A_85 = arith.constant 256 : i32
    %dma_wait3A_86 = arith.constant 0 : i32
    %dma_wait3A_87 = tpu.memref_slice %arg9[%dma_wait3A_84, %dma_wait3A_85, %dma_wait3A_86] : memref<2x512x16xf32, #tpu.memory_space<vmem>> -> memref<1x128x16xf32, #tpu.memory_space<vmem>>
    %dma_wait3A_88 = tpu.memref_squeeze %dma_wait3A_87 : memref<1x128x16xf32, #tpu.memory_space<vmem>> -> memref<128x16xf32, #tpu.memory_space<vmem>>
    %dma_wait3A_89 = arith.constant 0 : i32
    %dma_wait3A_90 = arith.constant 0 : i32
    %dma_wait3A_91 = tpu.memref_slice %arg2[%dma_wait3A_89, %dma_wait3A_90] : memref<10048x16xf32, #tpu.memory_space<hbm>> -> memref<128x16xf32, #tpu.memory_space<hbm>>
    %dma_wait3A_92 = arith.constant 256 : i32
    %dma_wait3A_93 = arith.constant 0 : i32
    %dma_wait3A_94 = tpu.memref_slice %arg9[%dma_wait3A_84, %dma_wait3A_92, %dma_wait3A_93] : memref<2x512x16xf32, #tpu.memory_space<vmem>> -> memref<1x128x16xf32, #tpu.memory_space<vmem>>
    %dma_wait3A_95 = tpu.memref_squeeze %dma_wait3A_94 : memref<1x128x16xf32, #tpu.memory_space<vmem>> -> memref<128x16xf32, #tpu.memory_space<vmem>>
    %dma_wait3A_96 = arith.constant 0 : i32
    %dma_wait3A_97 = arith.constant 0 : i32
    %dma_wait3A_98 = tpu.memref_slice %arg2[%dma_wait3A_96, %dma_wait3A_97] : memref<10048x16xf32, #tpu.memory_space<hbm>> -> memref<128x16xf32, #tpu.memory_space<hbm>>
    tpu.wait_dma2 semaphore(%arg12 : memref<!tpu.dma_semaphore, #tpu.memory_space<semaphore_mem>>) src(%dma_wait3A_98 : memref<128x16xf32, #tpu.memory_space<hbm>>) dst(%dma_wait3A_95 : memref<128x16xf32, #tpu.memory_space<vmem>>)
    %dma_wait3A_99 = arith.constant 1 : i32
    %dma_wait3A_100 = arith.constant 384 : i32
    %dma_wait3A_101 = arith.constant 0 : i32
    %dma_wait3A_102 = tpu.memref_slice %arg9[%dma_wait3A_99, %dma_wait3A_100, %dma_wait3A_101] : memref<2x512x16xf32, #tpu.memory_space<vmem>> -> memref<1x128x16xf32, #tpu.memory_space<vmem>>
    %dma_wait3A_103 = tpu.memref_squeeze %dma_wait3A_102 : memref<1x128x16xf32, #tpu.memory_space<vmem>> -> memref<128x16xf32, #tpu.memory_space<vmem>>
    %dma_wait3A_104 = arith.constant 0 : i32
    %dma_wait3A_105 = arith.constant 0 : i32
    %dma_wait3A_106 = tpu.memref_slice %arg2[%dma_wait3A_104, %dma_wait3A_105] : memref<10048x16xf32, #tpu.memory_space<hbm>> -> memref<128x16xf32, #tpu.memory_space<hbm>>
    %dma_wait3A_107 = arith.constant 384 : i32
    %dma_wait3A_108 = arith.constant 0 : i32
    %dma_wait3A_109 = tpu.memref_slice %arg9[%dma_wait3A_99, %dma_wait3A_107, %dma_wait3A_108] : memref<2x512x16xf32, #tpu.memory_space<vmem>> -> memref<1x128x16xf32, #tpu.memory_space<vmem>>
    %dma_wait3A_110 = tpu.memref_squeeze %dma_wait3A_109 : memref<1x128x16xf32, #tpu.memory_space<vmem>> -> memref<128x16xf32, #tpu.memory_space<vmem>>
    %dma_wait3A_111 = arith.constant 0 : i32
    %dma_wait3A_112 = arith.constant 0 : i32
    %dma_wait3A_113 = tpu.memref_slice %arg2[%dma_wait3A_111, %dma_wait3A_112] : memref<10048x16xf32, #tpu.memory_space<hbm>> -> memref<128x16xf32, #tpu.memory_space<hbm>>
    tpu.wait_dma2 semaphore(%arg12 : memref<!tpu.dma_semaphore, #tpu.memory_space<semaphore_mem>>) src(%dma_wait3A_113 : memref<128x16xf32, #tpu.memory_space<hbm>>) dst(%dma_wait3A_110 : memref<128x16xf32, #tpu.memory_space<vmem>>)
    %barrier3A_114 = arith.constant 0 : index
    tpu.barrier barrier_id(%barrier3A_114)
    %eq3A_115 = arith.constant 0 : i32
    %eq3A_116 = arith.cmpi eq, %arg1, %eq3A_115 : i32
    %convert_element_type3A_117 = arith.extui %eq3A_116 : i1 to i32
    %cond3A_118 = arith.constant 0 : i32
    %cond3A_119 = arith.cmpi ne, %convert_element_type3A_117, %cond3A_118 : i32
    scf.if %cond3A_119 {
      "tpu.region"() ({
        %run_scoped3A = tpu.sem_alloc : memref<!tpu.dma_semaphore, #tpu.memory_space<semaphore_mem>>
        %dma_start3A_120 = arith.constant 0 : i32
        %dma_start3A_121 = arith.constant 0 : i32
        %dma_start3A_122 = tpu.memref_slice %arg6[%arg0, %dma_start3A_120, %dma_start3A_121] : memref<2x10048x16xf32, #tpu.memory_space<hbm>> -> memref<1x10048x16xf32, #tpu.memory_space<hbm>>
        %dma_start3A_123 = tpu.memref_squeeze %dma_start3A_122 : memref<1x10048x16xf32, #tpu.memory_space<hbm>> -> memref<10048x16xf32, #tpu.memory_space<hbm>>
        tpu.enqueue_dma source(%arg10 : memref<10048x16xf32, #tpu.memory_space<vmem_shared>>) target(%dma_start3A_123 : memref<10048x16xf32, #tpu.memory_space<hbm>>) target_semaphore(%run_scoped3A : memref<!tpu.dma_semaphore, #tpu.memory_space<semaphore_mem>>)
        %dma_wait3A_124 = arith.constant 0 : i32
        %dma_wait3A_125 = arith.constant 0 : i32
        %dma_wait3A_126 = tpu.memref_slice %arg6[%arg0, %dma_wait3A_124, %dma_wait3A_125] : memref<2x10048x16xf32, #tpu.memory_space<hbm>> -> memref<1x10048x16xf32, #tpu.memory_space<hbm>>
        %dma_wait3A_127 = tpu.memref_squeeze %dma_wait3A_126 : memref<1x10048x16xf32, #tpu.memory_space<hbm>> -> memref<10048x16xf32, #tpu.memory_space<hbm>>
        tpu.wait_dma2 semaphore(%run_scoped3A : memref<!tpu.dma_semaphore, #tpu.memory_space<semaphore_mem>>) src(%arg10 : memref<10048x16xf32, #tpu.memory_space<vmem_shared>>) dst(%dma_wait3A_127 : memref<10048x16xf32, #tpu.memory_space<hbm>>)
        tpu.yield
      }) : () -> ()
    } else {
    }
    return
  }
}

module attributes {stable_mosaic.version = 14 : i64} {
  func.func @body(%arg0: i32, %arg1: memref<1256x1024xf32, #tpu.memory_space<vmem>>, %arg2: memref<1024x128xf32, #tpu.memory_space<vmem>>, %arg3: memref<2x1256x128xf32, #tpu.memory_space<vmem>>, %arg4: memref<1256x128xf32, #tpu.memory_space<vmem>>, %arg5: memref<1256x128xf32, #tpu.memory_space<vmem>>, %arg6: memref<1256x128xf32, #tpu.memory_space<vmem>>) attributes {dimension_semantics = [#tpu.dimension_semantics<arbitrary>], iteration_bounds = array<i64: 1>, scalar_prefetch = 0 : i64, scratch_operands = 0 : i64, tpu.core_type = #tpu.core_type<tc>, window_params = [{pipeline_mode = #tpu.pipeline_mode<synchronous>, transform_indices = @transform_0, window_bounds = array<i64: 1256, 1024>}, {pipeline_mode = #tpu.pipeline_mode<synchronous>, transform_indices = @transform_1, window_bounds = array<i64: 1024, 128>}, {pipeline_mode = #tpu.pipeline_mode<synchronous>, transform_indices = @transform_2, window_bounds = array<i64: 2, 1256, 128>}, {pipeline_mode = #tpu.pipeline_mode<synchronous>, transform_indices = @transform_3, window_bounds = array<i64: 1256, 128>}, {pipeline_mode = #tpu.pipeline_mode<synchronous>, transform_indices = @transform_4, window_bounds = array<i64: 1256, 128>}, {pipeline_mode = #tpu.pipeline_mode<synchronous>, transform_indices = @transform_5, window_bounds = array<i64: 1256, 128>}]} {
    %get3A = arith.constant 0 : index
    %get3A_0 = arith.constant 0 : index
    %get3A_1 = vector.load %arg1[%get3A, %get3A_0] : memref<1256x1024xf32, #tpu.memory_space<vmem>>, vector<1256x1024xf32>
    %get3A_2 = arith.constant 0 : index
    %get3A_3 = arith.constant 0 : index
    %get3A_4 = vector.load %arg2[%get3A_2, %get3A_3] : memref<1024x128xf32, #tpu.memory_space<vmem>>, vector<1024x128xf32>
    %dot_general3A = arith.constant dense<0.000000e+00> : vector<1256x128xf32>
    %dot_general3A_5 = tpu.matmul %get3A_1, %get3A_4, %dot_general3A {dimension_numbers = #tpu.dot_dimension_numbers<[1], [0], [0], [1], [0, 0, 1, 1], [], []>, transpose_lhs_hint = false} : vector<1256x1024xf32>, vector<1024x128xf32>, vector<1256x128xf32> -> vector<1256x128xf32>
    %get3A_6 = arith.constant 0 : index
    %get3A_7 = arith.constant 0 : index
    %get3A_8 = arith.constant 0 : index
    %get3A_9 = vector.load %arg3[%get3A_6, %get3A_7, %get3A_8] : memref<2x1256x128xf32, #tpu.memory_space<vmem>>, vector<1x1256x128xf32>
    %get3A_10 = vector.shape_cast %get3A_9 : vector<1x1256x128xf32> to vector<1256x128xf32>
    %get3A_11 = arith.constant 1 : index
    %get3A_12 = arith.constant 0 : index
    %get3A_13 = arith.constant 0 : index
    %get3A_14 = vector.load %arg3[%get3A_11, %get3A_12, %get3A_13] : memref<2x1256x128xf32, #tpu.memory_space<vmem>>, vector<1x1256x128xf32>
    %get3A_15 = vector.shape_cast %get3A_14 : vector<1x1256x128xf32> to vector<1256x128xf32>
    %add3A = arith.addf %get3A_10, %get3A_15 : vector<1256x128xf32>
    %mul3A = arith.constant 8.000000e+00 : f32
    %mul3A_16 = vector.broadcast %mul3A : f32 to vector<1256x128xf32>
    %mul3A_17 = arith.mulf %add3A, %mul3A_16 : vector<1256x128xf32>
    %add3A_18 = arith.constant 1.000000e+00 : f32
    %add3A_19 = vector.broadcast %add3A_18 : f32 to vector<1256x128xf32>
    %add3A_20 = arith.addf %mul3A_17, %add3A_19 : vector<1256x128xf32>
    %rsqrt3A = math.rsqrt %add3A_20 : vector<1256x128xf32>
    %swap3A = arith.constant 0 : index
    %swap3A_21 = arith.constant 0 : index
    %swap3A_22 = vector.load %arg4[%swap3A, %swap3A_21] : memref<1256x128xf32, #tpu.memory_space<vmem>>, vector<1256x128xf32>
    tpu.vector_store %arg4[%swap3A, %swap3A_21], %rsqrt3A {strides = array<i32>} : memref<1256x128xf32, #tpu.memory_space<vmem>>, vector<1256x128xf32>,
    %mul3A_23 = arith.mulf %dot_general3A_5, %rsqrt3A : vector<1256x128xf32>
    %swap3A_24 = arith.constant 0 : index
    %swap3A_25 = arith.constant 0 : index
    %swap3A_26 = vector.load %arg5[%swap3A_24, %swap3A_25] : memref<1256x128xf32, #tpu.memory_space<vmem>>, vector<1256x128xf32>
    tpu.vector_store %arg5[%swap3A_24, %swap3A_25], %mul3A_23 {strides = array<i32>} : memref<1256x128xf32, #tpu.memory_space<vmem>>, vector<1256x128xf32>,
    %swap3A_27 = arith.constant 0 : index
    %swap3A_28 = arith.constant 0 : index
    %swap3A_29 = vector.load %arg6[%swap3A_27, %swap3A_28] : memref<1256x128xf32, #tpu.memory_space<vmem>>, vector<1256x128xf32>
    tpu.vector_store %arg6[%swap3A_27, %swap3A_28], %dot_general3A_5 {strides = array<i32>} : memref<1256x128xf32, #tpu.memory_space<vmem>>, vector<1256x128xf32>,
    return
  }
  func.func @transform_0(%arg0: i32) -> (i32, i32) {
    %c0_i32 = arith.constant 0 : i32
    %c0_i32_0 = arith.constant 0 : i32
    %c0_i32_1 = arith.constant 0 : i32
    return %c0_i32, %c0_i32_0 : i32, i32
  }
  func.func @transform_1(%arg0: i32) -> (i32, i32) {
    %c0_i32 = arith.constant 0 : i32
    %c0_i32_0 = arith.constant 0 : i32
    %c0_i32_1 = arith.constant 0 : i32
    return %c0_i32, %c0_i32_0 : i32, i32
  }
  func.func @transform_2(%arg0: i32) -> (i32, i32, i32) {
    %c0_i32 = arith.constant 0 : i32
    %c0_i32_0 = arith.constant 0 : i32
    %c0_i32_1 = arith.constant 0 : i32
    %c0_i32_2 = arith.constant 0 : i32
    return %c0_i32, %c0_i32_0, %c0_i32_1 : i32, i32, i32
  }
  func.func @transform_3(%arg0: i32) -> (i32, i32) {
    %c0_i32 = arith.constant 0 : i32
    %c0_i32_0 = arith.constant 0 : i32
    %c0_i32_1 = arith.constant 0 : i32
    return %c0_i32, %c0_i32_0 : i32, i32
  }
  func.func @transform_4(%arg0: i32) -> (i32, i32) {
    %c0_i32 = arith.constant 0 : i32
    %c0_i32_0 = arith.constant 0 : i32
    %c0_i32_1 = arith.constant 0 : i32
    return %c0_i32, %c0_i32_0 : i32, i32
  }
  func.func @transform_5(%arg0: i32) -> (i32, i32) {
    %c0_i32 = arith.constant 0 : i32
    %c0_i32_0 = arith.constant 0 : i32
    %c0_i32_1 = arith.constant 0 : i32
    return %c0_i32, %c0_i32_0 : i32, i32
  }
}

module attributes {stable_mosaic.version = 14 : i64} {
  func.func @body(%arg0: i32, %arg1: memref<2000x128xf32, #tpu.memory_space<vmem>>, %arg2: memref<128x16xf32, #tpu.memory_space<vmem>>, %arg3: memref<1x16xf32, #tpu.memory_space<vmem>>, %arg4: memref<16x16xf32, #tpu.memory_space<vmem>>, %arg5: memref<1x16xf32, #tpu.memory_space<vmem>>, %arg6: memref<1x16xf32, #tpu.memory_space<vmem>>, %arg7: memref<1x1xf32, #tpu.memory_space<vmem>>, %arg8: memref<1x1x2000xf32, #tpu.memory_space<vmem>>) attributes {dimension_semantics = [#tpu.dimension_semantics<arbitrary>], iteration_bounds = array<i64: 35>, scalar_prefetch = 0 : i64, scratch_operands = 0 : i64, tpu.core_type = #tpu.core_type<tc>, window_params = [{transform_indices = @transform_0, window_bounds = array<i64: 2000, 128>}, {pipeline_mode = #tpu.pipeline_mode<synchronous>, transform_indices = @transform_1, window_bounds = array<i64: 128, 16>}, {pipeline_mode = #tpu.pipeline_mode<synchronous>, transform_indices = @transform_2, window_bounds = array<i64: 1, 16>}, {pipeline_mode = #tpu.pipeline_mode<synchronous>, transform_indices = @transform_3, window_bounds = array<i64: 16, 16>}, {pipeline_mode = #tpu.pipeline_mode<synchronous>, transform_indices = @transform_4, window_bounds = array<i64: 1, 16>}, {pipeline_mode = #tpu.pipeline_mode<synchronous>, transform_indices = @transform_5, window_bounds = array<i64: 1, 16>}, {pipeline_mode = #tpu.pipeline_mode<synchronous>, transform_indices = @transform_6, window_bounds = array<i64: 1, 1>}, {transform_indices = @transform_7, window_bounds = array<i64: 1, 1, 2000>}]} {
    %get3A = arith.constant 0 : index
    %get3A_0 = arith.constant 0 : index
    %get3A_1 = vector.load %arg1[%get3A, %get3A_0] : memref<2000x128xf32, #tpu.memory_space<vmem>>, vector<2000x128xf32>
    %get3A_2 = arith.constant 0 : index
    %get3A_3 = arith.constant 0 : index
    %get3A_4 = vector.load %arg2[%get3A_2, %get3A_3] : memref<128x16xf32, #tpu.memory_space<vmem>>, vector<128x16xf32>
    %dot_general3A = arith.constant dense<0.000000e+00> : vector<2000x16xf32>
    %dot_general3A_5 = tpu.matmul %get3A_1, %get3A_4, %dot_general3A {dimension_numbers = #tpu.dot_dimension_numbers<[1], [0], [0], [1], [0, 0, 1, 1], [], []>, transpose_lhs_hint = false} : vector<2000x128xf32>, vector<128x16xf32>, vector<2000x16xf32> -> vector<2000x16xf32>
    %get3A_6 = arith.constant 0 : index
    %get3A_7 = arith.constant 0 : index
    %get3A_8 = vector.load %arg3[%get3A_6, %get3A_7] : memref<1x16xf32, #tpu.memory_space<vmem>>, vector<1x16xf32>
    %add3A = vector.broadcast %get3A_8 : vector<1x16xf32> to vector<2000x16xf32>
    %add3A_9 = arith.addf %dot_general3A_5, %add3A : vector<2000x16xf32>
    %max3A = arith.constant 0.000000e+00 : f32
    %max3A_10 = vector.broadcast %max3A : f32 to vector<2000x16xf32>
    %max3A_11 = arith.maximumf %add3A_9, %max3A_10 : vector<2000x16xf32>
    %get3A_12 = arith.constant 0 : index
    %get3A_13 = arith.constant 0 : index
    %get3A_14 = vector.load %arg4[%get3A_12, %get3A_13] : memref<16x16xf32, #tpu.memory_space<vmem>>, vector<16x16xf32>
    %dot_general3A_15 = arith.constant dense<0.000000e+00> : vector<2000x16xf32>
    %dot_general3A_16 = tpu.matmul %max3A_11, %get3A_14, %dot_general3A_15 {dimension_numbers = #tpu.dot_dimension_numbers<[1], [0], [0], [1], [0, 0, 1, 1], [], []>, transpose_lhs_hint = false} : vector<2000x16xf32>, vector<16x16xf32>, vector<2000x16xf32> -> vector<2000x16xf32>
    %get3A_17 = arith.constant 0 : index
    %get3A_18 = arith.constant 0 : index
    %get3A_19 = vector.load %arg5[%get3A_17, %get3A_18] : memref<1x16xf32, #tpu.memory_space<vmem>>, vector<1x16xf32>
    %add3A_20 = vector.broadcast %get3A_19 : vector<1x16xf32> to vector<2000x16xf32>
    %add3A_21 = arith.addf %dot_general3A_16, %add3A_20 : vector<2000x16xf32>
    %max3A_22 = arith.constant 0.000000e+00 : f32
    %max3A_23 = vector.broadcast %max3A_22 : f32 to vector<2000x16xf32>
    %max3A_24 = arith.maximumf %add3A_21, %max3A_23 : vector<2000x16xf32>
    %get3A_25 = arith.constant 0 : index
    %get3A_26 = arith.constant 0 : index
    %get3A_27 = vector.load %arg6[%get3A_25, %get3A_26] : memref<1x16xf32, #tpu.memory_space<vmem>>, vector<1x16xf32>
    %dot_general3A_28 = arith.constant dense<0.000000e+00> : vector<1x2000xf32>
    %dot_general3A_29 = tpu.matmul %get3A_27, %max3A_24, %dot_general3A_28 {dimension_numbers = #tpu.dot_dimension_numbers<[1], [1], [0], [0], [0, 0, 1, 0], [], []>, transpose_lhs_hint = false} : vector<1x16xf32>, vector<2000x16xf32>, vector<1x2000xf32> -> vector<1x2000xf32>
    %get3A_30 = arith.constant 0 : index
    %get3A_31 = arith.constant 0 : index
    %get3A_32 = vector.load %arg7[%get3A_30, %get3A_31] : memref<1x1xf32, #tpu.memory_space<vmem>>, vector<1x1xf32>
    %add3A_33 = vector.broadcast %get3A_32 : vector<1x1xf32> to vector<1x2000xf32>
    %add3A_34 = arith.addf %dot_general3A_29, %add3A_33 : vector<1x2000xf32>
    %swap3A = arith.constant 0 : index
    %swap3A_35 = arith.constant 0 : index
    %swap3A_36 = arith.constant 0 : index
    %swap3A_37 = vector.load %arg8[%swap3A, %swap3A_35, %swap3A_36] : memref<1x1x2000xf32, #tpu.memory_space<vmem>>, vector<1x1x2000xf32>
    %swap3A_38 = vector.shape_cast %swap3A_37 : vector<1x1x2000xf32> to vector<1x2000xf32>
    %swap3A_39 = vector.shape_cast %add3A_34 : vector<1x2000xf32> to vector<1x1x2000xf32>
    tpu.vector_store %arg8[%swap3A, %swap3A_35, %swap3A_36], %swap3A_39 {strides = array<i32>} : memref<1x1x2000xf32, #tpu.memory_space<vmem>>, vector<1x1x2000xf32>,
    return
  }
  func.func @transform_0(%arg0: i32) -> (i32, i32) {
    %add3A = arith.constant 5 : i32
    %add3A_0 = arith.addi %arg0, %add3A : i32
    %c0_i32 = arith.constant 0 : i32
    %c0_i32_1 = arith.constant 0 : i32
    return %add3A_0, %c0_i32 : i32, i32
  }
  func.func @transform_1(%arg0: i32) -> (i32, i32) {
    %c0_i32 = arith.constant 0 : i32
    %c0_i32_0 = arith.constant 0 : i32
    %c0_i32_1 = arith.constant 0 : i32
    return %c0_i32, %c0_i32_0 : i32, i32
  }
  func.func @transform_2(%arg0: i32) -> (i32, i32) {
    %c0_i32 = arith.constant 0 : i32
    %c0_i32_0 = arith.constant 0 : i32
    %c0_i32_1 = arith.constant 0 : i32
    return %c0_i32, %c0_i32_0 : i32, i32
  }
  func.func @transform_3(%arg0: i32) -> (i32, i32) {
    %c0_i32 = arith.constant 0 : i32
    %c0_i32_0 = arith.constant 0 : i32
    %c0_i32_1 = arith.constant 0 : i32
    return %c0_i32, %c0_i32_0 : i32, i32
  }
  func.func @transform_4(%arg0: i32) -> (i32, i32) {
    %c0_i32 = arith.constant 0 : i32
    %c0_i32_0 = arith.constant 0 : i32
    %c0_i32_1 = arith.constant 0 : i32
    return %c0_i32, %c0_i32_0 : i32, i32
  }
  func.func @transform_5(%arg0: i32) -> (i32, i32) {
    %c0_i32 = arith.constant 0 : i32
    %c0_i32_0 = arith.constant 0 : i32
    %c0_i32_1 = arith.constant 0 : i32
    return %c0_i32, %c0_i32_0 : i32, i32
  }
  func.func @transform_6(%arg0: i32) -> (i32, i32) {
    %c0_i32 = arith.constant 0 : i32
    %c0_i32_0 = arith.constant 0 : i32
    %c0_i32_1 = arith.constant 0 : i32
    return %c0_i32, %c0_i32_0 : i32, i32
  }
  func.func @transform_7(%arg0: i32) -> (i32, i32, i32) {
    %c0_i32 = arith.constant 0 : i32
    %c0_i32_0 = arith.constant 0 : i32
    %c0_i32_1 = arith.constant 0 : i32
    return %arg0, %c0_i32, %c0_i32_0 : i32, i32, i32
  }
}

module attributes {stable_mosaic.version = 14 : i64} {
  func.func @body(%arg0: memref<2x1256x128xf32, #tpu.memory_space<vmem>>, %arg1: memref<1256x128xf32, #tpu.memory_space<vmem>>, %arg2: memref<1256x128xf32, #tpu.memory_space<vmem>>, %arg3: memref<1x128xf32, #tpu.memory_space<vmem>>, %arg4: memref<128x128xf32, #tpu.memory_space<vmem>>, %arg5: memref<1256x128xf32, #tpu.memory_space<vmem>>, %arg6: memref<1256x128xf32, #tpu.memory_space<vmem>>) attributes {dimension_semantics = [], scalar_prefetch = 0 : i64, scratch_operands = 0 : i64, tpu.core_type = #tpu.core_type<tc>} {
    %get3A = arith.constant 0 : index
    %get3A_0 = arith.constant 0 : index
    %get3A_1 = vector.load %arg2[%get3A, %get3A_0] : memref<1256x128xf32, #tpu.memory_space<vmem>>, vector<1256x128xf32>
    %get3A_2 = arith.constant 0 : index
    %get3A_3 = arith.constant 0 : index
    %get3A_4 = arith.constant 0 : index
    %get3A_5 = vector.load %arg0[%get3A_2, %get3A_3, %get3A_4] : memref<2x1256x128xf32, #tpu.memory_space<vmem>>, vector<1x1256x128xf32>
    %get3A_6 = vector.shape_cast %get3A_5 : vector<1x1256x128xf32> to vector<1256x128xf32>
    %get3A_7 = arith.constant 1 : index
    %get3A_8 = arith.constant 0 : index
    %get3A_9 = arith.constant 0 : index
    %get3A_10 = vector.load %arg0[%get3A_7, %get3A_8, %get3A_9] : memref<2x1256x128xf32, #tpu.memory_space<vmem>>, vector<1x1256x128xf32>
    %get3A_11 = vector.shape_cast %get3A_10 : vector<1x1256x128xf32> to vector<1256x128xf32>
    %add3A = arith.addf %get3A_6, %get3A_11 : vector<1256x128xf32>
    %mul3A = arith.constant 8.000000e+00 : f32
    %mul3A_12 = vector.broadcast %mul3A : f32 to vector<1256x128xf32>
    %mul3A_13 = arith.mulf %get3A_1, %mul3A_12 : vector<1256x128xf32>
    %mul3A_14 = arith.mulf %add3A, %mul3A_13 : vector<1256x128xf32>
    %mul3A_15 = arith.mulf %get3A_1, %get3A_1 : vector<1256x128xf32>
    %get3A_16 = arith.constant 0 : index
    %get3A_17 = arith.constant 0 : index
    %get3A_18 = vector.load %arg1[%get3A_16, %get3A_17] : memref<1256x128xf32, #tpu.memory_space<vmem>>, vector<1256x128xf32>
    %mul3A_19 = arith.mulf %mul3A_15, %get3A_18 : vector<1256x128xf32>
    %add3A_20 = arith.addf %mul3A_14, %mul3A_19 : vector<1256x128xf32>
    %get3A_21 = arith.constant 0 : index
    %get3A_22 = arith.constant 0 : index
    %get3A_23 = vector.load %arg3[%get3A_21, %get3A_22] : memref<1x128xf32, #tpu.memory_space<vmem>>, vector<1x128xf32>
    %add3A_24 = vector.broadcast %get3A_23 : vector<1x128xf32> to vector<1256x128xf32>
    %add3A_25 = arith.addf %add3A_20, %add3A_24 : vector<1256x128xf32>
    %max3A = arith.constant 0.000000e+00 : f32
    %max3A_26 = vector.broadcast %max3A : f32 to vector<1256x128xf32>
    %max3A_27 = arith.maximumf %add3A_25, %max3A_26 : vector<1256x128xf32>
    %get3A_28 = arith.constant 0 : index
    %get3A_29 = arith.constant 0 : index
    %get3A_30 = vector.load %arg4[%get3A_28, %get3A_29] : memref<128x128xf32, #tpu.memory_space<vmem>>, vector<128x128xf32>
    %dot_general3A = arith.constant dense<0.000000e+00> : vector<1256x128xf32>
    %dot_general3A_31 = tpu.matmul %max3A_27, %get3A_30, %dot_general3A {dimension_numbers = #tpu.dot_dimension_numbers<[1], [0], [0], [1], [0, 0, 1, 1], [], []>, transpose_lhs_hint = false} : vector<1256x128xf32>, vector<128x128xf32>, vector<1256x128xf32> -> vector<1256x128xf32>
    %swap3A = arith.constant 0 : index
    %swap3A_32 = arith.constant 0 : index
    %swap3A_33 = vector.load %arg5[%swap3A, %swap3A_32] : memref<1256x128xf32, #tpu.memory_space<vmem>>, vector<1256x128xf32>
    tpu.vector_store %arg5[%swap3A, %swap3A_32], %dot_general3A_31 {strides = array<i32>} : memref<1256x128xf32, #tpu.memory_space<vmem>>, vector<1256x128xf32>,
    %mul3A_34 = arith.mulf %dot_general3A_31, %get3A_1 : vector<1256x128xf32>
    %swap3A_35 = arith.constant 0 : index
    %swap3A_36 = arith.constant 0 : index
    %swap3A_37 = vector.load %arg6[%swap3A_35, %swap3A_36] : memref<1256x128xf32, #tpu.memory_space<vmem>>, vector<1256x128xf32>
    tpu.vector_store %arg6[%swap3A_35, %swap3A_36], %mul3A_34 {strides = array<i32>} : memref<1256x128xf32, #tpu.memory_space<vmem>>, vector<1256x128xf32>,
    return
  }
}

module attributes {stable_mosaic.version = 14 : i64} {
  func.func @body(%arg0: i32, %arg1: memref<1x128x10000xf32, #tpu.memory_space<vmem>>, %arg2: memref<128x128xf32, #tpu.memory_space<vmem>>, %arg3: memref<128x1xf32, #tpu.memory_space<vmem>>, %arg4: memref<8x128xf32, #tpu.memory_space<vmem>>, %arg5: memref<1x1xf32, #tpu.memory_space<vmem>>, %arg6: memref<1x625x128xf32, #tpu.memory_space<vmem>>) attributes {dimension_semantics = [#tpu.dimension_semantics<arbitrary>], iteration_bounds = array<i64: 8>, scalar_prefetch = 0 : i64, scratch_operands = 0 : i64, tpu.core_type = #tpu.core_type<tc>, window_params = [{transform_indices = @transform_0, window_bounds = array<i64: 1, 128, 10000>}, {pipeline_mode = #tpu.pipeline_mode<synchronous>, transform_indices = @transform_1, window_bounds = array<i64: 128, 128>}, {pipeline_mode = #tpu.pipeline_mode<synchronous>, transform_indices = @transform_2, window_bounds = array<i64: 128, 1>}, {pipeline_mode = #tpu.pipeline_mode<synchronous>, transform_indices = @transform_3, window_bounds = array<i64: 8, 128>}, {pipeline_mode = #tpu.pipeline_mode<synchronous>, transform_indices = @transform_4, window_bounds = array<i64: 1, 1>}, {transform_indices = @transform_5, window_bounds = array<i64: 1, 625, 128>}]} {
    %get3A = arith.constant 0 : index
    %get3A_0 = arith.constant 0 : index
    %get3A_1 = vector.load %arg2[%get3A, %get3A_0] : memref<128x128xf32, #tpu.memory_space<vmem>>, vector<128x128xf32>
    %get3A_2 = arith.constant 0 : index
    %get3A_3 = arith.constant 0 : index
    %get3A_4 = arith.constant 0 : index
    %get3A_5 = vector.load %arg1[%get3A_2, %get3A_3, %get3A_4] : memref<1x128x10000xf32, #tpu.memory_space<vmem>>, vector<1x128x10000xf32>
    %get3A_6 = vector.shape_cast %get3A_5 : vector<1x128x10000xf32> to vector<128x10000xf32>
    %dot_general3A = arith.constant dense<0.000000e+00> : vector<128x10000xf32>
    %dot_general3A_7 = tpu.matmul %get3A_1, %get3A_6, %dot_general3A {dimension_numbers = #tpu.dot_dimension_numbers<[1], [0], [0], [1], [0, 0, 1, 1], [], []>, transpose_lhs_hint = false} : vector<128x128xf32>, vector<128x10000xf32>, vector<128x10000xf32> -> vector<128x10000xf32>
    %get3A_8 = arith.constant 0 : index
    %get3A_9 = arith.constant 0 : index
    %get3A_10 = vector.load %arg3[%get3A_8, %get3A_9] : memref<128x1xf32, #tpu.memory_space<vmem>>, vector<128x1xf32>
    %add3A = vector.broadcast %get3A_10 : vector<128x1xf32> to vector<128x10000xf32>
    %add3A_11 = arith.addf %dot_general3A_7, %add3A : vector<128x10000xf32>
    %max3A = arith.constant 0.000000e+00 : f32
    %max3A_12 = vector.broadcast %max3A : f32 to vector<128x10000xf32>
    %max3A_13 = arith.maximumf %add3A_11, %max3A_12 : vector<128x10000xf32>
    %get3A_14 = arith.constant 0 : index
    %get3A_15 = arith.constant 0 : index
    %get3A_16 = vector.load %arg4[%get3A_14, %get3A_15] : memref<8x128xf32, #tpu.memory_space<vmem>>, vector<8x128xf32>
    %dot_general3A_17 = arith.constant dense<0.000000e+00> : vector<8x10000xf32>
    %dot_general3A_18 = tpu.matmul %get3A_16, %max3A_13, %dot_general3A_17 {dimension_numbers = #tpu.dot_dimension_numbers<[1], [0], [0], [1], [0, 0, 1, 1], [], []>, transpose_lhs_hint = false} : vector<8x128xf32>, vector<128x10000xf32>, vector<8x10000xf32> -> vector<8x10000xf32>
    %get3A_19 = arith.constant 0 : index
    %get3A_20 = arith.constant 0 : index
    %get3A_21 = vector.load %arg5[%get3A_19, %get3A_20] : memref<1x1xf32, #tpu.memory_space<vmem>>, vector<1x1xf32>
    %add3A_22 = vector.broadcast %get3A_21 : vector<1x1xf32> to vector<8x10000xf32>
    %add3A_23 = arith.addf %dot_general3A_18, %add3A_22 : vector<8x10000xf32>
    %reduce_max3A = arith.constant dense<0xFF800000> : vector<10000xf32>
    %reduce_max3A_24 = vector.multi_reduction <maximumf>, %add3A_23, %reduce_max3A [0] : vector<8x10000xf32> to vector<10000xf32>
    %broadcast_in_dim3A = vector.shape_cast %reduce_max3A_24 : vector<10000xf32> to vector<1x10000xf32>
    %sub3A = vector.broadcast %broadcast_in_dim3A : vector<1x10000xf32> to vector<8x10000xf32>
    %sub3A_25 = arith.subf %add3A_23, %sub3A : vector<8x10000xf32>
    %exp3A = math.exp %sub3A_25 : vector<8x10000xf32>
    %reduce_sum3A = arith.constant dense<0.000000e+00> : vector<10000xf32>
    %reduce_sum3A_26 = vector.multi_reduction <add>, %exp3A, %reduce_sum3A [0] : vector<8x10000xf32> to vector<10000xf32>
    %broadcast_in_dim3A_27 = vector.shape_cast %reduce_sum3A_26 : vector<10000xf32> to vector<1x10000xf32>
    %div3A = vector.broadcast %broadcast_in_dim3A_27 : vector<1x10000xf32> to vector<8x10000xf32>
    %div3A_28 = arith.divf %exp3A, %div3A : vector<8x10000xf32>
    %reshape3A = vector.shape_cast %div3A_28 : vector<8x10000xf32> to vector<8x625x16xf32>
    %transpose3A = tpu.transpose %reshape3A, [1, 2, 0] : vector<8x625x16xf32> -> vector<625x16x8xf32>
    %reshape3A_29 = vector.shape_cast %transpose3A : vector<625x16x8xf32> to vector<625x128xf32>
    %swap3A = arith.constant 0 : index
    %swap3A_30 = arith.constant 0 : index
    %swap3A_31 = arith.constant 0 : index
    %swap3A_32 = vector.load %arg6[%swap3A, %swap3A_30, %swap3A_31] : memref<1x625x128xf32, #tpu.memory_space<vmem>>, vector<1x625x128xf32>
    %swap3A_33 = vector.shape_cast %swap3A_32 : vector<1x625x128xf32> to vector<625x128xf32>
    %swap3A_34 = vector.shape_cast %reshape3A_29 : vector<625x128xf32> to vector<1x625x128xf32>
    tpu.vector_store %arg6[%swap3A, %swap3A_30, %swap3A_31], %swap3A_34 {strides = array<i32>} : memref<1x625x128xf32, #tpu.memory_space<vmem>>, vector<1x625x128xf32>,
    return
  }
  func.func @transform_0(%arg0: i32) -> (i32, i32, i32) {
    %c0_i32 = arith.constant 0 : i32
    %c0_i32_0 = arith.constant 0 : i32
    %c0_i32_1 = arith.constant 0 : i32
    return %arg0, %c0_i32, %c0_i32_0 : i32, i32, i32
  }
  func.func @transform_1(%arg0: i32) -> (i32, i32) {
    %c0_i32 = arith.constant 0 : i32
    %c0_i32_0 = arith.constant 0 : i32
    %c0_i32_1 = arith.constant 0 : i32
    return %c0_i32, %c0_i32_0 : i32, i32
  }
  func.func @transform_2(%arg0: i32) -> (i32, i32) {
    %c0_i32 = arith.constant 0 : i32
    %c0_i32_0 = arith.constant 0 : i32
    %c0_i32_1 = arith.constant 0 : i32
    return %c0_i32, %c0_i32_0 : i32, i32
  }
  func.func @transform_3(%arg0: i32) -> (i32, i32) {
    %c0_i32 = arith.constant 0 : i32
    %c0_i32_0 = arith.constant 0 : i32
    %c0_i32_1 = arith.constant 0 : i32
    return %c0_i32, %c0_i32_0 : i32, i32
  }
  func.func @transform_4(%arg0: i32) -> (i32, i32) {
    %c0_i32 = arith.constant 0 : i32
    %c0_i32_0 = arith.constant 0 : i32
    %c0_i32_1 = arith.constant 0 : i32
    return %c0_i32, %c0_i32_0 : i32, i32
  }
  func.func @transform_5(%arg0: i32) -> (i32, i32, i32) {
    %c0_i32 = arith.constant 0 : i32
    %c0_i32_0 = arith.constant 0 : i32
    %c0_i32_1 = arith.constant 0 : i32
    return %arg0, %c0_i32, %c0_i32_0 : i32, i32, i32
  }
}

module attributes {stable_mosaic.version = 14 : i64} {
  func.func @_softprod_body(%arg0: i32, %arg1: memref<1x625x16xf32, #tpu.memory_space<vmem>>, %arg2: memref<1x625x128xf32, #tpu.memory_space<vmem>>, %arg3: memref<1x625x128xf32, #tpu.memory_space<vmem>>) attributes {dimension_semantics = [#tpu.dimension_semantics<arbitrary>], iteration_bounds = array<i64: 7>, scalar_prefetch = 0 : i64, scratch_operands = 0 : i64, tpu.core_type = #tpu.core_type<tc>, window_params = [{transform_indices = @transform_0, window_bounds = array<i64: 1, 625, 16>}, {transform_indices = @transform_1, window_bounds = array<i64: 1, 625, 128>}, {transform_indices = @transform_2, window_bounds = array<i64: 1, 625, 128>}]} {
    %get3A = arith.constant 0 : index
    %get3A_0 = arith.constant 0 : index
    %get3A_1 = arith.constant 0 : index
    %get3A_2 = vector.load %arg1[%get3A, %get3A_0, %get3A_1] : memref<1x625x16xf32, #tpu.memory_space<vmem>>, vector<1x625x16xf32>
    %get3A_3 = vector.shape_cast %get3A_2 : vector<1x625x16xf32> to vector<625x16xf32>
    %reduce_max3A = vector.shape_cast %get3A_3 : vector<625x16xf32> to vector<1x625x16xf32>
    %reduce_max3A_4 = arith.constant dense<0xFF800000> : vector<1xf32>
    %reduce_max3A_5 = vector.multi_reduction <maximumf>, %reduce_max3A, %reduce_max3A_4 [1, 2] : vector<1x625x16xf32> to vector<1xf32>
    %reduce_max3A_6 = vector.shape_cast %reduce_max3A_5 : vector<1xf32> to vector<1x1x1xf32>
    %reduce_max3A_7 = vector.extract %reduce_max3A_6[0, 0, 0] : f32 from vector<1x1x1xf32>
    %sub3A = vector.broadcast %reduce_max3A_7 : f32 to vector<625x16xf32>
    %sub3A_8 = arith.subf %get3A_3, %sub3A : vector<625x16xf32>
    %exp3A = math.exp %sub3A_8 : vector<625x16xf32>
    %reduce_sum3A = vector.shape_cast %exp3A : vector<625x16xf32> to vector<1x625x16xf32>
    %reduce_sum3A_9 = arith.constant dense<0.000000e+00> : vector<1xf32>
    %reduce_sum3A_10 = vector.multi_reduction <add>, %reduce_sum3A, %reduce_sum3A_9 [1, 2] : vector<1x625x16xf32> to vector<1xf32>
    %reduce_sum3A_11 = vector.shape_cast %reduce_sum3A_10 : vector<1xf32> to vector<1x1x1xf32>
    %reduce_sum3A_12 = vector.extract %reduce_sum3A_11[0, 0, 0] : f32 from vector<1x1x1xf32>
    %div3A = vector.broadcast %reduce_sum3A_12 : f32 to vector<625x16xf32>
    %div3A_13 = arith.divf %exp3A, %div3A : vector<625x16xf32>
    %broadcast_in_dim3A = vector.shape_cast %div3A_13 : vector<625x16xf32> to vector<625x16x1xf32>
    %broadcast_in_dim3A_14 = vector.shape_cast %broadcast_in_dim3A : vector<625x16x1xf32> to vector<625x16x1xf32>
    %broadcast_in_dim3A_15 = vector.broadcast %broadcast_in_dim3A_14 : vector<625x16x1xf32> to vector<625x16x8xf32>
    %get3A_16 = arith.constant 0 : index
    %get3A_17 = arith.constant 0 : index
    %get3A_18 = arith.constant 0 : index
    %get3A_19 = vector.load %arg2[%get3A_16, %get3A_17, %get3A_18] : memref<1x625x128xf32, #tpu.memory_space<vmem>>, vector<1x625x128xf32>
    %get3A_20 = vector.shape_cast %get3A_19 : vector<1x625x128xf32> to vector<625x128xf32>
    %reshape3A = vector.shape_cast %broadcast_in_dim3A_15 : vector<625x16x8xf32> to vector<625x128xf32>
    %mul3A = arith.mulf %get3A_20, %reshape3A : vector<625x128xf32>
    %swap3A = arith.constant 0 : index
    %swap3A_21 = arith.constant 0 : index
    %swap3A_22 = arith.constant 0 : index
    %swap3A_23 = vector.load %arg3[%swap3A, %swap3A_21, %swap3A_22] : memref<1x625x128xf32, #tpu.memory_space<vmem>>, vector<1x625x128xf32>
    %swap3A_24 = vector.shape_cast %swap3A_23 : vector<1x625x128xf32> to vector<625x128xf32>
    %swap3A_25 = vector.shape_cast %mul3A : vector<625x128xf32> to vector<1x625x128xf32>
    tpu.vector_store %arg3[%swap3A, %swap3A_21, %swap3A_22], %swap3A_25 {strides = array<i32>} : memref<1x625x128xf32, #tpu.memory_space<vmem>>, vector<1x625x128xf32>,
    return
  }
  func.func @transform_0(%arg0: i32) -> (i32, i32, i32) {
    %c0_i32 = arith.constant 0 : i32
    %c0_i32_0 = arith.constant 0 : i32
    %c0_i32_1 = arith.constant 0 : i32
    return %arg0, %c0_i32, %c0_i32_0 : i32, i32, i32
  }
  func.func @transform_1(%arg0: i32) -> (i32, i32, i32) {
    %add3A = arith.constant 1 : i32
    %add3A_0 = arith.addi %arg0, %add3A : i32
    %c0_i32 = arith.constant 0 : i32
    %c0_i32_1 = arith.constant 0 : i32
    %c0_i32_2 = arith.constant 0 : i32
    return %add3A_0, %c0_i32, %c0_i32_1 : i32, i32, i32
  }
  func.func @transform_2(%arg0: i32) -> (i32, i32, i32) {
    %add3A = arith.constant 1 : i32
    %add3A_0 = arith.addi %arg0, %add3A : i32
    %c0_i32 = arith.constant 0 : i32
    %c0_i32_1 = arith.constant 0 : i32
    %c0_i32_2 = arith.constant 0 : i32
    return %add3A_0, %c0_i32, %c0_i32_1 : i32, i32, i32
  }
}

module attributes {stable_mosaic.version = 14 : i64} {
  func.func @body(%arg0: memref<2x1256x128xf32, #tpu.memory_space<vmem>>, %arg1: memref<1256x128xf32, #tpu.memory_space<vmem>>, %arg2: memref<1256x128xf32, #tpu.memory_space<vmem>>, %arg3: memref<1x128xf32, #tpu.memory_space<vmem>>, %arg4: memref<8x128xf32, #tpu.memory_space<vmem>>, %arg5: memref<1x1xf32, #tpu.memory_space<vmem>>, %arg6: memref<8x1256xf32, #tpu.memory_space<vmem>>) attributes {dimension_semantics = [], scalar_prefetch = 0 : i64, scratch_operands = 0 : i64, tpu.core_type = #tpu.core_type<tc>} {
    %get3A = arith.constant 0 : index
    %get3A_0 = arith.constant 0 : index
    %get3A_1 = vector.load %arg2[%get3A, %get3A_0] : memref<1256x128xf32, #tpu.memory_space<vmem>>, vector<1256x128xf32>
    %get3A_2 = arith.constant 0 : index
    %get3A_3 = arith.constant 0 : index
    %get3A_4 = arith.constant 0 : index
    %get3A_5 = vector.load %arg0[%get3A_2, %get3A_3, %get3A_4] : memref<2x1256x128xf32, #tpu.memory_space<vmem>>, vector<1x1256x128xf32>
    %get3A_6 = vector.shape_cast %get3A_5 : vector<1x1256x128xf32> to vector<1256x128xf32>
    %get3A_7 = arith.constant 1 : index
    %get3A_8 = arith.constant 0 : index
    %get3A_9 = arith.constant 0 : index
    %get3A_10 = vector.load %arg0[%get3A_7, %get3A_8, %get3A_9] : memref<2x1256x128xf32, #tpu.memory_space<vmem>>, vector<1x1256x128xf32>
    %get3A_11 = vector.shape_cast %get3A_10 : vector<1x1256x128xf32> to vector<1256x128xf32>
    %add3A = arith.addf %get3A_6, %get3A_11 : vector<1256x128xf32>
    %mul3A = arith.constant 8.000000e+00 : f32
    %mul3A_12 = vector.broadcast %mul3A : f32 to vector<1256x128xf32>
    %mul3A_13 = arith.mulf %get3A_1, %mul3A_12 : vector<1256x128xf32>
    %mul3A_14 = arith.mulf %add3A, %mul3A_13 : vector<1256x128xf32>
    %mul3A_15 = arith.mulf %get3A_1, %get3A_1 : vector<1256x128xf32>
    %get3A_16 = arith.constant 0 : index
    %get3A_17 = arith.constant 0 : index
    %get3A_18 = vector.load %arg1[%get3A_16, %get3A_17] : memref<1256x128xf32, #tpu.memory_space<vmem>>, vector<1256x128xf32>
    %mul3A_19 = arith.mulf %mul3A_15, %get3A_18 : vector<1256x128xf32>
    %add3A_20 = arith.addf %mul3A_14, %mul3A_19 : vector<1256x128xf32>
    %get3A_21 = arith.constant 0 : index
    %get3A_22 = arith.constant 0 : index
    %get3A_23 = vector.load %arg3[%get3A_21, %get3A_22] : memref<1x128xf32, #tpu.memory_space<vmem>>, vector<1x128xf32>
    %add3A_24 = vector.broadcast %get3A_23 : vector<1x128xf32> to vector<1256x128xf32>
    %add3A_25 = arith.addf %add3A_20, %add3A_24 : vector<1256x128xf32>
    %max3A = arith.constant 0.000000e+00 : f32
    %max3A_26 = vector.broadcast %max3A : f32 to vector<1256x128xf32>
    %max3A_27 = arith.maximumf %add3A_25, %max3A_26 : vector<1256x128xf32>
    %get3A_28 = arith.constant 0 : index
    %get3A_29 = arith.constant 0 : index
    %get3A_30 = vector.load %arg4[%get3A_28, %get3A_29] : memref<8x128xf32, #tpu.memory_space<vmem>>, vector<8x128xf32>
    %dot_general3A = arith.constant dense<0.000000e+00> : vector<8x1256xf32>
    %dot_general3A_31 = tpu.matmul %get3A_30, %max3A_27, %dot_general3A {dimension_numbers = #tpu.dot_dimension_numbers<[1], [1], [0], [0], [0, 0, 1, 0], [], []>, transpose_lhs_hint = false} : vector<8x128xf32>, vector<1256x128xf32>, vector<8x1256xf32> -> vector<8x1256xf32>
    %get3A_32 = arith.constant 0 : index
    %get3A_33 = arith.constant 0 : index
    %get3A_34 = vector.load %arg5[%get3A_32, %get3A_33] : memref<1x1xf32, #tpu.memory_space<vmem>>, vector<1x1xf32>
    %add3A_35 = vector.broadcast %get3A_34 : vector<1x1xf32> to vector<8x1256xf32>
    %add3A_36 = arith.addf %dot_general3A_31, %add3A_35 : vector<8x1256xf32>
    %swap3A = arith.constant 0 : index
    %swap3A_37 = arith.constant 0 : index
    %swap3A_38 = vector.load %arg6[%swap3A, %swap3A_37] : memref<8x1256xf32, #tpu.memory_space<vmem>>, vector<8x1256xf32>
    tpu.vector_store %arg6[%swap3A, %swap3A_37], %add3A_36 {strides = array<i32>} : memref<8x1256xf32, #tpu.memory_space<vmem>>, vector<8x1256xf32>,
    return
  }
}

module attributes {stable_mosaic.version = 14 : i64} {
  func.func @body(%arg0: i32, %arg1: memref<1x625x16xf32, #tpu.memory_space<vmem>>, %arg2: memref<1x625x128xf32, #tpu.memory_space<vmem>>, %arg3: memref<1x625x128xf32, #tpu.memory_space<vmem>>, %arg4: memref<1x625x128xf32, #tpu.memory_space<vmem>>) attributes {dimension_semantics = [#tpu.dimension_semantics<arbitrary>], iteration_bounds = array<i64: 1>, scalar_prefetch = 0 : i64, scratch_operands = 0 : i64, tpu.core_type = #tpu.core_type<tc>, window_params = [{pipeline_mode = #tpu.pipeline_mode<synchronous>, transform_indices = @transform_0, window_bounds = array<i64: 1, 625, 16>}, {transform_indices = @transform_1, window_bounds = array<i64: 1, 625, 128>}, {transform_indices = @transform_2, window_bounds = array<i64: 1, 625, 128>}, {transform_indices = @transform_3, window_bounds = array<i64: 1, 625, 128>}]} {
    %get3A = arith.constant 0 : index
    %get3A_0 = arith.constant 0 : index
    %get3A_1 = arith.constant 0 : index
    %get3A_2 = vector.load %arg1[%get3A, %get3A_0, %get3A_1] : memref<1x625x16xf32, #tpu.memory_space<vmem>>, vector<1x625x16xf32>
    %get3A_3 = vector.shape_cast %get3A_2 : vector<1x625x16xf32> to vector<625x16xf32>
    %reduce_max3A = vector.shape_cast %get3A_3 : vector<625x16xf32> to vector<1x625x16xf32>
    %reduce_max3A_4 = arith.constant dense<0xFF800000> : vector<1xf32>
    %reduce_max3A_5 = vector.multi_reduction <maximumf>, %reduce_max3A, %reduce_max3A_4 [1, 2] : vector<1x625x16xf32> to vector<1xf32>
    %reduce_max3A_6 = vector.shape_cast %reduce_max3A_5 : vector<1xf32> to vector<1x1x1xf32>
    %reduce_max3A_7 = vector.extract %reduce_max3A_6[0, 0, 0] : f32 from vector<1x1x1xf32>
    %sub3A = vector.broadcast %reduce_max3A_7 : f32 to vector<625x16xf32>
    %sub3A_8 = arith.subf %get3A_3, %sub3A : vector<625x16xf32>
    %exp3A = math.exp %sub3A_8 : vector<625x16xf32>
    %reduce_sum3A = vector.shape_cast %exp3A : vector<625x16xf32> to vector<1x625x16xf32>
    %reduce_sum3A_9 = arith.constant dense<0.000000e+00> : vector<1xf32>
    %reduce_sum3A_10 = vector.multi_reduction <add>, %reduce_sum3A, %reduce_sum3A_9 [1, 2] : vector<1x625x16xf32> to vector<1xf32>
    %reduce_sum3A_11 = vector.shape_cast %reduce_sum3A_10 : vector<1xf32> to vector<1x1x1xf32>
    %reduce_sum3A_12 = vector.extract %reduce_sum3A_11[0, 0, 0] : f32 from vector<1x1x1xf32>
    %div3A = vector.broadcast %reduce_sum3A_12 : f32 to vector<625x16xf32>
    %div3A_13 = arith.divf %exp3A, %div3A : vector<625x16xf32>
    %broadcast_in_dim3A = vector.shape_cast %div3A_13 : vector<625x16xf32> to vector<625x16x1xf32>
    %broadcast_in_dim3A_14 = vector.shape_cast %broadcast_in_dim3A : vector<625x16x1xf32> to vector<625x16x1xf32>
    %broadcast_in_dim3A_15 = vector.broadcast %broadcast_in_dim3A_14 : vector<625x16x1xf32> to vector<625x16x8xf32>
    %get3A_16 = arith.constant 0 : index
    %get3A_17 = arith.constant 0 : index
    %get3A_18 = arith.constant 0 : index
    %get3A_19 = vector.load %arg2[%get3A_16, %get3A_17, %get3A_18] : memref<1x625x128xf32, #tpu.memory_space<vmem>>, vector<1x625x128xf32>
    %get3A_20 = vector.shape_cast %get3A_19 : vector<1x625x128xf32> to vector<625x128xf32>
    %reshape3A = vector.shape_cast %broadcast_in_dim3A_15 : vector<625x16x8xf32> to vector<625x128xf32>
    %mul3A = arith.mulf %get3A_20, %reshape3A : vector<625x128xf32>
    %swap3A = arith.constant 0 : index
    %swap3A_21 = arith.constant 0 : index
    %swap3A_22 = arith.constant 0 : index
    %swap3A_23 = vector.load %arg4[%swap3A, %swap3A_21, %swap3A_22] : memref<1x625x128xf32, #tpu.memory_space<vmem>>, vector<1x625x128xf32>
    %swap3A_24 = vector.shape_cast %swap3A_23 : vector<1x625x128xf32> to vector<625x128xf32>
    %swap3A_25 = vector.shape_cast %mul3A : vector<625x128xf32> to vector<1x625x128xf32>
    tpu.vector_store %arg4[%swap3A, %swap3A_21, %swap3A_22], %swap3A_25 {strides = array<i32>} : memref<1x625x128xf32, #tpu.memory_space<vmem>>, vector<1x625x128xf32>,
    return
  }
  func.func @transform_0(%arg0: i32) -> (i32, i32, i32) {
    %c0_i32 = arith.constant 0 : i32
    %c0_i32_0 = arith.constant 0 : i32
    %c0_i32_1 = arith.constant 0 : i32
    %c0_i32_2 = arith.constant 0 : i32
    return %c0_i32, %c0_i32_0, %c0_i32_1 : i32, i32, i32
  }
  func.func @transform_1(%arg0: i32) -> (i32, i32, i32) {
    %c0_i32 = arith.constant 0 : i32
    %c0_i32_0 = arith.constant 0 : i32
    %c0_i32_1 = arith.constant 0 : i32
    %c0_i32_2 = arith.constant 0 : i32
    return %c0_i32, %c0_i32_0, %c0_i32_1 : i32, i32, i32
  }
  func.func @transform_2(%arg0: i32) -> (i32, i32, i32) {
    %c0_i32 = arith.constant 0 : i32
    %c0_i32_0 = arith.constant 0 : i32
    %c0_i32_1 = arith.constant 0 : i32
    %c0_i32_2 = arith.constant 0 : i32
    return %c0_i32, %c0_i32_0, %c0_i32_1 : i32, i32, i32
  }
  func.func @transform_3(%arg0: i32) -> (i32, i32, i32) {
    %c0_i32 = arith.constant 0 : i32
    %c0_i32_0 = arith.constant 0 : i32
    %c0_i32_1 = arith.constant 0 : i32
    %c0_i32_2 = arith.constant 0 : i32
    return %c0_i32, %c0_i32_0, %c0_i32_1 : i32, i32, i32
  }
}

</mosaic_0001>

<sc_bundles>
// kernel: kernel.12.cloned.1.call-start
scs
__scs_entry_jumppad:
0x0: {  	(pc) =	sbr.rel $0x88, $3  }
0x1: {  	(tag) =	ssettag $0x0;
	lr =	simm.s32 $0x1  }
0x2: {  	[smem:$0x3F94] =	sst lr;
	_ =	strace $0xD0000000  }
0x3: {  	_ = 	snop  }
0x4: {  	_ = 	snop  }
0x5: {  	_ = 	snop  }
0x6: {  	_ = 	snop  }
0x7: {  	_ = 	snop  }
__scs_overlays_trampoline_lowered:
0x8: {  	[smem:$0x3FA3] =	sst s0  }
0x9: {  	[smem:$0x3FA4] =	sst s1  }
0xa: {  	[smem:$0x3FA5] =	sst s2  }
0xb: {  	[smem:$0x3FA6] =	sst s3  }
0xc: {  	[smem:$0x3FA7] =	sst s4  }
0xd: {  	[smem:$0x3FA8] =	sst s5  }
0xe: {  	[smem:$0x3FA9] =	sst s6  }
0xf: {  	[smem:$0x3FAA] =	sst s7  }
0x10: {  	[smem:$0x3FAB] =	sst s8  }
0x11: {  	[smem:$0x3FAC] =	sst s9;
	s0 =	simm.s32 @!p0 $0x0  }
0x12: {  	s1 =	sld [smem:$0x3F92];
	s0 =	simm.s32 @p0 $0x1  }
0x13: {  	[smem:$0x3FAD] =	sst s0;
	s0 =	simm.s32 @!p1 $0x0  }
0x14: {  	s2 =	sld [smem:$0x3F91];
	s0 =	simm.s32 @p1 $0x1  }
0x15: {  	[smem:$0x3FAE] =	sst s0;
	s0 =	simm.s32 @!p2 $0x0  }
0x16: {  	s3 =	sld [smem:$0x3FDB];
	s0 =	simm.s32 @p2 $0x1  }
0x17: {  	s4 =	simm.s32 $0x1BF5;
	[smem:$0x3FB0] =	sst s0  }
0x18: {  	s0 =	sld [smem:$0x3F93];
	_ =	swait.ge [sflag:s4], $0x0  }
0x19: {  	s7 =	sld [smem:$0x3F94]  }
0x1a: {  	s8 =	sadd.s32 $0xFFFFE003, lr  }
0x1b: {  	s9 =	sadd.s32 $0xFFFFFEF7, lr;
	s5 =	simm.s32 $0xFFFFFFFF;
	p2 =	slt.u32 s8, $0xFFFFF086  }
0x1c: {  	p1 =	slt.u32 s9, $0xF7A;
	s5 =	simm.s32 @!p2 $0x0  }
0x1d: {  	s5 =	simm.s32 @p1 $0x1;
	p0 =	seq.s32 s7, s2  }
0x1e: {  	s7 =	smul.u32 @!p0 $0xF7A, s2;
	p2 =	seq.s32 @!p0 s5, $0x0  }
0x1f: {  	s9 =	smul.u32 $0xF7A, s1;
	s8 =	simm.s32 @!p0 $0x1BF5;
	p2 =	por !p2, p0  }
0x20: {  	[sflag:s8] =	ssyncset.s32 @!p0 $0xFFFFF086;
	s6 =	sadd.s32 @!p0 s3, s7;
	s7 =	simm.s32 @!p0 $0x108  }
0x21: {  	s3 =	sadd.s32 s3, s9;
	s6 =	sadd.s32 @!p0 $0x88, s6;
	s7 =	simm.s32 @p2 $0x1082  }
0x22: {  	[simem:s7], [sflag:s8] =	dma.local @!p0 [hbm:s6], $0xF7A  }
0x23: {  	s9 =	sor.u32 $0xD0000000, s2;
	s6 =	simm.s32 $0x108;
	_ =	swait.ge @!p0 [sflag:s8], $0x0  }
0x24: {  	s3 =	sadd.s32 $0x88, s3;
	s6 =	simm.s32 @!p1 $0x1082;
	[sflag:s4] =	ssyncset.s32 $0xFFFFF086  }
0x25: {  	[simem:s6], [sflag:s4] =	dma.local [hbm:s3], $0xF7A  }
0x26: {  	[smem:$0x3F94] =	sst s1;
	(tag) =	ssettag s2;
	_ =	strace s9  }
0x27: {  	s1 =	sld [smem:$0x3FA4]  }
0x28: {  	s2 =	sld [smem:$0x3FA5]  }
0x29: {  	s4 =	sld [smem:$0x3FA7]  }
0x2a: {  	p0 =	seq.s32 s5, $0x0;
	s5 =	sld [smem:$0x3FA8]  }
0x2b: {  	s6 =	sld [smem:$0x3FA9]  }
0x2c: {  	s7 =	sld [smem:$0x3FAA]  }
0x2d: {  	s3 =	simm.s32 $0x108;
	s8 =	sld [smem:$0x3FAB]  }
0x2e: {  	s3 =	simm.s32 @!p0 $0x1082;
	s9 =	sld [smem:$0x3FAC]  }
0x2f: {  	lr =	sadd.s32 s0, s3;
	s0 =	sld [smem:$0x3FA3]  }
0x30: {  	s3 =	sld [smem:$0x3FA6]  }
0x31: {  	[smem:$0x3FAF] =	sst s10  }
0x32: {  	s10 =	sld [smem:$0x3FAD];
	_ =	sdelay $0x3  }
0x33: {  	p0 =	seq.s32 s10, $0x1;
	s10 =	sld [smem:$0x3FAF];
	_ =	sdelay $0x3  }
0x34: {  	[smem:$0x3FAF] =	sst s10  }
0x35: {  	s10 =	sld [smem:$0x3FAE];
	_ =	sdelay $0x3  }
0x36: {  	p1 =	seq.s32 s10, $0x1;
	s10 =	sld [smem:$0x3FAF];
	_ =	sdelay $0x3  }
0x37: {  	[smem:$0x3FAF] =	sst s10  }
0x38: {  	s10 =	sld [smem:$0x3FB0]  }
0x39: {  	_ = 	snop;
	(pc) =	sbr.ind lr, $3  }
0x3a: {  	_ = 	snop  }
0x3b: {  	_ = 	snop  }
0x3c: {  	p2 =	seq.s32 s10, $0x1;
	s10 =	sld [smem:$0x3FAF]  }
0x3d: {  	_ =	shalt  }
0x3e: {  	_ =	shalt  }
0x3f: {  	_ =	shalt  }
0x40: {  	_ =	shalt  }
0x41: {  	_ =	shalt  }
0x42: {  	_ =	shalt  }
0x43: {  	_ =	shalt  }
0x44: {  	_ =	shalt  }
0x45: {  	_ =	shalt  }
0x46: {  	_ =	shalt  }
0x47: {  	_ =	shalt  }
0x48: {  	_ =	shalt  }
0x49: {  	_ =	shalt  }
0x4a: {  	_ =	shalt  }
0x4b: {  	_ =	shalt  }
0x4c: {  	_ =	shalt  }
0x4d: {  	_ =	shalt  }
0x4e: {  	_ =	shalt  }
0x4f: {  	_ =	shalt  }
0x50: {  	_ =	shalt  }
0x51: {  	_ =	shalt  }
0x52: {  	_ =	shalt  }
0x53: {  	_ =	shalt  }
0x54: {  	_ =	shalt  }
0x55: {  	_ =	shalt  }
0x56: {  	_ =	shalt  }
0x57: {  	_ =	shalt  }
0x58: {  	_ =	shalt  }
0x59: {  	_ =	shalt  }
0x5a: {  	_ =	shalt  }
0x5b: {  	_ =	shalt  }
0x5c: {  	_ =	shalt  }
0x5d: {  	_ =	shalt  }
0x5e: {  	_ =	shalt  }
0x5f: {  	_ =	shalt  }
0x60: {  	_ =	shalt  }
0x61: {  	_ =	shalt  }
0x62: {  	_ =	shalt  }
0x63: {  	_ =	shalt  }
0x64: {  	_ =	shalt  }
0x65: {  	_ =	shalt  }
0x66: {  	_ =	shalt  }
0x67: {  	_ =	shalt  }
0x68: {  	_ =	shalt  }
0x69: {  	_ =	shalt  }
0x6a: {  	_ =	shalt  }
0x6b: {  	_ =	shalt  }
0x6c: {  	_ =	shalt  }
0x6d: {  	_ =	shalt  }
0x6e: {  	_ =	shalt  }
0x6f: {  	_ =	shalt  }
0x70: {  	_ =	shalt  }
0x71: {  	_ =	shalt  }
0x72: {  	_ =	shalt  }
0x73: {  	_ =	shalt  }
0x74: {  	_ =	shalt  }
0x75: {  	_ =	shalt  }
0x76: {  	_ =	shalt  }
0x77: {  	_ =	shalt  }
0x78: {  	_ =	shalt  }
0x79: {  	_ =	shalt  }
0x7a: {  	_ =	shalt  }
0x7b: {  	_ =	shalt  }
0x7c: {  	_ =	shalt  }
0x7d: {  	_ =	shalt  }
0x7e: {  	_ =	shalt  }
0x7f: {  	_ =	shalt  }
0x80: {  	_ =	shalt  }
0x81: {  	_ =	shalt  }
0x82: {  	_ =	shalt  }
0x83: {  	_ =	shalt  }
0x84: {  	_ =	shalt  }
0x85: {  	_ =	shalt  }
0x86: {  	_ =	shalt  }
0x87: {  	_ =	shalt  }
.Lfunc_end0:
.L_simem_size_0:
called_computation_lowered:
.L_overlay_start_0:
0x88: {  	s2 =	sld [smem:$0x3FD9]  }
0x89: {  	s3 =	sld [smem:$0x3FFE];
	_ =	sdelay $0x1  }
0x8a: {  	s1 =	srdreg.scid  }
0x8b: {  	s0 =	sand.u32 $0x1, s1  }
0x8c: {  	s17 =	sshll.u32 s0, $0xA;
	s2 =	sadd.s32 s3, s2  }
0x8d: {  	s2 =	sadd.s32 s2, s17  }
0x8e: {  	[smem:$0x3FBB] =	sst s2  }
0x8f: {  	_ = 	snop  }
0x90: {  	s2 =	sld [smem:$0x3FD0];
	(tm) =	ssettm $0x1  }
0x91: {  	s18 =	sld [smem:$0x3FFB];
	_ =	sdelay $0x3  }
0x92: {  	_ =	strace s18  }
0x93: {  	s3 =	sld [smem:$0x3FFC];
	_ =	sdelay $0x3  }
0x94: {  	_ =	strace s3  }
0x95: {  	s3 =	sld [smem:$0x3FFD];
	_ =	sdelay $0x3  }
0x96: {  	_ =	strace s3  }
0x97: {  	_ =	strace $0x8FFFFFFF  }
0x98: {  	s19 =	sld [smem:$0x3FDB];
	_ =	sdelay $0x1  }
0x99: {  	s4 =	simm.s32 $_scs_section_size  }
0x9a: {  	s5 =	simm.s32 $_size__tile_overlayer_lowered;
	s6 =	simm.s32 $_tile_overlayer_lowered  }
0x9b: {  	s22 =	simm.s32 $0x1BFF;
	s21 =	sshll.u32 s6, $0x1;
	s3 =	sadd.s32 s4, s19  }
0x9c: {  	s7 =	simm.s32 $0x0;
	s20 =	sshll.u32 s5, $0x1;
	s5 =	sadd.s32 s21, s3  }
0x9d: {  	[timem:s7], [sflag:s22] =	dma.local [hbm:s5], s20  }
0x9e: {  	_ =	swait.ge [sflag:s22], s20  }
0x9f: {  	s4 =	ssub.s32 $0x0, s20;
	[sflag:s22] =	ssyncset.done $0x0  }
0xa0: {  	[sflag:s22] =	ssyncadd.s32 s4;
	_ =	sdelay $0x1  }
0xa1: {  	s23 =	simm.s32 $0x1B8B  }
0xa2: {  	_ =	swait.ge [sflag:s23], $0x1  }
0xa3: {  	[sflag:s23] =	ssyncset.done $0x0  }
0xa4: {  	s25 =	simm.s32 $0x1B8E;
	s24 =	sld [smem:$0x3FFE];
	[sflag:s23] =	ssyncadd.s32 $0xFFFFFFFF  }
0xa5: {  	s26 =	simm.s32 $execute0_lowered;
	[smem:$0x3FD2] =	sst s25  }
0xa6: {  	s5 =	sshll.u32 s26, $0x1;
	_ =	strace $0x80000046;
	[dreg:$0x1] =	wrdreg $0xFFFFFFFF  }
0xa7: {  	s28 =	simm.s32 $_size_execute0_lowered;
	s3 =	sadd.s32 s3, s5;
	[dreg:$0x0] =	wrdreg $0x0  }
0xa8: {  	s5 =	sshll.u32 s28, $0x1;
	[dreg:$0x2] =	wrdreg s3  }
0xa9: {  	[dreg:$0x3] =	wrdreg s5  }
0xaa: {  	[dreg:$0x4] =	wrdreg $0xC0  }
0xab: {  	_ =	task [dreg:s7], $0x5FFFF  }
0xac: {  	[dreg:$0x1] =	wrdreg $0xFFFFFFFF  }
0xad: {  	[dreg:$0x0] =	wrdreg $0x60  }
0xae: {  	[dreg:$0x2] =	wrdreg s2  }
0xaf: {  	[dreg:$0x3] =	wrdreg s24  }
0xb0: {  	[dreg:$0x4] =	wrdreg $0x30000  }
0xb1: {  	[dreg:$0x5] =	wrdreg $0x9  }
0xb2: {  	_ =	task.clear_ibuf [dreg:s7], $0x6FFFF;
	_ =	strace $0x90000046  }
0xb3: {  	s29 =	simm.s32 $0x9;
	_ =	strace $0x80000048  }
0xb4: {  	_ =	swait.ge [sflag:s29], $0x1  }
0xb5: {  	[sflag:s29] =	ssyncadd.s32 $0xFFFFFFFF  }
0xb6: {  	_ =	strace $0x90000048  }
0xb7: {  	_ =	sfence  }
0xb8: {  	s30 =	sld [smem:$0x0];
	_ =	sdelay $0x2  }
0xb9: {  	s31 =	sshll.u32 s1, $0xD;
	s1 =	sshrl.u32 s1, $0x2  }
0xba: {  	s3 =	sand.u32 $0x4000, s31;
	s1 =	sadd.s32 s1, s30  }
0xbb: {  	s0 =	sor.u32 s3, s0;
	s1 =	sshll.u32 s1, $0x11  }
0xbc: {  	s0 =	sor.u32 s1, s0  }
0xbd: {  	s0 =	sadd.s32 $0x8F2B, s0  }
0xbe: {  	[sflag:s0] =	ssyncadd.remote.s32 $0x1  }
0xbf: {  	_ =	sfence.sel $0xFFFF  }
0xc0: {  	[dreg:$0x0] =	wrdreg $0xFFFFFFFF;
	(pc) =	sbr.abs _section_cstart, $3  }
0xc1: {  	[dreg:$0x1] =	wrdreg $0xFFFFFFFF  }
0xc2: {  	_ =	task.clear_ibuf [dreg:s7], $0x2FFFF;
	_ =	strace $0x9FFFFFFF  }
0xc3: {  	(tm) =	ssettm $0x7FFFFFFF  }
tec
execute0_lowered:
.L_overlay_start_1:
0x0: {  	(tag) =	ssettag $0x1  }
0x1: {  	s5 =	rddreg [dreg:$0x0]  }
0x2: {  	s6 =	rddreg [dreg:$0x1]  }
0x3: {  	s1 =	rddreg [dreg:$0x2]  }
0x4: {  	s0 =	rddreg [dreg:$0x3]  }
0x5: {  	s3 =	srdreg.scid;
	s8 =	stileid.u32  }
0x6: {  	s2 =	simm.s32 $0x0;
	s12 =	simm.s32 $0x1;
	s13 =	simm.s32 $0x0  }
0x7: {  	s3 =	sand.u32 $0x1, s3;
	s4 =	sshll.u32 s8, $0x1;
	[smem:$0x7FF] =	sst s2  }
0x8: {  	p0 =	sne.s32 s8, $0x0;
	s8 =	simm.s32 $0x2;
	s7 =	smul.u32 $0x4E80, s3  }
0x9: {  	s4 =	sor.u32 s3, s4;
	_ =	strace $0x80000047;
	s9 =	ssub.s32 $0x2, s3  }
0xa: {  	s3 =	sadd.s32 $0x1C00, s6;
	s10 =	smul.u32 $0x500, s4;
	s11 =	sshrl.u32 s9, $0x1  }
0xb: {  	s4 =	sadd.s32 $0x1E00, s6;
	s6 =	sadd.s32 s7, s6;
	s31 =	ssub.s32 s9, s11  }
0xc: {  	s9 =	simm.s32 $0x2800;
	s11 =	simm.s32 $0x80;
	s5 =	sadd.s32 s5, s10  }
0xd: {  	s6 =	sadd.s32 $0x6E00, s6;
	s7 =	smax.u32 s31, $0x1;
	s10 =	sshrl.u32 @!p0 s1, $0x3  }
.LBB2_1:
0xe: {  	[tilespmem:s2], [sflag:$0x2] =	stream.linear.gather [hbm4b:s5+s2], $0x2800, $0x38;
	[tilespmem:$0x5740] =	vst v63  }
0xf: {  	_ =	swait.ge [sflag:s8], $0x2800  }
0x10: {  	[sflag:s8] =	ssyncset.done $0x0  }
0x11: {  	[sflag:s8] =	ssyncadd.s32 $0xFFFFD800  }
0x12: {  	[tilespmem:s9], [sflag:$0x2] =	stream.linear.gather [hbm4b:s3+s2], $0x800, $0x38;
	[tilespmem:$0x5740] =	vst v63  }
0x13: {  	_ =	swait.ge [sflag:s8], $0x800  }
0x14: {  	[sflag:s8] =	ssyncset.done $0x0  }
0x15: {  	s14 =	simm.s32 @!p0 $0x1C02;
	[sflag:s8] =	ssyncadd.s32 $0xFFFFF800  }
0x16: {  	[spmem:s10], [sflag:s14] =	dma.local @!p0 [hbm:s4], $0x4E80  }
0x17: {  	s14 =	simm.s32 @!p0 $0x2  }
0x18: {  	_ =	swait.ge @!p0 [sflag:s14], $0x4E80  }
0x19: {  	[sflag:s14] =	ssyncset.done @!p0 $0x0  }
0x1a: {  	[sflag:s14] =	ssyncadd.s32 @!p0 $0xFFFFB180  }
0x1b: {  	s14 =	simm.s32 $0x0;
	[bflag:$0x0] =	sbarrier.arrive $0xFFFF  }
.LBB2_2:
0x1c: {  	p1 =	sne.s32 s14, $0x9E00  }
.Ltmp0:
0x1d: {  	_ = 	snop;
	(pc) =	sbr.rel @p1 .LBB2_2-.Ltmp0, $3  }
0x1e: {  	_ =	sdelay $0x1  }
0x1f: {  	s15 =	sshra.s32 s14, $0x2;
	s14 =	sadd.s32 $0x200, s14  }
0x20: {  	[spmem:s1] =	stream.indirect.scatter.add.f32 [tilespmem:s9], [sflag:$0x1], $0x10, s15, s11, $0xb8;
	[tilespmem:$0x5740] =	vst v63  }
0x21: {  	_ =	swait.ge [sflag:s12], $0x800  }
0x22: {  	s14 =	simm.s32 $0x4F;
	[sflag:s12] =	ssyncset.done $0x0  }
.LBB2_4:
0x23: {  	p1 =	sne.s32 s14, $0x1;
	s14 =	sadd.s32 $0xFFFFFFFF, s14;
	[sflag:s12] =	ssyncadd.s32 $0xFFFFF800  }
.Ltmp1:
0x24: {  	(pc) =	sbr.rel @p1 .LBB2_4-.Ltmp1, $3  }
0x25: {  	_ =	sdelay $0x1  }
0x26: {  	_ =	swait.ge [sflag:s12], $0x800  }
0x27: {  	[sflag:s12] =	ssyncset.done $0x0  }
0x28: {  	[sflag:s12] =	ssyncadd.s32 $0xFFFFF800;
	s13 =	sadd.s32 $0x1, s13  }
0x29: {  	s14 =	simm.s32 @!p0 $0x1C02;
	[bflag:$0x0] =	sbarrier.arrive $0xFFFF;
	p1 =	sne.s32 s13, s7  }
0x2a: {  	[hbm:s6], [sflag:s14] =	dma.local @!p0 [spmem:s10], $0x4E80  }
.Ltmp2:
0x2b: {  	_ = 	snop;
	(pc) =	sbr.rel @p1 .LBB2_1-.Ltmp2, $4  }
0x2c: {  	s14 =	simm.s32 @!p0 $0x2  }
0x2d: {  	_ =	swait.ge @!p0 [sflag:s14], $0x4E80  }
0x2e: {  	[sflag:s14] =	ssyncset.done @!p0 $0x0  }
0x2f: {  	[sflag:s14] =	ssyncadd.s32 @!p0 $0xFFFFB180  }
0x30: {  	_ =	sfence.sel $0x180000  }
0x31: {  	[bflag:$0x0] =	sbarrier.arrive $0xFFFF  }
0x32: {  	_ =	strace $0x90000047  }
0x33: {  	s0 =	sadd.s32 @!p0 $0x100000, s0;
	[bflag:$0x2] =	sbarrier.arrive $0xFFFF  }
0x34: {  	[sflag:s0] =	ssyncadd.tile.s32 @!p0 $0x1;
	_ =	shalt  }
.Lfunc_end2:
_tile_overlayer_lowered:
.L_overlay_start_2:
0x35: {  	(tag) =	ssettag $0x2  }
0x36: {  	s0 =	rddreg [dreg:$0x0];
	s2 =	stileid.u32  }
0x37: {  	s1 =	rddreg [dreg:$0x1];
	p0 =	sne.s32 s2, $0x0  }
0x38: {  	s3 =	rddreg [dreg:$0x2];
	[bflag:$0x3] =	sbarrier.arrive $0xFFFF;
	s2 =	simm.s32 @!p0 $0x1C02  }
0x39: {  	[timem:s3], [sflag:s2] =	dma.local @!p0 [hbm:s0], s1  }
0x3a: {  	s0 =	simm.s32 @!p0 $0x2  }
0x3b: {  	_ =	swait.ge @!p0 [sflag:s0], s1  }
0x3c: {  	s1 =	ssub.s32 @!p0 $0x0, s1;
	[sflag:s0] =	ssyncset.done @!p0 $0x0  }
0x3d: {  	[sflag:s0] =	ssyncadd.s32 @!p0 s1  }
0x3e: {  	[bflag:$0x3] =	sbarrier.arrive $0xFFFF  }
0x3f: {  	_ =	shalt  }

// kernel: kernel.15.cloned.1.call-start
scs
__scs_entry_jumppad:
0x0: {  	(pc) =	sbr.rel $0x88, $3  }
0x1: {  	(tag) =	ssettag $0x0;
	lr =	simm.s32 $0x1  }
0x2: {  	[smem:$0x3F94] =	sst lr;
	_ =	strace $0xD0000000  }
0x3: {  	_ = 	snop  }
0x4: {  	_ = 	snop  }
0x5: {  	_ = 	snop  }
0x6: {  	_ = 	snop  }
0x7: {  	_ = 	snop  }
__scs_overlays_trampoline_lowered:
0x8: {  	[smem:$0x3FA3] =	sst s0  }
0x9: {  	[smem:$0x3FA4] =	sst s1  }
0xa: {  	[smem:$0x3FA5] =	sst s2  }
0xb: {  	[smem:$0x3FA6] =	sst s3  }
0xc: {  	[smem:$0x3FA7] =	sst s4  }
0xd: {  	[smem:$0x3FA8] =	sst s5  }
0xe: {  	[smem:$0x3FA9] =	sst s6  }
0xf: {  	[smem:$0x3FAA] =	sst s7  }
0x10: {  	[smem:$0x3FAB] =	sst s8  }
0x11: {  	[smem:$0x3FAC] =	sst s9;
	s0 =	simm.s32 @!p0 $0x0  }
0x12: {  	s1 =	sld [smem:$0x3F92];
	s0 =	simm.s32 @p0 $0x1  }
0x13: {  	[smem:$0x3FAD] =	sst s0;
	s0 =	simm.s32 @!p1 $0x0  }
0x14: {  	s2 =	sld [smem:$0x3F91];
	s0 =	simm.s32 @p1 $0x1  }
0x15: {  	[smem:$0x3FAE] =	sst s0;
	s0 =	simm.s32 @!p2 $0x0  }
0x16: {  	s3 =	sld [smem:$0x3FDB];
	s0 =	simm.s32 @p2 $0x1  }
0x17: {  	s4 =	simm.s32 $0x1BF5;
	[smem:$0x3FB0] =	sst s0  }
0x18: {  	s0 =	sld [smem:$0x3F93];
	_ =	swait.ge [sflag:s4], $0x0  }
0x19: {  	s7 =	sld [smem:$0x3F94]  }
0x1a: {  	s8 =	sadd.s32 $0xFFFFE003, lr  }
0x1b: {  	s9 =	sadd.s32 $0xFFFFFEF7, lr;
	s5 =	simm.s32 $0xFFFFFFFF;
	p2 =	slt.u32 s8, $0xFFFFF086  }
0x1c: {  	p1 =	slt.u32 s9, $0xF7A;
	s5 =	simm.s32 @!p2 $0x0  }
0x1d: {  	s5 =	simm.s32 @p1 $0x1;
	p0 =	seq.s32 s7, s2  }
0x1e: {  	s7 =	smul.u32 @!p0 $0xF7A, s2;
	p2 =	seq.s32 @!p0 s5, $0x0  }
0x1f: {  	s9 =	smul.u32 $0xF7A, s1;
	s8 =	simm.s32 @!p0 $0x1BF5;
	p2 =	por !p2, p0  }
0x20: {  	[sflag:s8] =	ssyncset.s32 @!p0 $0xFFFFF086;
	s6 =	sadd.s32 @!p0 s3, s7;
	s7 =	simm.s32 @!p0 $0x108  }
0x21: {  	s3 =	sadd.s32 s3, s9;
	s6 =	sadd.s32 @!p0 $0x88, s6;
	s7 =	simm.s32 @p2 $0x1082  }
0x22: {  	[simem:s7], [sflag:s8] =	dma.local @!p0 [hbm:s6], $0xF7A  }
0x23: {  	s9 =	sor.u32 $0xD0000000, s2;
	s6 =	simm.s32 $0x108;
	_ =	swait.ge @!p0 [sflag:s8], $0x0  }
0x24: {  	s3 =	sadd.s32 $0x88, s3;
	s6 =	simm.s32 @!p1 $0x1082;
	[sflag:s4] =	ssyncset.s32 $0xFFFFF086  }
0x25: {  	[simem:s6], [sflag:s4] =	dma.local [hbm:s3], $0xF7A  }
0x26: {  	[smem:$0x3F94] =	sst s1;
	(tag) =	ssettag s2;
	_ =	strace s9  }
0x27: {  	s1 =	sld [smem:$0x3FA4]  }
0x28: {  	s2 =	sld [smem:$0x3FA5]  }
0x29: {  	s4 =	sld [smem:$0x3FA7]  }
0x2a: {  	p0 =	seq.s32 s5, $0x0;
	s5 =	sld [smem:$0x3FA8]  }
0x2b: {  	s6 =	sld [smem:$0x3FA9]  }
0x2c: {  	s7 =	sld [smem:$0x3FAA]  }
0x2d: {  	s3 =	simm.s32 $0x108;
	s8 =	sld [smem:$0x3FAB]  }
0x2e: {  	s3 =	simm.s32 @!p0 $0x1082;
	s9 =	sld [smem:$0x3FAC]  }
0x2f: {  	lr =	sadd.s32 s0, s3;
	s0 =	sld [smem:$0x3FA3]  }
0x30: {  	s3 =	sld [smem:$0x3FA6]  }
0x31: {  	[smem:$0x3FAF] =	sst s10  }
0x32: {  	s10 =	sld [smem:$0x3FAD];
	_ =	sdelay $0x3  }
0x33: {  	p0 =	seq.s32 s10, $0x1;
	s10 =	sld [smem:$0x3FAF];
	_ =	sdelay $0x3  }
0x34: {  	[smem:$0x3FAF] =	sst s10  }
0x35: {  	s10 =	sld [smem:$0x3FAE];
	_ =	sdelay $0x3  }
0x36: {  	p1 =	seq.s32 s10, $0x1;
	s10 =	sld [smem:$0x3FAF];
	_ =	sdelay $0x3  }
0x37: {  	[smem:$0x3FAF] =	sst s10  }
0x38: {  	s10 =	sld [smem:$0x3FB0]  }
0x39: {  	_ = 	snop;
	(pc) =	sbr.ind lr, $3  }
0x3a: {  	_ = 	snop  }
0x3b: {  	_ = 	snop  }
0x3c: {  	p2 =	seq.s32 s10, $0x1;
	s10 =	sld [smem:$0x3FAF]  }
0x3d: {  	_ =	shalt  }
0x3e: {  	_ =	shalt  }
0x3f: {  	_ =	shalt  }
0x40: {  	_ =	shalt  }
0x41: {  	_ =	shalt  }
0x42: {  	_ =	shalt  }
0x43: {  	_ =	shalt  }
0x44: {  	_ =	shalt  }
0x45: {  	_ =	shalt  }
0x46: {  	_ =	shalt  }
0x47: {  	_ =	shalt  }
0x48: {  	_ =	shalt  }
0x49: {  	_ =	shalt  }
0x4a: {  	_ =	shalt  }
0x4b: {  	_ =	shalt  }
0x4c: {  	_ =	shalt  }
0x4d: {  	_ =	shalt  }
0x4e: {  	_ =	shalt  }
0x4f: {  	_ =	shalt  }
0x50: {  	_ =	shalt  }
0x51: {  	_ =	shalt  }
0x52: {  	_ =	shalt  }
0x53: {  	_ =	shalt  }
0x54: {  	_ =	shalt  }
0x55: {  	_ =	shalt  }
0x56: {  	_ =	shalt  }
0x57: {  	_ =	shalt  }
0x58: {  	_ =	shalt  }
0x59: {  	_ =	shalt  }
0x5a: {  	_ =	shalt  }
0x5b: {  	_ =	shalt  }
0x5c: {  	_ =	shalt  }
0x5d: {  	_ =	shalt  }
0x5e: {  	_ =	shalt  }
0x5f: {  	_ =	shalt  }
0x60: {  	_ =	shalt  }
0x61: {  	_ =	shalt  }
0x62: {  	_ =	shalt  }
0x63: {  	_ =	shalt  }
0x64: {  	_ =	shalt  }
0x65: {  	_ =	shalt  }
0x66: {  	_ =	shalt  }
0x67: {  	_ =	shalt  }
0x68: {  	_ =	shalt  }
0x69: {  	_ =	shalt  }
0x6a: {  	_ =	shalt  }
0x6b: {  	_ =	shalt  }
0x6c: {  	_ =	shalt  }
0x6d: {  	_ =	shalt  }
0x6e: {  	_ =	shalt  }
0x6f: {  	_ =	shalt  }
0x70: {  	_ =	shalt  }
0x71: {  	_ =	shalt  }
0x72: {  	_ =	shalt  }
0x73: {  	_ =	shalt  }
0x74: {  	_ =	shalt  }
0x75: {  	_ =	shalt  }
0x76: {  	_ =	shalt  }
0x77: {  	_ =	shalt  }
0x78: {  	_ =	shalt  }
0x79: {  	_ =	shalt  }
0x7a: {  	_ =	shalt  }
0x7b: {  	_ =	shalt  }
0x7c: {  	_ =	shalt  }
0x7d: {  	_ =	shalt  }
0x7e: {  	_ =	shalt  }
0x7f: {  	_ =	shalt  }
0x80: {  	_ =	shalt  }
0x81: {  	_ =	shalt  }
0x82: {  	_ =	shalt  }
0x83: {  	_ =	shalt  }
0x84: {  	_ =	shalt  }
0x85: {  	_ =	shalt  }
0x86: {  	_ =	shalt  }
0x87: {  	_ =	shalt  }
.Lfunc_end0:
.L_simem_size_0:
called_computation.1_lowered:
.L_overlay_start_0:
0x88: {  	s2 =	sld [smem:$0x3FD9]  }
0x89: {  	s3 =	sld [smem:$0x3FFE];
	_ =	sdelay $0x1  }
0x8a: {  	s1 =	srdreg.scid  }
0x8b: {  	s0 =	sand.u32 $0x1, s1  }
0x8c: {  	s17 =	sshll.u32 s0, $0xA;
	s2 =	sadd.s32 s3, s2  }
0x8d: {  	s2 =	sadd.s32 s2, s17  }
0x8e: {  	[smem:$0x3FBB] =	sst s2  }
0x8f: {  	_ = 	snop  }
0x90: {  	s2 =	sld [smem:$0x3FD0];
	(tm) =	ssettm $0x1  }
0x91: {  	s18 =	sld [smem:$0x3FFB];
	_ =	sdelay $0x3  }
0x92: {  	_ =	strace s18  }
0x93: {  	s3 =	sld [smem:$0x3FFC];
	_ =	sdelay $0x3  }
0x94: {  	_ =	strace s3  }
0x95: {  	s3 =	sld [smem:$0x3FFD];
	_ =	sdelay $0x3  }
0x96: {  	_ =	strace s3  }
0x97: {  	_ =	strace $0x8FFFFFFF  }
0x98: {  	s19 =	sld [smem:$0x3FDB];
	_ =	sdelay $0x1  }
0x99: {  	s4 =	simm.s32 $_scs_section_size  }
0x9a: {  	s5 =	simm.s32 $_size__tile_overlayer_lowered;
	s6 =	simm.s32 $_tile_overlayer_lowered  }
0x9b: {  	s22 =	simm.s32 $0x1BFF;
	s21 =	sshll.u32 s6, $0x1;
	s3 =	sadd.s32 s4, s19  }
0x9c: {  	s7 =	simm.s32 $0x0;
	s20 =	sshll.u32 s5, $0x1;
	s5 =	sadd.s32 s21, s3  }
0x9d: {  	[timem:s7], [sflag:s22] =	dma.local [hbm:s5], s20  }
0x9e: {  	_ =	swait.ge [sflag:s22], s20  }
0x9f: {  	s4 =	ssub.s32 $0x0, s20;
	[sflag:s22] =	ssyncset.done $0x0  }
0xa0: {  	[sflag:s22] =	ssyncadd.s32 s4;
	_ =	sdelay $0x1  }
0xa1: {  	s23 =	simm.s32 $0x1B8B  }
0xa2: {  	_ =	swait.ge [sflag:s23], $0x1  }
0xa3: {  	[sflag:s23] =	ssyncset.done $0x0  }
0xa4: {  	s25 =	simm.s32 $0x1B8E;
	s24 =	sld [smem:$0x3FFE];
	[sflag:s23] =	ssyncadd.s32 $0xFFFFFFFF  }
0xa5: {  	s26 =	simm.s32 $execute0_lowered;
	[smem:$0x3FD2] =	sst s25  }
0xa6: {  	s5 =	sshll.u32 s26, $0x1;
	_ =	strace $0x80000049;
	[dreg:$0x1] =	wrdreg $0xFFFFFFFF  }
0xa7: {  	s28 =	simm.s32 $_size_execute0_lowered;
	s3 =	sadd.s32 s3, s5;
	[dreg:$0x0] =	wrdreg $0x0  }
0xa8: {  	s5 =	sshll.u32 s28, $0x1;
	[dreg:$0x2] =	wrdreg s3  }
0xa9: {  	[dreg:$0x3] =	wrdreg s5  }
0xaa: {  	[dreg:$0x4] =	wrdreg $0xC0  }
0xab: {  	_ =	task [dreg:s7], $0x5FFFF  }
0xac: {  	[dreg:$0x1] =	wrdreg $0xFFFFFFFF  }
0xad: {  	[dreg:$0x0] =	wrdreg $0x60  }
0xae: {  	[dreg:$0x2] =	wrdreg s24  }
0xaf: {  	[dreg:$0x3] =	wrdreg s2  }
0xb0: {  	[dreg:$0x4] =	wrdreg $0x90000  }
0xb1: {  	[dreg:$0x5] =	wrdreg $0x9  }
0xb2: {  	_ =	task.clear_ibuf [dreg:s7], $0x6FFFF;
	_ =	strace $0x90000049  }
0xb3: {  	s29 =	simm.s32 $0x9;
	_ =	strace $0x8000004B  }
0xb4: {  	_ =	swait.ge [sflag:s29], $0x1  }
0xb5: {  	[sflag:s29] =	ssyncadd.s32 $0xFFFFFFFF  }
0xb6: {  	_ =	strace $0x9000004B  }
0xb7: {  	_ =	sfence  }
0xb8: {  	s30 =	sld [smem:$0x0];
	_ =	sdelay $0x2  }
0xb9: {  	s31 =	sshll.u32 s1, $0xD;
	s1 =	sshrl.u32 s1, $0x2  }
0xba: {  	s3 =	sand.u32 $0x4000, s31;
	s1 =	sadd.s32 s1, s30  }
0xbb: {  	s0 =	sor.u32 s3, s0;
	s1 =	sshll.u32 s1, $0x11  }
0xbc: {  	s0 =	sor.u32 s1, s0  }
0xbd: {  	s0 =	sadd.s32 $0x8F2B, s0  }
0xbe: {  	[sflag:s0] =	ssyncadd.remote.s32 $0x1  }
0xbf: {  	_ =	sfence.sel $0xFFFF  }
0xc0: {  	[dreg:$0x0] =	wrdreg $0xFFFFFFFF;
	(pc) =	sbr.abs _section_cstart, $3  }
0xc1: {  	[dreg:$0x1] =	wrdreg $0xFFFFFFFF  }
0xc2: {  	_ =	task.clear_ibuf [dreg:s7], $0x2FFFF;
	_ =	strace $0x9FFFFFFF  }
0xc3: {  	(tm) =	ssettm $0x7FFFFFFF  }
tec
execute0_lowered:
.L_overlay_start_1:
0x0: {  	(tag) =	ssettag $0x1  }
0x1: {  	s0 =	rddreg [dreg:$0x0]  }
0x2: {  	s6 =	rddreg [dreg:$0x1];
	s2 =	srdreg.scid  }
0x3: {  	s9 =	stileid.u32;
	s1 =	rddreg [dreg:$0x2];
	s12 =	simm.s32 $0x80  }
0x4: {  	s13 =	simm.s32 $0x5000;
	s14 =	simm.s32 $0x5800;
	s16 =	simm.s32 $0x6000  }
0x5: {  	s18 =	simm.s32 $0x6800;
	s19 =	simm.s32 $0x1;
	s21 =	simm.s32 $0x7000  }
0x6: {  	s23 =	simm.s32 $0x7800;
	s25 =	simm.s32 $0x8000;
	s28 =	simm.s32 $0x8800  }
0x7: {  	s20 =	simm.s32 $0x4F00;
	s22 =	simm.s32 $0x4F80;
	s24 =	simm.s32 $0x0  }
0x8: {  	s3 =	sand.u32 $0x1, s2;
	s4 =	sshll.u32 s9, $0x1;
	s2 =	simm.s32 $0x0  }
0x9: {  	p0 =	sne.s32 s9, $0x0;
	s9 =	simm.s32 $0x3;
	s4 =	sor.u32 s3, s4  }
0xa: {  	[smem:$0x7FF] =	sst s2;
	s5 =	smul.u32 $0x4E80, s3;
	s8 =	ssub.s32 $0x2, s3  }
0xb: {  	s3 =	sadd.s32 $0x6E00, s0;
	s7 =	smul.u32 $0x500, s4;
	s11 =	sshrl.u32 s8, $0x1  }
0xc: {  	_ =	strace $0x8000004A;
	s4 =	sadd.s32 $0x1E00, s0;
	s8 =	ssub.s32 s8, s11  }
0xd: {  	s11 =	sshrl.u32 @!p0 s1, $0x3;
	s10 =	sadd.s32 s7, s0;
	s0 =	sadd.s32 s5, s0  }
0xe: {  	s6 =	sadd.s32 s6, s7;
	s8 =	smax.u32 s8, $0x1;
	s5 =	sadd.s32 $0x10C00, s10  }
0xf: {  	s7 =	sadd.s32 $0x1AC00, s0;
	s10 =	simm.s32 $0x2800;
	s0 =	simm.s32 $0x2  }
.LBB2_1:
0x10: {  	[tilespmem:s2], [sflag:$0x3] =	stream.linear.gather [hbm4b:s5+s2], $0x2800, $0x38;
	[tilespmem:$0xB740] =	vst v63  }
0x11: {  	_ =	swait.ge [sflag:s9], $0x2800  }
0x12: {  	[sflag:s9] =	ssyncset.done $0x0  }
0x13: {  	[sflag:s9] =	ssyncadd.s32 $0xFFFFD800  }
0x14: {  	[tilespmem:s10], [sflag:$0x3] =	stream.linear.gather [hbm4b:s6+s2], $0x2800, $0x38;
	[tilespmem:$0xB740] =	vst v63  }
0x15: {  	_ =	swait.ge [sflag:s9], $0x2800  }
0x16: {  	[sflag:s9] =	ssyncset.done $0x0  }
0x17: {  	s26 =	simm.s32 @!p0 $0x1C03;
	[sflag:s9] =	ssyncadd.s32 $0xFFFFD800  }
0x18: {  	[spmem:s11], [sflag:s26] =	dma.local @!p0 [hbm:s4], $0x4E80  }
0x19: {  	s26 =	simm.s32 @!p0 $0x3  }
0x1a: {  	_ =	swait.ge @!p0 [sflag:s26], $0x4E80  }
0x1b: {  	[sflag:s26] =	ssyncset.done @!p0 $0x0  }
0x1c: {  	[sflag:s26] =	ssyncadd.s32 @!p0 $0xFFFFB180  }
0x1d: {  	[bflag:$0x0] =	sbarrier.arrive $0xFFFF  }
0x1e: {  	[tilespmem:s13], [sflag:$0x1] =	stream.indirect.gather [hbm4b:s3+s12], $0x10, s2, s12, $0xb8;
	[tilespmem:$0xB740] =	vst v63  }
0x1f: {  	_ = 	snop  }
0x20: {  	[tilespmem:s14], [sflag:$0x1] =	stream.indirect.gather [hbm4b:s3+s12], $0x10, s12, s12, $0xb8;
	[tilespmem:$0xB740] =	vst v63  }
0x21: {  	s15 =	simm.s32 $0x100  }
0x22: {  	[tilespmem:s16], [sflag:$0x1] =	stream.indirect.gather [hbm4b:s3+s12], $0x10, s15, s12, $0xb8;
	[tilespmem:$0xB740] =	vst v63  }
0x23: {  	s17 =	simm.s32 $0x180  }
0x24: {  	[tilespmem:s18], [sflag:$0x1] =	stream.indirect.gather [hbm4b:s3+s12], $0x10, s17, s12, $0xb8;
	[tilespmem:$0xB740] =	vst v63  }
0x25: {  	_ =	swait.ge [sflag:s19], $0x800  }
0x26: {  	[sflag:s19] =	ssyncset.done $0x0  }
0x27: {  	[sflag:s19] =	ssyncadd.s32 $0xFFFFF800  }
0x28: {  	_ =	swait.ge [sflag:s19], $0x800  }
0x29: {  	[sflag:s19] =	ssyncset.done $0x0  }
0x2a: {  	[sflag:s19] =	ssyncadd.s32 $0xFFFFF800  }
0x2b: {  	_ =	swait.ge [sflag:s19], $0x800  }
0x2c: {  	[sflag:s19] =	ssyncset.done $0x0  }
0x2d: {  	[sflag:s19] =	ssyncadd.s32 $0xFFFFF800  }
0x2e: {  	_ =	swait.ge [sflag:s19], $0x800  }
0x2f: {  	[sflag:s19] =	ssyncset.done $0x0  }
0x30: {  	s26 =	simm.s32 $0x200;
	[sflag:s19] =	ssyncadd.s32 $0xFFFFF800  }
0x31: {  	[tilespmem:s21], [sflag:$0x1] =	stream.indirect.gather [hbm4b:s3+s12], $0x10, s26, s12, $0xb8;
	[tilespmem:$0xB740] =	vst v63  }
0x32: {  	s17 =	simm.s32 $0x280  }
0x33: {  	[tilespmem:s23], [sflag:$0x1] =	stream.indirect.gather [hbm4b:s3+s12], $0x10, s17, s12, $0xb8;
	[tilespmem:$0xB740] =	vst v63  }
0x34: {  	s26 =	simm.s32 $0x300  }
0x35: {  	[tilespmem:s25], [sflag:$0x1] =	stream.indirect.gather [hbm4b:s3+s12], $0x10, s26, s12, $0xb8;
	[tilespmem:$0xB740] =	vst v63  }
0x36: {  	s17 =	simm.s32 $0x380  }
0x37: {  	[tilespmem:s28], [sflag:$0x1] =	stream.indirect.gather [hbm4b:s3+s12], $0x10, s17, s12, $0xb8;
	[tilespmem:$0xB740] =	vst v63  }
0x38: {  	_ = 	snop  }
0x39: {  	[spmem:s1] =	stream.indirect.scatter.add.f32 [tilespmem:s13], [sflag:$0x2], $0x10, s10, s12, $0xb8;
	[tilespmem:$0xB740] =	vst v63  }
0x3a: {  	s26 =	simm.s32 $0x2880  }
0x3b: {  	[spmem:s1] =	stream.indirect.scatter.add.f32 [tilespmem:s14], [sflag:$0x2], $0x10, s26, s12, $0xb8;
	[tilespmem:$0xB740] =	vst v63  }
0x3c: {  	s17 =	simm.s32 $0x2900  }
0x3d: {  	[spmem:s1] =	stream.indirect.scatter.add.f32 [tilespmem:s16], [sflag:$0x2], $0x10, s17, s12, $0xb8;
	[tilespmem:$0xB740] =	vst v63  }
0x3e: {  	s26 =	simm.s32 $0x2980  }
0x3f: {  	[spmem:s1] =	stream.indirect.scatter.add.f32 [tilespmem:s18], [sflag:$0x2], $0x10, s26, s12, $0xb8;
	[tilespmem:$0xB740] =	vst v63  }
0x40: {  	_ =	swait.ge [sflag:s19], $0x800  }
0x41: {  	[sflag:s19] =	ssyncset.done $0x0  }
0x42: {  	[sflag:s19] =	ssyncadd.s32 $0xFFFFF800  }
0x43: {  	_ =	swait.ge [sflag:s19], $0x800  }
0x44: {  	[sflag:s19] =	ssyncset.done $0x0  }
0x45: {  	[sflag:s19] =	ssyncadd.s32 $0xFFFFF800  }
0x46: {  	_ =	swait.ge [sflag:s19], $0x800  }
0x47: {  	[sflag:s19] =	ssyncset.done $0x0  }
0x48: {  	[sflag:s19] =	ssyncadd.s32 $0xFFFFF800  }
0x49: {  	_ =	swait.ge [sflag:s19], $0x800  }
0x4a: {  	[sflag:s19] =	ssyncset.done $0x0  }
0x4b: {  	[sflag:s19] =	ssyncadd.s32 $0xFFFFF800  }
0x4c: {  	_ =	swait.ge [sflag:s0], $0x800  }
0x4d: {  	[sflag:s0] =	ssyncset.done $0x0  }
0x4e: {  	[sflag:s0] =	ssyncadd.s32 $0xFFFFF800  }
0x4f: {  	_ =	swait.ge [sflag:s0], $0x800  }
0x50: {  	[sflag:s0] =	ssyncset.done $0x0  }
0x51: {  	[sflag:s0] =	ssyncadd.s32 $0xFFFFF800  }
0x52: {  	_ =	swait.ge [sflag:s0], $0x800  }
0x53: {  	[sflag:s0] =	ssyncset.done $0x0  }
0x54: {  	[sflag:s0] =	ssyncadd.s32 $0xFFFFF800  }
0x55: {  	s17 =	simm.s32 $0x2000;
	_ =	swait.ge [sflag:s0], $0x800  }
0x56: {  	s29 =	sand.u32 $0x2000, s17;
	[sflag:s0] =	ssyncset.done $0x0  }
0x57: {  	s30 =	simm.s32 $0x400;
	s26 =	sxor.u32 $0x7000, s29;
	[sflag:s0] =	ssyncadd.s32 $0xFFFFF800  }
0x58: {  	[tilespmem:s26], [sflag:$0x1] =	stream.indirect.gather [hbm4b:s3+s12], $0x10, s30, s12, $0xb8;
	[tilespmem:$0xB740] =	vst v63  }
0x59: {  	s15 =	sxor.u32 $0x7800, s29;
	s30 =	simm.s32 $0x480  }
0x5a: {  	[tilespmem:s15], [sflag:$0x1] =	stream.indirect.gather [hbm4b:s3+s12], $0x10, s30, s12, $0xb8;
	[tilespmem:$0xB740] =	vst v63  }
0x5b: {  	s17 =	ssub.s32 $0x8000, s29;
	s30 =	simm.s32 $0x500  }
0x5c: {  	[tilespmem:s17], [sflag:$0x1] =	stream.indirect.gather [hbm4b:s3+s12], $0x10, s30, s12, $0xb8;
	[tilespmem:$0xB740] =	vst v63  }
0x5d: {  	s15 =	ssub.s32 $0x8800, s29;
	s30 =	simm.s32 $0x580  }
0x5e: {  	[tilespmem:s15], [sflag:$0x1] =	stream.indirect.gather [hbm4b:s3+s12], $0x10, s30, s12, $0xb8;
	[tilespmem:$0xB740] =	vst v63  }
0x5f: {  	s17 =	sor.u32 $0x5000, s29;
	s30 =	simm.s32 $0x2A00  }
0x60: {  	[spmem:s1] =	stream.indirect.scatter.add.f32 [tilespmem:s17], [sflag:$0x2], $0x10, s30, s12, $0xb8;
	[tilespmem:$0xB740] =	vst v63  }
0x61: {  	s15 =	sor.u32 $0x5800, s29;
	s30 =	simm.s32 $0x2A80  }
0x62: {  	[spmem:s1] =	stream.indirect.scatter.add.f32 [tilespmem:s15], [sflag:$0x2], $0x10, s30, s12, $0xb8;
	[tilespmem:$0xB740] =	vst v63  }
0x63: {  	s31 =	simm.s32 $0x2B80;
	s17 =	sadd.s32 $0x6000, s29;
	s30 =	simm.s32 $0x2B00  }
0x64: {  	[spmem:s1] =	stream.indirect.scatter.add.f32 [tilespmem:s17], [sflag:$0x2], $0x10, s30, s12, $0xb8;
	[tilespmem:$0xB740] =	vst v63  }
0x65: {  	s26 =	simm.s32 $0x800;
	s30 =	sadd.s32 $0x6800, s29;
	s29 =	simm.s32 $0x4000  }
.LBB2_2:
0x66: {  	[spmem:s1] =	stream.indirect.scatter.add.f32 [tilespmem:s30], [sflag:$0x2], $0x10, s31, s12, $0xb8;
	[tilespmem:$0xB740] =	vst v63  }
0x67: {  	s30 =	smov.u32 s26  }
0x68: {  	p1 =	sne.s32 s26, $0x8800;
	s26 =	sadd.s32 $0x800, s26;
	_ =	swait.ge [sflag:s19], $0x800  }
0x69: {  	[sflag:s19] =	ssyncset.done $0x0  }
0x6a: {  	[sflag:s19] =	ssyncadd.s32 $0xFFFFF800  }
0x6b: {  	_ =	swait.ge [sflag:s19], $0x800  }
0x6c: {  	[sflag:s19] =	ssyncset.done $0x0  }
0x6d: {  	[sflag:s19] =	ssyncadd.s32 $0xFFFFF800  }
0x6e: {  	_ =	swait.ge [sflag:s19], $0x800  }
0x6f: {  	[sflag:s19] =	ssyncset.done $0x0  }
0x70: {  	[sflag:s19] =	ssyncadd.s32 $0xFFFFF800  }
0x71: {  	_ =	swait.ge [sflag:s19], $0x800  }
0x72: {  	[sflag:s19] =	ssyncset.done $0x0  }
0x73: {  	[sflag:s19] =	ssyncadd.s32 $0xFFFFF800  }
0x74: {  	_ =	swait.ge [sflag:s0], $0x800  }
0x75: {  	[sflag:s0] =	ssyncset.done $0x0  }
0x76: {  	[sflag:s0] =	ssyncadd.s32 $0xFFFFF800  }
0x77: {  	_ =	swait.ge [sflag:s0], $0x800  }
0x78: {  	[sflag:s0] =	ssyncset.done $0x0  }
0x79: {  	[sflag:s0] =	ssyncadd.s32 $0xFFFFF800  }
0x7a: {  	_ =	swait.ge [sflag:s0], $0x800  }
0x7b: {  	[sflag:s0] =	ssyncset.done $0x0  }
0x7c: {  	[sflag:s0] =	ssyncadd.s32 $0xFFFFF800  }
0x7d: {  	_ =	swait.ge [sflag:s0], $0x800  }
0x7e: {  	s31 =	sand.u32 $0x2000, s29;
	s15 =	sshra.s32 s30, $0x2;
	[sflag:s0] =	ssyncset.done $0x0  }
0x7f: {  	s30 =	sxor.u32 $0x7000, s31;
	s17 =	sadd.s32 $0x400, s15;
	[sflag:s0] =	ssyncadd.s32 $0xFFFFF800  }
0x80: {  	[tilespmem:s30], [sflag:$0x1] =	stream.indirect.gather [hbm4b:s3+s12], $0x10, s17, s12, $0xb8;
	[tilespmem:$0xB740] =	vst v63  }
0x81: {  	s17 =	sxor.u32 $0x7800, s31;
	s30 =	sadd.s32 $0x480, s15  }
0x82: {  	[tilespmem:s17], [sflag:$0x1] =	stream.indirect.gather [hbm4b:s3+s12], $0x10, s30, s12, $0xb8;
	[tilespmem:$0xB740] =	vst v63  }
0x83: {  	s17 =	ssub.s32 $0x8000, s31;
	s30 =	sadd.s32 $0x500, s15  }
0x84: {  	[tilespmem:s17], [sflag:$0x1] =	stream.indirect.gather [hbm4b:s3+s12], $0x10, s30, s12, $0xb8;
	[tilespmem:$0xB740] =	vst v63  }
0x85: {  	s17 =	ssub.s32 $0x8800, s31;
	s30 =	sadd.s32 $0x580, s15  }
0x86: {  	[tilespmem:s17], [sflag:$0x1] =	stream.indirect.gather [hbm4b:s3+s12], $0x10, s30, s12, $0xb8;
	[tilespmem:$0xB740] =	vst v63  }
0x87: {  	s17 =	sor.u32 $0x5000, s31;
	s30 =	sadd.s32 $0x2A00, s15  }
0x88: {  	[spmem:s1] =	stream.indirect.scatter.add.f32 [tilespmem:s17], [sflag:$0x2], $0x10, s30, s12, $0xb8;
	[tilespmem:$0xB740] =	vst v63  }
.Ltmp0:
0x89: {  	s17 =	sor.u32 $0x5800, s31;
	s30 =	sadd.s32 $0x2A80, s15;
	(pc) =	sbr.rel @p1 .LBB2_2-.Ltmp0, $4  }
0x8a: {  	[spmem:s1] =	stream.indirect.scatter.add.f32 [tilespmem:s17], [sflag:$0x2], $0x10, s30, s12, $0xb8;
	[tilespmem:$0xB740] =	vst v63  }
0x8b: {  	s17 =	sadd.s32 $0x6000, s31;
	s30 =	sadd.s32 $0x2B00, s15  }
0x8c: {  	[spmem:s1] =	stream.indirect.scatter.add.f32 [tilespmem:s17], [sflag:$0x2], $0x10, s30, s12, $0xb8;
	[tilespmem:$0xB740] =	vst v63  }
0x8d: {  	s29 =	sadd.s32 $0x2000, s29;
	s30 =	sadd.s32 $0x6800, s31;
	s31 =	sadd.s32 $0x2B80, s15  }
0x8e: {  	[spmem:s1] =	stream.indirect.scatter.add.f32 [tilespmem:s30], [sflag:$0x2], $0x10, s31, s12, $0xb8;
	[tilespmem:$0xB740] =	vst v63  }
0x8f: {  	_ =	swait.ge [sflag:s19], $0x800  }
0x90: {  	[sflag:s19] =	ssyncset.done $0x0  }
0x91: {  	[sflag:s19] =	ssyncadd.s32 $0xFFFFF800  }
0x92: {  	_ =	swait.ge [sflag:s19], $0x800  }
0x93: {  	[sflag:s19] =	ssyncset.done $0x0  }
0x94: {  	[sflag:s19] =	ssyncadd.s32 $0xFFFFF800  }
0x95: {  	_ =	swait.ge [sflag:s19], $0x800  }
0x96: {  	[sflag:s19] =	ssyncset.done $0x0  }
0x97: {  	[sflag:s19] =	ssyncadd.s32 $0xFFFFF800  }
0x98: {  	_ =	swait.ge [sflag:s19], $0x800  }
0x99: {  	[sflag:s19] =	ssyncset.done $0x0  }
0x9a: {  	[sflag:s19] =	ssyncadd.s32 $0xFFFFF800  }
0x9b: {  	_ =	swait.ge [sflag:s0], $0x800  }
0x9c: {  	[sflag:s0] =	ssyncset.done $0x0  }
0x9d: {  	[sflag:s0] =	ssyncadd.s32 $0xFFFFF800  }
0x9e: {  	_ =	swait.ge [sflag:s0], $0x800  }
0x9f: {  	[sflag:s0] =	ssyncset.done $0x0  }
0xa0: {  	[sflag:s0] =	ssyncadd.s32 $0xFFFFF800  }
0xa1: {  	_ =	swait.ge [sflag:s0], $0x800  }
0xa2: {  	[sflag:s0] =	ssyncset.done $0x0  }
0xa3: {  	[sflag:s0] =	ssyncadd.s32 $0xFFFFF800  }
0xa4: {  	_ =	swait.ge [sflag:s0], $0x800  }
0xa5: {  	[sflag:s0] =	ssyncset.done $0x0  }
0xa6: {  	s15 =	simm.s32 $0x4E00;
	[sflag:s0] =	ssyncadd.s32 $0xFFFFF800  }
0xa7: {  	[spmem:s1] =	stream.indirect.scatter.add.f32 [tilespmem:s21], [sflag:$0x2], $0x10, s15, s12, $0xb8;
	[tilespmem:$0xB740] =	vst v63  }
0xa8: {  	s31 =	simm.s32 $0x4E80  }
0xa9: {  	[spmem:s1] =	stream.indirect.scatter.add.f32 [tilespmem:s23], [sflag:$0x2], $0x10, s31, s12, $0xb8;
	[tilespmem:$0xB740] =	vst v63  }
0xaa: {  	_ = 	snop  }
0xab: {  	[spmem:s1] =	stream.indirect.scatter.add.f32 [tilespmem:s25], [sflag:$0x2], $0x10, s20, s12, $0xb8;
	[tilespmem:$0xB740] =	vst v63  }
0xac: {  	_ = 	snop  }
0xad: {  	[spmem:s1] =	stream.indirect.scatter.add.f32 [tilespmem:s28], [sflag:$0x2], $0x10, s22, s12, $0xb8;
	[tilespmem:$0xB740] =	vst v63  }
0xae: {  	_ =	swait.ge [sflag:s0], $0x800  }
0xaf: {  	[sflag:s0] =	ssyncset.done $0x0  }
0xb0: {  	[sflag:s0] =	ssyncadd.s32 $0xFFFFF800  }
0xb1: {  	_ =	swait.ge [sflag:s0], $0x800  }
0xb2: {  	[sflag:s0] =	ssyncset.done $0x0  }
0xb3: {  	[sflag:s0] =	ssyncadd.s32 $0xFFFFF800  }
0xb4: {  	_ =	swait.ge [sflag:s0], $0x800  }
0xb5: {  	[sflag:s0] =	ssyncset.done $0x0  }
0xb6: {  	[sflag:s0] =	ssyncadd.s32 $0xFFFFF800  }
0xb7: {  	_ =	swait.ge [sflag:s0], $0x800  }
0xb8: {  	[sflag:s0] =	ssyncset.done $0x0  }
0xb9: {  	s24 =	sadd.s32 $0x1, s24;
	[sflag:s0] =	ssyncadd.s32 $0xFFFFF800  }
0xba: {  	p1 =	sne.s32 s24, s8;
	s15 =	simm.s32 @!p0 $0x1C03;
	[bflag:$0x0] =	sbarrier.arrive $0xFFFF  }
0xbb: {  	[hbm:s7], [sflag:s15] =	dma.local @!p0 [spmem:s11], $0x4E80  }
.Ltmp1:
0xbc: {  	_ = 	snop;
	(pc) =	sbr.rel @p1 .LBB2_1-.Ltmp1, $4  }
0xbd: {  	s15 =	simm.s32 @!p0 $0x3  }
0xbe: {  	_ =	swait.ge @!p0 [sflag:s15], $0x4E80  }
0xbf: {  	[sflag:s15] =	ssyncset.done @!p0 $0x0  }
0xc0: {  	[sflag:s15] =	ssyncadd.s32 @!p0 $0xFFFFB180  }
0xc1: {  	_ =	sfence.sel $0x180000  }
0xc2: {  	[bflag:$0x0] =	sbarrier.arrive $0xFFFF  }
0xc3: {  	_ =	strace $0x9000004A  }
0xc4: {  	[bflag:$0x2] =	sbarrier.arrive $0xFFFF  }
0xc5: {  	s0 =	rddreg [dreg:$0x3]  }
0xc6: {  	s0 =	sadd.s32 @!p0 $0x100000, s0  }
0xc7: {  	[sflag:s0] =	ssyncadd.tile.s32 @!p0 $0x1;
	_ =	shalt  }
.Lfunc_end2:
_tile_overlayer_lowered:
.L_overlay_start_2:
0xc8: {  	(tag) =	ssettag $0x2  }
0xc9: {  	s0 =	rddreg [dreg:$0x0];
	s2 =	stileid.u32  }
0xca: {  	s1 =	rddreg [dreg:$0x1];
	p0 =	sne.s32 s2, $0x0  }
0xcb: {  	s3 =	rddreg [dreg:$0x2];
	[bflag:$0x3] =	sbarrier.arrive $0xFFFF;
	s2 =	simm.s32 @!p0 $0x1C03  }
0xcc: {  	[timem:s3], [sflag:s2] =	dma.local @!p0 [hbm:s0], s1  }
0xcd: {  	s0 =	simm.s32 @!p0 $0x3  }
0xce: {  	_ =	swait.ge @!p0 [sflag:s0], s1  }
0xcf: {  	s1 =	ssub.s32 @!p0 $0x0, s1;
	[sflag:s0] =	ssyncset.done @!p0 $0x0  }
0xd0: {  	[sflag:s0] =	ssyncadd.s32 @!p0 s1  }
0xd1: {  	[bflag:$0x3] =	sbarrier.arrive $0xFFFF  }
0xd2: {  	_ =	shalt  }

// kernel: kernel.18.cloned.1.call-start
scs
__scs_entry_jumppad:
0x0: {  	(pc) =	sbr.rel $0x88, $3  }
0x1: {  	(tag) =	ssettag $0x0;
	lr =	simm.s32 $0x1  }
0x2: {  	[smem:$0x3F94] =	sst lr;
	_ =	strace $0xD0000000  }
0x3: {  	_ = 	snop  }
0x4: {  	_ = 	snop  }
0x5: {  	_ = 	snop  }
0x6: {  	_ = 	snop  }
0x7: {  	_ = 	snop  }
__scs_overlays_trampoline_lowered:
0x8: {  	[smem:$0x3FA3] =	sst s0  }
0x9: {  	[smem:$0x3FA4] =	sst s1  }
0xa: {  	[smem:$0x3FA5] =	sst s2  }
0xb: {  	[smem:$0x3FA6] =	sst s3  }
0xc: {  	[smem:$0x3FA7] =	sst s4  }
0xd: {  	[smem:$0x3FA8] =	sst s5  }
0xe: {  	[smem:$0x3FA9] =	sst s6  }
0xf: {  	[smem:$0x3FAA] =	sst s7  }
0x10: {  	[smem:$0x3FAB] =	sst s8  }
0x11: {  	[smem:$0x3FAC] =	sst s9;
	s0 =	simm.s32 @!p0 $0x0  }
0x12: {  	s1 =	sld [smem:$0x3F92];
	s0 =	simm.s32 @p0 $0x1  }
0x13: {  	[smem:$0x3FAD] =	sst s0;
	s0 =	simm.s32 @!p1 $0x0  }
0x14: {  	s2 =	sld [smem:$0x3F91];
	s0 =	simm.s32 @p1 $0x1  }
0x15: {  	[smem:$0x3FAE] =	sst s0;
	s0 =	simm.s32 @!p2 $0x0  }
0x16: {  	s3 =	sld [smem:$0x3FDB];
	s0 =	simm.s32 @p2 $0x1  }
0x17: {  	s4 =	simm.s32 $0x1BF5;
	[smem:$0x3FB0] =	sst s0  }
0x18: {  	s0 =	sld [smem:$0x3F93];
	_ =	swait.ge [sflag:s4], $0x0  }
0x19: {  	s7 =	sld [smem:$0x3F94]  }
0x1a: {  	s8 =	sadd.s32 $0xFFFFE003, lr  }
0x1b: {  	s9 =	sadd.s32 $0xFFFFFEF7, lr;
	s5 =	simm.s32 $0xFFFFFFFF;
	p2 =	slt.u32 s8, $0xFFFFF086  }
0x1c: {  	p1 =	slt.u32 s9, $0xF7A;
	s5 =	simm.s32 @!p2 $0x0  }
0x1d: {  	s5 =	simm.s32 @p1 $0x1;
	p0 =	seq.s32 s7, s2  }
0x1e: {  	s7 =	smul.u32 @!p0 $0xF7A, s2;
	p2 =	seq.s32 @!p0 s5, $0x0  }
0x1f: {  	s9 =	smul.u32 $0xF7A, s1;
	s8 =	simm.s32 @!p0 $0x1BF5;
	p2 =	por !p2, p0  }
0x20: {  	[sflag:s8] =	ssyncset.s32 @!p0 $0xFFFFF086;
	s6 =	sadd.s32 @!p0 s3, s7;
	s7 =	simm.s32 @!p0 $0x108  }
0x21: {  	s3 =	sadd.s32 s3, s9;
	s6 =	sadd.s32 @!p0 $0x88, s6;
	s7 =	simm.s32 @p2 $0x1082  }
0x22: {  	[simem:s7], [sflag:s8] =	dma.local @!p0 [hbm:s6], $0xF7A  }
0x23: {  	s9 =	sor.u32 $0xD0000000, s2;
	s6 =	simm.s32 $0x108;
	_ =	swait.ge @!p0 [sflag:s8], $0x0  }
0x24: {  	s3 =	sadd.s32 $0x88, s3;
	s6 =	simm.s32 @!p1 $0x1082;
	[sflag:s4] =	ssyncset.s32 $0xFFFFF086  }
0x25: {  	[simem:s6], [sflag:s4] =	dma.local [hbm:s3], $0xF7A  }
0x26: {  	[smem:$0x3F94] =	sst s1;
	(tag) =	ssettag s2;
	_ =	strace s9  }
0x27: {  	s1 =	sld [smem:$0x3FA4]  }
0x28: {  	s2 =	sld [smem:$0x3FA5]  }
0x29: {  	s4 =	sld [smem:$0x3FA7]  }
0x2a: {  	p0 =	seq.s32 s5, $0x0;
	s5 =	sld [smem:$0x3FA8]  }
0x2b: {  	s6 =	sld [smem:$0x3FA9]  }
0x2c: {  	s7 =	sld [smem:$0x3FAA]  }
0x2d: {  	s3 =	simm.s32 $0x108;
	s8 =	sld [smem:$0x3FAB]  }
0x2e: {  	s3 =	simm.s32 @!p0 $0x1082;
	s9 =	sld [smem:$0x3FAC]  }
0x2f: {  	lr =	sadd.s32 s0, s3;
	s0 =	sld [smem:$0x3FA3]  }
0x30: {  	s3 =	sld [smem:$0x3FA6]  }
0x31: {  	[smem:$0x3FAF] =	sst s10  }
0x32: {  	s10 =	sld [smem:$0x3FAD];
	_ =	sdelay $0x3  }
0x33: {  	p0 =	seq.s32 s10, $0x1;
	s10 =	sld [smem:$0x3FAF];
	_ =	sdelay $0x3  }
0x34: {  	[smem:$0x3FAF] =	sst s10  }
0x35: {  	s10 =	sld [smem:$0x3FAE];
	_ =	sdelay $0x3  }
0x36: {  	p1 =	seq.s32 s10, $0x1;
	s10 =	sld [smem:$0x3FAF];
	_ =	sdelay $0x3  }
0x37: {  	[smem:$0x3FAF] =	sst s10  }
0x38: {  	s10 =	sld [smem:$0x3FB0]  }
0x39: {  	_ = 	snop;
	(pc) =	sbr.ind lr, $3  }
0x3a: {  	_ = 	snop  }
0x3b: {  	_ = 	snop  }
0x3c: {  	p2 =	seq.s32 s10, $0x1;
	s10 =	sld [smem:$0x3FAF]  }
0x3d: {  	_ =	shalt  }
0x3e: {  	_ =	shalt  }
0x3f: {  	_ =	shalt  }
0x40: {  	_ =	shalt  }
0x41: {  	_ =	shalt  }
0x42: {  	_ =	shalt  }
0x43: {  	_ =	shalt  }
0x44: {  	_ =	shalt  }
0x45: {  	_ =	shalt  }
0x46: {  	_ =	shalt  }
0x47: {  	_ =	shalt  }
0x48: {  	_ =	shalt  }
0x49: {  	_ =	shalt  }
0x4a: {  	_ =	shalt  }
0x4b: {  	_ =	shalt  }
0x4c: {  	_ =	shalt  }
0x4d: {  	_ =	shalt  }
0x4e: {  	_ =	shalt  }
0x4f: {  	_ =	shalt  }
0x50: {  	_ =	shalt  }
0x51: {  	_ =	shalt  }
0x52: {  	_ =	shalt  }
0x53: {  	_ =	shalt  }
0x54: {  	_ =	shalt  }
0x55: {  	_ =	shalt  }
0x56: {  	_ =	shalt  }
0x57: {  	_ =	shalt  }
0x58: {  	_ =	shalt  }
0x59: {  	_ =	shalt  }
0x5a: {  	_ =	shalt  }
0x5b: {  	_ =	shalt  }
0x5c: {  	_ =	shalt  }
0x5d: {  	_ =	shalt  }
0x5e: {  	_ =	shalt  }
0x5f: {  	_ =	shalt  }
0x60: {  	_ =	shalt  }
0x61: {  	_ =	shalt  }
0x62: {  	_ =	shalt  }
0x63: {  	_ =	shalt  }
0x64: {  	_ =	shalt  }
0x65: {  	_ =	shalt  }
0x66: {  	_ =	shalt  }
0x67: {  	_ =	shalt  }
0x68: {  	_ =	shalt  }
0x69: {  	_ =	shalt  }
0x6a: {  	_ =	shalt  }
0x6b: {  	_ =	shalt  }
0x6c: {  	_ =	shalt  }
0x6d: {  	_ =	shalt  }
0x6e: {  	_ =	shalt  }
0x6f: {  	_ =	shalt  }
0x70: {  	_ =	shalt  }
0x71: {  	_ =	shalt  }
0x72: {  	_ =	shalt  }
0x73: {  	_ =	shalt  }
0x74: {  	_ =	shalt  }
0x75: {  	_ =	shalt  }
0x76: {  	_ =	shalt  }
0x77: {  	_ =	shalt  }
0x78: {  	_ =	shalt  }
0x79: {  	_ =	shalt  }
0x7a: {  	_ =	shalt  }
0x7b: {  	_ =	shalt  }
0x7c: {  	_ =	shalt  }
0x7d: {  	_ =	shalt  }
0x7e: {  	_ =	shalt  }
0x7f: {  	_ =	shalt  }
0x80: {  	_ =	shalt  }
0x81: {  	_ =	shalt  }
0x82: {  	_ =	shalt  }
0x83: {  	_ =	shalt  }
0x84: {  	_ =	shalt  }
0x85: {  	_ =	shalt  }
0x86: {  	_ =	shalt  }
0x87: {  	_ =	shalt  }
.Lfunc_end0:
.L_simem_size_0:
called_computation.2_lowered:
.L_overlay_start_0:
0x88: {  	s2 =	sld [smem:$0x3FD9]  }
0x89: {  	s3 =	sld [smem:$0x3FFE];
	_ =	sdelay $0x1  }
0x8a: {  	s1 =	srdreg.scid  }
0x8b: {  	s0 =	sand.u32 $0x1, s1  }
0x8c: {  	s17 =	sshll.u32 s0, $0xA;
	s2 =	sadd.s32 s3, s2  }
0x8d: {  	s2 =	sadd.s32 s2, s17  }
0x8e: {  	[smem:$0x3FBB] =	sst s2  }
0x8f: {  	_ = 	snop  }
0x90: {  	s2 =	sld [smem:$0x3FD0];
	(tm) =	ssettm $0x1  }
0x91: {  	s18 =	sld [smem:$0x3FFB];
	_ =	sdelay $0x3  }
0x92: {  	_ =	strace s18  }
0x93: {  	s3 =	sld [smem:$0x3FFC];
	_ =	sdelay $0x3  }
0x94: {  	_ =	strace s3  }
0x95: {  	s3 =	sld [smem:$0x3FFD];
	_ =	sdelay $0x3  }
0x96: {  	_ =	strace s3  }
0x97: {  	_ =	strace $0x8FFFFFFF  }
0x98: {  	s19 =	sld [smem:$0x3FDB];
	_ =	sdelay $0x1  }
0x99: {  	s4 =	simm.s32 $_scs_section_size  }
0x9a: {  	s5 =	simm.s32 $_size__tile_overlayer_lowered;
	s6 =	simm.s32 $_tile_overlayer_lowered  }
0x9b: {  	s22 =	simm.s32 $0x1BFF;
	s21 =	sshll.u32 s6, $0x1;
	s3 =	sadd.s32 s4, s19  }
0x9c: {  	s7 =	simm.s32 $0x0;
	s20 =	sshll.u32 s5, $0x1;
	s5 =	sadd.s32 s21, s3  }
0x9d: {  	[timem:s7], [sflag:s22] =	dma.local [hbm:s5], s20  }
0x9e: {  	_ =	swait.ge [sflag:s22], s20  }
0x9f: {  	s4 =	ssub.s32 $0x0, s20;
	[sflag:s22] =	ssyncset.done $0x0  }
0xa0: {  	[sflag:s22] =	ssyncadd.s32 s4;
	_ =	sdelay $0x1  }
0xa1: {  	s23 =	simm.s32 $0x1B8B  }
0xa2: {  	_ =	swait.ge [sflag:s23], $0x1  }
0xa3: {  	[sflag:s23] =	ssyncset.done $0x0  }
0xa4: {  	s25 =	simm.s32 $0x1B8E;
	s24 =	sld [smem:$0x3FFE];
	[sflag:s23] =	ssyncadd.s32 $0xFFFFFFFF  }
0xa5: {  	s26 =	simm.s32 $execute0_lowered;
	[smem:$0x3FD2] =	sst s25  }
0xa6: {  	s5 =	sshll.u32 s26, $0x1;
	_ =	strace $0x8000004C;
	[dreg:$0x1] =	wrdreg $0xFFFFFFFF  }
0xa7: {  	s28 =	simm.s32 $_size_execute0_lowered;
	s3 =	sadd.s32 s3, s5;
	[dreg:$0x0] =	wrdreg $0x0  }
0xa8: {  	s5 =	sshll.u32 s28, $0x1;
	[dreg:$0x2] =	wrdreg s3  }
0xa9: {  	[dreg:$0x3] =	wrdreg s5  }
0xaa: {  	[dreg:$0x4] =	wrdreg $0xC0  }
0xab: {  	_ =	task [dreg:s7], $0x5FFFF  }
0xac: {  	[dreg:$0x1] =	wrdreg $0xFFFFFFFF  }
0xad: {  	[dreg:$0x0] =	wrdreg $0x60  }
0xae: {  	[dreg:$0x2] =	wrdreg s24  }
0xaf: {  	[dreg:$0x3] =	wrdreg s2  }
0xb0: {  	[dreg:$0x4] =	wrdreg $0x90000  }
0xb1: {  	[dreg:$0x5] =	wrdreg $0x9  }
0xb2: {  	_ =	task.clear_ibuf [dreg:s7], $0x6FFFF;
	_ =	strace $0x9000004C  }
0xb3: {  	s29 =	simm.s32 $0x9;
	_ =	strace $0x8000004E  }
0xb4: {  	_ =	swait.ge [sflag:s29], $0x1  }
0xb5: {  	[sflag:s29] =	ssyncadd.s32 $0xFFFFFFFF  }
0xb6: {  	_ =	strace $0x9000004E  }
0xb7: {  	_ =	sfence  }
0xb8: {  	s30 =	sld [smem:$0x0];
	_ =	sdelay $0x2  }
0xb9: {  	s31 =	sshll.u32 s1, $0xD;
	s1 =	sshrl.u32 s1, $0x2  }
0xba: {  	s3 =	sand.u32 $0x4000, s31;
	s1 =	sadd.s32 s1, s30  }
0xbb: {  	s0 =	sor.u32 s3, s0;
	s1 =	sshll.u32 s1, $0x11  }
0xbc: {  	s0 =	sor.u32 s1, s0  }
0xbd: {  	s0 =	sadd.s32 $0x8F2B, s0  }
0xbe: {  	[sflag:s0] =	ssyncadd.remote.s32 $0x1  }
0xbf: {  	_ =	sfence.sel $0xFFFF  }
0xc0: {  	[dreg:$0x0] =	wrdreg $0xFFFFFFFF;
	(pc) =	sbr.abs _section_cstart, $3  }
0xc1: {  	[dreg:$0x1] =	wrdreg $0xFFFFFFFF  }
0xc2: {  	_ =	task.clear_ibuf [dreg:s7], $0x2FFFF;
	_ =	strace $0x9FFFFFFF  }
0xc3: {  	(tm) =	ssettm $0x7FFFFFFF  }
tec
execute0_lowered:
.L_overlay_start_1:
0x0: {  	(tag) =	ssettag $0x1  }
0x1: {  	s0 =	rddreg [dreg:$0x0]  }
0x2: {  	s6 =	rddreg [dreg:$0x1];
	s2 =	srdreg.scid  }
0x3: {  	s9 =	stileid.u32;
	s1 =	rddreg [dreg:$0x2];
	s12 =	simm.s32 $0x80  }
0x4: {  	s13 =	simm.s32 $0x5000;
	s14 =	simm.s32 $0x5800;
	s16 =	simm.s32 $0x6000  }
0x5: {  	s18 =	simm.s32 $0x6800;
	s19 =	simm.s32 $0x1;
	s21 =	simm.s32 $0x7000  }
0x6: {  	s23 =	simm.s32 $0x7800;
	s25 =	simm.s32 $0x8000;
	s28 =	simm.s32 $0x8800  }
0x7: {  	s20 =	simm.s32 $0x4F00;
	s22 =	simm.s32 $0x4F80;
	s24 =	simm.s32 $0x0  }
0x8: {  	s3 =	sand.u32 $0x1, s2;
	s4 =	sshll.u32 s9, $0x1;
	s2 =	simm.s32 $0x0  }
0x9: {  	p0 =	sne.s32 s9, $0x0;
	s9 =	simm.s32 $0x3;
	s4 =	sor.u32 s3, s4  }
0xa: {  	[smem:$0x7FF] =	sst s2;
	s5 =	smul.u32 $0x4E80, s3;
	s8 =	ssub.s32 $0x2, s3  }
0xb: {  	s3 =	sadd.s32 $0x6E00, s0;
	s7 =	smul.u32 $0x500, s4;
	s11 =	sshrl.u32 s8, $0x1  }
0xc: {  	_ =	strace $0x8000004D;
	s4 =	sadd.s32 $0x1E00, s0;
	s8 =	ssub.s32 s8, s11  }
0xd: {  	s11 =	sshrl.u32 @!p0 s1, $0x3;
	s10 =	sadd.s32 s7, s0;
	s0 =	sadd.s32 s5, s0  }
0xe: {  	s6 =	sadd.s32 s6, s7;
	s8 =	smax.u32 s8, $0x1;
	s5 =	sadd.s32 $0x10C00, s10  }
0xf: {  	s7 =	sadd.s32 $0x1AC00, s0;
	s10 =	simm.s32 $0x2800;
	s0 =	simm.s32 $0x2  }
.LBB2_1:
0x10: {  	[tilespmem:s2], [sflag:$0x3] =	stream.linear.gather [hbm4b:s5+s2], $0x2800, $0x38;
	[tilespmem:$0xB740] =	vst v63  }
0x11: {  	_ =	swait.ge [sflag:s9], $0x2800  }
0x12: {  	[sflag:s9] =	ssyncset.done $0x0  }
0x13: {  	[sflag:s9] =	ssyncadd.s32 $0xFFFFD800  }
0x14: {  	[tilespmem:s10], [sflag:$0x3] =	stream.linear.gather [hbm4b:s6+s2], $0x2800, $0x38;
	[tilespmem:$0xB740] =	vst v63  }
0x15: {  	_ =	swait.ge [sflag:s9], $0x2800  }
0x16: {  	[sflag:s9] =	ssyncset.done $0x0  }
0x17: {  	s26 =	simm.s32 @!p0 $0x1C03;
	[sflag:s9] =	ssyncadd.s32 $0xFFFFD800  }
0x18: {  	[spmem:s11], [sflag:s26] =	dma.local @!p0 [hbm:s4], $0x4E80  }
0x19: {  	s26 =	simm.s32 @!p0 $0x3  }
0x1a: {  	_ =	swait.ge @!p0 [sflag:s26], $0x4E80  }
0x1b: {  	[sflag:s26] =	ssyncset.done @!p0 $0x0  }
0x1c: {  	[sflag:s26] =	ssyncadd.s32 @!p0 $0xFFFFB180  }
0x1d: {  	[bflag:$0x0] =	sbarrier.arrive $0xFFFF  }
0x1e: {  	[tilespmem:s13], [sflag:$0x1] =	stream.indirect.gather [hbm4b:s3+s12], $0x10, s2, s12, $0xb8;
	[tilespmem:$0xB740] =	vst v63  }
0x1f: {  	_ = 	snop  }
0x20: {  	[tilespmem:s14], [sflag:$0x1] =	stream.indirect.gather [hbm4b:s3+s12], $0x10, s12, s12, $0xb8;
	[tilespmem:$0xB740] =	vst v63  }
0x21: {  	s15 =	simm.s32 $0x100  }
0x22: {  	[tilespmem:s16], [sflag:$0x1] =	stream.indirect.gather [hbm4b:s3+s12], $0x10, s15, s12, $0xb8;
	[tilespmem:$0xB740] =	vst v63  }
0x23: {  	s17 =	simm.s32 $0x180  }
0x24: {  	[tilespmem:s18], [sflag:$0x1] =	stream.indirect.gather [hbm4b:s3+s12], $0x10, s17, s12, $0xb8;
	[tilespmem:$0xB740] =	vst v63  }
0x25: {  	_ =	swait.ge [sflag:s19], $0x800  }
0x26: {  	[sflag:s19] =	ssyncset.done $0x0  }
0x27: {  	[sflag:s19] =	ssyncadd.s32 $0xFFFFF800  }
0x28: {  	_ =	swait.ge [sflag:s19], $0x800  }
0x29: {  	[sflag:s19] =	ssyncset.done $0x0  }
0x2a: {  	[sflag:s19] =	ssyncadd.s32 $0xFFFFF800  }
0x2b: {  	_ =	swait.ge [sflag:s19], $0x800  }
0x2c: {  	[sflag:s19] =	ssyncset.done $0x0  }
0x2d: {  	[sflag:s19] =	ssyncadd.s32 $0xFFFFF800  }
0x2e: {  	_ =	swait.ge [sflag:s19], $0x800  }
0x2f: {  	[sflag:s19] =	ssyncset.done $0x0  }
0x30: {  	s26 =	simm.s32 $0x200;
	[sflag:s19] =	ssyncadd.s32 $0xFFFFF800  }
0x31: {  	[tilespmem:s21], [sflag:$0x1] =	stream.indirect.gather [hbm4b:s3+s12], $0x10, s26, s12, $0xb8;
	[tilespmem:$0xB740] =	vst v63  }
0x32: {  	s17 =	simm.s32 $0x280  }
0x33: {  	[tilespmem:s23], [sflag:$0x1] =	stream.indirect.gather [hbm4b:s3+s12], $0x10, s17, s12, $0xb8;
	[tilespmem:$0xB740] =	vst v63  }
0x34: {  	s26 =	simm.s32 $0x300  }
0x35: {  	[tilespmem:s25], [sflag:$0x1] =	stream.indirect.gather [hbm4b:s3+s12], $0x10, s26, s12, $0xb8;
	[tilespmem:$0xB740] =	vst v63  }
0x36: {  	s17 =	simm.s32 $0x380  }
0x37: {  	[tilespmem:s28], [sflag:$0x1] =	stream.indirect.gather [hbm4b:s3+s12], $0x10, s17, s12, $0xb8;
	[tilespmem:$0xB740] =	vst v63  }
0x38: {  	_ = 	snop  }
0x39: {  	[spmem:s1] =	stream.indirect.scatter.add.f32 [tilespmem:s13], [sflag:$0x2], $0x10, s10, s12, $0xb8;
	[tilespmem:$0xB740] =	vst v63  }
0x3a: {  	s26 =	simm.s32 $0x2880  }
0x3b: {  	[spmem:s1] =	stream.indirect.scatter.add.f32 [tilespmem:s14], [sflag:$0x2], $0x10, s26, s12, $0xb8;
	[tilespmem:$0xB740] =	vst v63  }
0x3c: {  	s17 =	simm.s32 $0x2900  }
0x3d: {  	[spmem:s1] =	stream.indirect.scatter.add.f32 [tilespmem:s16], [sflag:$0x2], $0x10, s17, s12, $0xb8;
	[tilespmem:$0xB740] =	vst v63  }
0x3e: {  	s26 =	simm.s32 $0x2980  }
0x3f: {  	[spmem:s1] =	stream.indirect.scatter.add.f32 [tilespmem:s18], [sflag:$0x2], $0x10, s26, s12, $0xb8;
	[tilespmem:$0xB740] =	vst v63  }
0x40: {  	_ =	swait.ge [sflag:s19], $0x800  }
0x41: {  	[sflag:s19] =	ssyncset.done $0x0  }
0x42: {  	[sflag:s19] =	ssyncadd.s32 $0xFFFFF800  }
0x43: {  	_ =	swait.ge [sflag:s19], $0x800  }
0x44: {  	[sflag:s19] =	ssyncset.done $0x0  }
0x45: {  	[sflag:s19] =	ssyncadd.s32 $0xFFFFF800  }
0x46: {  	_ =	swait.ge [sflag:s19], $0x800  }
0x47: {  	[sflag:s19] =	ssyncset.done $0x0  }
0x48: {  	[sflag:s19] =	ssyncadd.s32 $0xFFFFF800  }
0x49: {  	_ =	swait.ge [sflag:s19], $0x800  }
0x4a: {  	[sflag:s19] =	ssyncset.done $0x0  }
0x4b: {  	[sflag:s19] =	ssyncadd.s32 $0xFFFFF800  }
0x4c: {  	_ =	swait.ge [sflag:s0], $0x800  }
0x4d: {  	[sflag:s0] =	ssyncset.done $0x0  }
0x4e: {  	[sflag:s0] =	ssyncadd.s32 $0xFFFFF800  }
0x4f: {  	_ =	swait.ge [sflag:s0], $0x800  }
0x50: {  	[sflag:s0] =	ssyncset.done $0x0  }
0x51: {  	[sflag:s0] =	ssyncadd.s32 $0xFFFFF800  }
0x52: {  	_ =	swait.ge [sflag:s0], $0x800  }
0x53: {  	[sflag:s0] =	ssyncset.done $0x0  }
0x54: {  	[sflag:s0] =	ssyncadd.s32 $0xFFFFF800  }
0x55: {  	s17 =	simm.s32 $0x2000;
	_ =	swait.ge [sflag:s0], $0x800  }
0x56: {  	s29 =	sand.u32 $0x2000, s17;
	[sflag:s0] =	ssyncset.done $0x0  }
0x57: {  	s30 =	simm.s32 $0x400;
	s26 =	sxor.u32 $0x7000, s29;
	[sflag:s0] =	ssyncadd.s32 $0xFFFFF800  }
0x58: {  	[tilespmem:s26], [sflag:$0x1] =	stream.indirect.gather [hbm4b:s3+s12], $0x10, s30, s12, $0xb8;
	[tilespmem:$0xB740] =	vst v63  }
0x59: {  	s15 =	sxor.u32 $0x7800, s29;
	s30 =	simm.s32 $0x480  }
0x5a: {  	[tilespmem:s15], [sflag:$0x1] =	stream.indirect.gather [hbm4b:s3+s12], $0x10, s30, s12, $0xb8;
	[tilespmem:$0xB740] =	vst v63  }
0x5b: {  	s17 =	ssub.s32 $0x8000, s29;
	s30 =	simm.s32 $0x500  }
0x5c: {  	[tilespmem:s17], [sflag:$0x1] =	stream.indirect.gather [hbm4b:s3+s12], $0x10, s30, s12, $0xb8;
	[tilespmem:$0xB740] =	vst v63  }
0x5d: {  	s15 =	ssub.s32 $0x8800, s29;
	s30 =	simm.s32 $0x580  }
0x5e: {  	[tilespmem:s15], [sflag:$0x1] =	stream.indirect.gather [hbm4b:s3+s12], $0x10, s30, s12, $0xb8;
	[tilespmem:$0xB740] =	vst v63  }
0x5f: {  	s17 =	sor.u32 $0x5000, s29;
	s30 =	simm.s32 $0x2A00  }
0x60: {  	[spmem:s1] =	stream.indirect.scatter.add.f32 [tilespmem:s17], [sflag:$0x2], $0x10, s30, s12, $0xb8;
	[tilespmem:$0xB740] =	vst v63  }
0x61: {  	s15 =	sor.u32 $0x5800, s29;
	s30 =	simm.s32 $0x2A80  }
0x62: {  	[spmem:s1] =	stream.indirect.scatter.add.f32 [tilespmem:s15], [sflag:$0x2], $0x10, s30, s12, $0xb8;
	[tilespmem:$0xB740] =	vst v63  }
0x63: {  	s31 =	simm.s32 $0x2B80;
	s17 =	sadd.s32 $0x6000, s29;
	s30 =	simm.s32 $0x2B00  }
0x64: {  	[spmem:s1] =	stream.indirect.scatter.add.f32 [tilespmem:s17], [sflag:$0x2], $0x10, s30, s12, $0xb8;
	[tilespmem:$0xB740] =	vst v63  }
0x65: {  	s26 =	simm.s32 $0x800;
	s30 =	sadd.s32 $0x6800, s29;
	s29 =	simm.s32 $0x4000  }
.LBB2_2:
0x66: {  	[spmem:s1] =	stream.indirect.scatter.add.f32 [tilespmem:s30], [sflag:$0x2], $0x10, s31, s12, $0xb8;
	[tilespmem:$0xB740] =	vst v63  }
0x67: {  	s30 =	smov.u32 s26  }
0x68: {  	p1 =	sne.s32 s26, $0x8800;
	s26 =	sadd.s32 $0x800, s26;
	_ =	swait.ge [sflag:s19], $0x800  }
0x69: {  	[sflag:s19] =	ssyncset.done $0x0  }
0x6a: {  	[sflag:s19] =	ssyncadd.s32 $0xFFFFF800  }
0x6b: {  	_ =	swait.ge [sflag:s19], $0x800  }
0x6c: {  	[sflag:s19] =	ssyncset.done $0x0  }
0x6d: {  	[sflag:s19] =	ssyncadd.s32 $0xFFFFF800  }
0x6e: {  	_ =	swait.ge [sflag:s19], $0x800  }
0x6f: {  	[sflag:s19] =	ssyncset.done $0x0  }
0x70: {  	[sflag:s19] =	ssyncadd.s32 $0xFFFFF800  }
0x71: {  	_ =	swait.ge [sflag:s19], $0x800  }
0x72: {  	[sflag:s19] =	ssyncset.done $0x0  }
0x73: {  	[sflag:s19] =	ssyncadd.s32 $0xFFFFF800  }
0x74: {  	_ =	swait.ge [sflag:s0], $0x800  }
0x75: {  	[sflag:s0] =	ssyncset.done $0x0  }
0x76: {  	[sflag:s0] =	ssyncadd.s32 $0xFFFFF800  }
0x77: {  	_ =	swait.ge [sflag:s0], $0x800  }
0x78: {  	[sflag:s0] =	ssyncset.done $0x0  }
0x79: {  	[sflag:s0] =	ssyncadd.s32 $0xFFFFF800  }
0x7a: {  	_ =	swait.ge [sflag:s0], $0x800  }
0x7b: {  	[sflag:s0] =	ssyncset.done $0x0  }
0x7c: {  	[sflag:s0] =	ssyncadd.s32 $0xFFFFF800  }
0x7d: {  	_ =	swait.ge [sflag:s0], $0x800  }
0x7e: {  	s31 =	sand.u32 $0x2000, s29;
	s15 =	sshra.s32 s30, $0x2;
	[sflag:s0] =	ssyncset.done $0x0  }
0x7f: {  	s30 =	sxor.u32 $0x7000, s31;
	s17 =	sadd.s32 $0x400, s15;
	[sflag:s0] =	ssyncadd.s32 $0xFFFFF800  }
0x80: {  	[tilespmem:s30], [sflag:$0x1] =	stream.indirect.gather [hbm4b:s3+s12], $0x10, s17, s12, $0xb8;
	[tilespmem:$0xB740] =	vst v63  }
0x81: {  	s17 =	sxor.u32 $0x7800, s31;
	s30 =	sadd.s32 $0x480, s15  }
0x82: {  	[tilespmem:s17], [sflag:$0x1] =	stream.indirect.gather [hbm4b:s3+s12], $0x10, s30, s12, $0xb8;
	[tilespmem:$0xB740] =	vst v63  }
0x83: {  	s17 =	ssub.s32 $0x8000, s31;
	s30 =	sadd.s32 $0x500, s15  }
0x84: {  	[tilespmem:s17], [sflag:$0x1] =	stream.indirect.gather [hbm4b:s3+s12], $0x10, s30, s12, $0xb8;
	[tilespmem:$0xB740] =	vst v63  }
0x85: {  	s17 =	ssub.s32 $0x8800, s31;
	s30 =	sadd.s32 $0x580, s15  }
0x86: {  	[tilespmem:s17], [sflag:$0x1] =	stream.indirect.gather [hbm4b:s3+s12], $0x10, s30, s12, $0xb8;
	[tilespmem:$0xB740] =	vst v63  }
0x87: {  	s17 =	sor.u32 $0x5000, s31;
	s30 =	sadd.s32 $0x2A00, s15  }
0x88: {  	[spmem:s1] =	stream.indirect.scatter.add.f32 [tilespmem:s17], [sflag:$0x2], $0x10, s30, s12, $0xb8;
	[tilespmem:$0xB740] =	vst v63  }
.Ltmp0:
0x89: {  	s17 =	sor.u32 $0x5800, s31;
	s30 =	sadd.s32 $0x2A80, s15;
	(pc) =	sbr.rel @p1 .LBB2_2-.Ltmp0, $4  }
0x8a: {  	[spmem:s1] =	stream.indirect.scatter.add.f32 [tilespmem:s17], [sflag:$0x2], $0x10, s30, s12, $0xb8;
	[tilespmem:$0xB740] =	vst v63  }
0x8b: {  	s17 =	sadd.s32 $0x6000, s31;
	s30 =	sadd.s32 $0x2B00, s15  }
0x8c: {  	[spmem:s1] =	stream.indirect.scatter.add.f32 [tilespmem:s17], [sflag:$0x2], $0x10, s30, s12, $0xb8;
	[tilespmem:$0xB740] =	vst v63  }
0x8d: {  	s29 =	sadd.s32 $0x2000, s29;
	s30 =	sadd.s32 $0x6800, s31;
	s31 =	sadd.s32 $0x2B80, s15  }
0x8e: {  	[spmem:s1] =	stream.indirect.scatter.add.f32 [tilespmem:s30], [sflag:$0x2], $0x10, s31, s12, $0xb8;
	[tilespmem:$0xB740] =	vst v63  }
0x8f: {  	_ =	swait.ge [sflag:s19], $0x800  }
0x90: {  	[sflag:s19] =	ssyncset.done $0x0  }
0x91: {  	[sflag:s19] =	ssyncadd.s32 $0xFFFFF800  }
0x92: {  	_ =	swait.ge [sflag:s19], $0x800  }
0x93: {  	[sflag:s19] =	ssyncset.done $0x0  }
0x94: {  	[sflag:s19] =	ssyncadd.s32 $0xFFFFF800  }
0x95: {  	_ =	swait.ge [sflag:s19], $0x800  }
0x96: {  	[sflag:s19] =	ssyncset.done $0x0  }
0x97: {  	[sflag:s19] =	ssyncadd.s32 $0xFFFFF800  }
0x98: {  	_ =	swait.ge [sflag:s19], $0x800  }
0x99: {  	[sflag:s19] =	ssyncset.done $0x0  }
0x9a: {  	[sflag:s19] =	ssyncadd.s32 $0xFFFFF800  }
0x9b: {  	_ =	swait.ge [sflag:s0], $0x800  }
0x9c: {  	[sflag:s0] =	ssyncset.done $0x0  }
0x9d: {  	[sflag:s0] =	ssyncadd.s32 $0xFFFFF800  }
0x9e: {  	_ =	swait.ge [sflag:s0], $0x800  }
0x9f: {  	[sflag:s0] =	ssyncset.done $0x0  }
0xa0: {  	[sflag:s0] =	ssyncadd.s32 $0xFFFFF800  }
0xa1: {  	_ =	swait.ge [sflag:s0], $0x800  }
0xa2: {  	[sflag:s0] =	ssyncset.done $0x0  }
0xa3: {  	[sflag:s0] =	ssyncadd.s32 $0xFFFFF800  }
0xa4: {  	_ =	swait.ge [sflag:s0], $0x800  }
0xa5: {  	[sflag:s0] =	ssyncset.done $0x0  }
0xa6: {  	s15 =	simm.s32 $0x4E00;
	[sflag:s0] =	ssyncadd.s32 $0xFFFFF800  }
0xa7: {  	[spmem:s1] =	stream.indirect.scatter.add.f32 [tilespmem:s21], [sflag:$0x2], $0x10, s15, s12, $0xb8;
	[tilespmem:$0xB740] =	vst v63  }
0xa8: {  	s31 =	simm.s32 $0x4E80  }
0xa9: {  	[spmem:s1] =	stream.indirect.scatter.add.f32 [tilespmem:s23], [sflag:$0x2], $0x10, s31, s12, $0xb8;
	[tilespmem:$0xB740] =	vst v63  }
0xaa: {  	_ = 	snop  }
0xab: {  	[spmem:s1] =	stream.indirect.scatter.add.f32 [tilespmem:s25], [sflag:$0x2], $0x10, s20, s12, $0xb8;
	[tilespmem:$0xB740] =	vst v63  }
0xac: {  	_ = 	snop  }
0xad: {  	[spmem:s1] =	stream.indirect.scatter.add.f32 [tilespmem:s28], [sflag:$0x2], $0x10, s22, s12, $0xb8;
	[tilespmem:$0xB740] =	vst v63  }
0xae: {  	_ =	swait.ge [sflag:s0], $0x800  }
0xaf: {  	[sflag:s0] =	ssyncset.done $0x0  }
0xb0: {  	[sflag:s0] =	ssyncadd.s32 $0xFFFFF800  }
0xb1: {  	_ =	swait.ge [sflag:s0], $0x800  }
0xb2: {  	[sflag:s0] =	ssyncset.done $0x0  }
0xb3: {  	[sflag:s0] =	ssyncadd.s32 $0xFFFFF800  }
0xb4: {  	_ =	swait.ge [sflag:s0], $0x800  }
0xb5: {  	[sflag:s0] =	ssyncset.done $0x0  }
0xb6: {  	[sflag:s0] =	ssyncadd.s32 $0xFFFFF800  }
0xb7: {  	_ =	swait.ge [sflag:s0], $0x800  }
0xb8: {  	[sflag:s0] =	ssyncset.done $0x0  }
0xb9: {  	s24 =	sadd.s32 $0x1, s24;
	[sflag:s0] =	ssyncadd.s32 $0xFFFFF800  }
0xba: {  	p1 =	sne.s32 s24, s8;
	s15 =	simm.s32 @!p0 $0x1C03;
	[bflag:$0x0] =	sbarrier.arrive $0xFFFF  }
0xbb: {  	[hbm:s7], [sflag:s15] =	dma.local @!p0 [spmem:s11], $0x4E80  }
.Ltmp1:
0xbc: {  	_ = 	snop;
	(pc) =	sbr.rel @p1 .LBB2_1-.Ltmp1, $4  }
0xbd: {  	s15 =	simm.s32 @!p0 $0x3  }
0xbe: {  	_ =	swait.ge @!p0 [sflag:s15], $0x4E80  }
0xbf: {  	[sflag:s15] =	ssyncset.done @!p0 $0x0  }
0xc0: {  	[sflag:s15] =	ssyncadd.s32 @!p0 $0xFFFFB180  }
0xc1: {  	_ =	sfence.sel $0x180000  }
0xc2: {  	[bflag:$0x0] =	sbarrier.arrive $0xFFFF  }
0xc3: {  	_ =	strace $0x9000004D  }
0xc4: {  	[bflag:$0x2] =	sbarrier.arrive $0xFFFF  }
0xc5: {  	s0 =	rddreg [dreg:$0x3]  }
0xc6: {  	s0 =	sadd.s32 @!p0 $0x100000, s0  }
0xc7: {  	[sflag:s0] =	ssyncadd.tile.s32 @!p0 $0x1;
	_ =	shalt  }
.Lfunc_end2:
_tile_overlayer_lowered:
.L_overlay_start_2:
0xc8: {  	(tag) =	ssettag $0x2  }
0xc9: {  	s0 =	rddreg [dreg:$0x0];
	s2 =	stileid.u32  }
0xca: {  	s1 =	rddreg [dreg:$0x1];
	p0 =	sne.s32 s2, $0x0  }
0xcb: {  	s3 =	rddreg [dreg:$0x2];
	[bflag:$0x3] =	sbarrier.arrive $0xFFFF;
	s2 =	simm.s32 @!p0 $0x1C03  }
0xcc: {  	[timem:s3], [sflag:s2] =	dma.local @!p0 [hbm:s0], s1  }
0xcd: {  	s0 =	simm.s32 @!p0 $0x3  }
0xce: {  	_ =	swait.ge @!p0 [sflag:s0], s1  }
0xcf: {  	s1 =	ssub.s32 @!p0 $0x0, s1;
	[sflag:s0] =	ssyncset.done @!p0 $0x0  }
0xd0: {  	[sflag:s0] =	ssyncadd.s32 @!p0 s1  }
0xd1: {  	[bflag:$0x3] =	sbarrier.arrive $0xFFFF  }
0xd2: {  	_ =	shalt  }

</sc_bundles>
